<compile_context>
chip_gen: v7x
topology: tpu7x:2x2x1
jax: 0.10.2.dev20260603
libtpu: 0.0.44.dev20260713+nightly
codegen_flags: <defaults>
</compile_context>

<pallas_src>
import functools

import jax
import jax.numpy as jnp
from jax import lax
from jax.experimental import pallas as pl
from jax.experimental.pallas import tpu as pltpu, tpu_sc as plsc

_N = 10000
_NP = 10240
_E = 320000
_D = 128
_H = 64
_G = 64

_NC = 2
_NS = 16
_NW = _NC * _NS
_CH = 128
_ECH = _E // _CH
_NCH = _ECH // _NW
_XCH = _ECH - _NCH * _NW
_RPT = _NP // _NS
_DCH = 128
_NDC = _RPT // _DCH
_NBUF = 6


_DEGQ = 8


def _deg_body(ei_hbm, out_hbm, dst_v, dstx_v, ones_v, stage_v, semd, acc_sh):
    c = lax.axis_index("c")
    s = lax.axis_index("s")
    w = c * _NS + s

    @pl.loop(0, _RPT // 16)
    def _zero_stage(i):
        stage_v[pl.ds(i * 16, 16)] = jnp.zeros((16,), jnp.float32)

    @pl.loop(0, _CH // 16)
    def _set_ones(i):
        ones_v[pl.ds(i * 16, 16)] = jnp.ones((16,), jnp.float32)

    pltpu.sync_copy(stage_v, acc_sh.at[pl.ds(s * _RPT, _RPT)])
    pltpu.sync_copy(ei_hbm.at[1, pl.ds(w * _NCH, _NCH)], dst_v)

    @pl.when(w < _XCH)
    def _ldx():
        pltpu.sync_copy(ei_hbm.at[1, pl.ds(_NW * _NCH + w, 1)], dstx_v)

    plsc.subcore_barrier()

    @pl.loop(0, _NCH)
    def _scatter(j):
        pltpu.async_copy(ones_v, acc_sh.at[dst_v.at[j]], semd, add=True)

        @pl.when(j >= _DEGQ)
        def _dr():
            pltpu.make_async_copy(ones_v, acc_sh.at[dst_v.at[j - _DEGQ]],
                                  semd).wait()

    @pl.loop(0, _DEGQ)
    def _drain(j):
        pltpu.make_async_copy(ones_v, acc_sh.at[dst_v.at[_NCH - _DEGQ + j]],
                              semd).wait()

    @pl.when(w < _XCH)
    def _scx():
        pltpu.sync_copy(ones_v, acc_sh.at[dstx_v.at[0]], add=True)

    plsc.subcore_barrier()
    pltpu.sync_copy(acc_sh.at[pl.ds(s * _RPT, _RPT)], stage_v)
    pltpu.sync_copy(stage_v, out_hbm.at[c, pl.ds(s * _RPT, _RPT)])


@functools.lru_cache(maxsize=None)
def _get_deg_call():
    mesh = plsc.VectorSubcoreMesh(core_axis_name="c", subcore_axis_name="s",
                                  num_cores=_NC, num_subcores=_NS)
    return pl.kernel(
        _deg_body,
        out_type=jax.ShapeDtypeStruct((_NC, _NP), jnp.float32),
        mesh=mesh,
        scratch_types=[
            pltpu.VMEM((_NCH, _CH), jnp.int32),
            pltpu.VMEM((1, _CH), jnp.int32),
            pltpu.VMEM((_CH,), jnp.float32),
            pltpu.VMEM((_RPT,), jnp.float32),
            pltpu.SemaphoreType.DMA,
            pltpu.VMEM_SHARED((_NP,), jnp.float32),
        ],
        compiler_params=pltpu.CompilerParams(use_tc_tiling_on_sc=False),
    )



def _agg_body(table_hbm, ei_hbm, out_hbm,
              src_v, dst_v, srcx_v, dstx_v, rows_v, rowsx_v, stage_v,
              sem, semx, acc_sh):
    c = lax.axis_index("c")
    s = lax.axis_index("s")
    w = c * _NS + s

    @pl.loop(0, _DCH)
    def _zero_stage(r):
        for k in range(_H // 16):
            stage_v[r, pl.ds(k * 16, 16)] = jnp.zeros((16,), jnp.float32)

    @pl.loop(0, _NDC)
    def _zero_acc(t):
        pltpu.sync_copy(stage_v, acc_sh.at[pl.ds(s * _RPT + t * _DCH, _DCH)])

    pltpu.sync_copy(ei_hbm.at[0, pl.ds(w * _NCH, _NCH)], src_v)
    pltpu.sync_copy(ei_hbm.at[1, pl.ds(w * _NCH, _NCH)], dst_v)

    @pl.when(w < _XCH)
    def _ldx():
        pltpu.sync_copy(ei_hbm.at[0, pl.ds(_NW * _NCH + w, 1)], srcx_v)
        pltpu.sync_copy(ei_hbm.at[1, pl.ds(_NW * _NCH + w, 1)], dstx_v)
        pltpu.async_copy(table_hbm.at[srcx_v.at[0]], rowsx_v, semx)

    for b in range(_NBUF):
        pltpu.async_copy(table_hbm.at[src_v.at[b]], rows_v.at[b], sem.at[b])
    plsc.subcore_barrier()

    @pl.loop(0, _NCH, step=_NBUF)
    def _edges(g):
        for b in range(_NBUF):
            j = g + b
            pltpu.make_async_copy(table_hbm.at[src_v.at[j]],
                                  rows_v.at[b], sem.at[b]).wait()
            pltpu.sync_copy(rows_v.at[b], acc_sh.at[dst_v.at[j]], add=True)
            nj = j + _NBUF

            @pl.when(nj < _NCH)
            def _next():
                pltpu.async_copy(table_hbm.at[src_v.at[nj]],
                                 rows_v.at[b], sem.at[b])

    @pl.when(w < _XCH)
    def _scx():
        pltpu.make_async_copy(table_hbm.at[srcx_v.at[0]], rowsx_v, semx).wait()
        pltpu.sync_copy(rowsx_v, acc_sh.at[dstx_v.at[0]], add=True)

    plsc.subcore_barrier()

    @pl.loop(0, _NDC)
    def _dump(t):
        pltpu.sync_copy(acc_sh.at[pl.ds(s * _RPT + t * _DCH, _DCH)], stage_v)
        pltpu.sync_copy(stage_v, out_hbm.at[c, pl.ds(s * _RPT + t * _DCH, _DCH)])


@functools.lru_cache(maxsize=None)
def _get_agg_call():
    mesh = plsc.VectorSubcoreMesh(core_axis_name="c", subcore_axis_name="s",
                                  num_cores=_NC, num_subcores=_NS)
    return pl.kernel(
        _agg_body,
        out_type=jax.ShapeDtypeStruct((_NC, _NP, _H), jnp.float32),
        mesh=mesh,
        scratch_types=[
            pltpu.VMEM((_NCH, _CH), jnp.int32),
            pltpu.VMEM((_NCH, _CH), jnp.int32),
            pltpu.VMEM((1, _CH), jnp.int32),
            pltpu.VMEM((1, _CH), jnp.int32),
            pltpu.VMEM((_NBUF, _CH, _H), jnp.float32),
            pltpu.VMEM((_CH, _H), jnp.float32),
            pltpu.VMEM((_DCH, _H), jnp.float32),
            pltpu.SemaphoreType.DMA((_NBUF,)),
            pltpu.SemaphoreType.DMA,
            pltpu.VMEM_SHARED((_NP, _H), jnp.float32),
        ],
        compiler_params=pltpu.CompilerParams(use_tc_tiling_on_sc=False),
    )



_NPP = _NP // 2
_PBLK = 512
_NBLK = _NPP // _PBLK
_HP = 2 * _H


def _tc1a_body(x_ref, w1_ref, xw_ref):
    xw_ref[...] = jnp.dot(x_ref[...], w1_ref[...],
                          preferred_element_type=jnp.float32)


def _tc1a(xp, W1bd):
    return pl.pallas_call(
        _tc1a_body,
        grid=(_NBLK,),
        in_specs=[
            pl.BlockSpec((_PBLK, 2 * _D), lambda i: (i, 0)),
            pl.BlockSpec((2 * _D, _HP), lambda i: (0, 0)),
        ],
        out_specs=pl.BlockSpec((_PBLK, _HP), lambda i: (i, 0)),
        out_shape=jax.ShapeDtypeStruct((_NPP, _HP), jnp.float32),
    )(xp, W1bd)


def _tc1b_body(ind_e_ref, ind_o_ref, xw_ref, dinv_ref, t1_ref):
    dinv_e = lax.rsqrt(ind_e_ref[0, :] + ind_e_ref[1, :] + 1.0)[:, None]
    dinv_o = lax.rsqrt(ind_o_ref[0, :] + ind_o_ref[1, :] + 1.0)[:, None]
    dinvp = jnp.concatenate(
        [jnp.broadcast_to(dinv_e, (_PBLK, _H)),
         jnp.broadcast_to(dinv_o, (_PBLK, _H))], axis=1)
    dinv_ref[...] = dinvp
    t1_ref[...] = xw_ref[...] * dinvp


def _tc1b(ind_e, ind_o, xwp):
    return pl.pallas_call(
        _tc1b_body,
        grid=(_NBLK,),
        in_specs=[
            pl.BlockSpec((_NC, _PBLK), lambda i: (0, i)),
            pl.BlockSpec((_NC, _PBLK), lambda i: (0, i)),
            pl.BlockSpec((_PBLK, _HP), lambda i: (i, 0)),
        ],
        out_specs=[
            pl.BlockSpec((_PBLK, _HP), lambda i: (i, 0)),
            pl.BlockSpec((_PBLK, _HP), lambda i: (i, 0)),
        ],
        out_shape=[
            jax.ShapeDtypeStruct((_NPP, _HP), jnp.float32),
            jax.ShapeDtypeStruct((_NPP, _HP), jnp.float32),
        ],
    )(ind_e, ind_o, xwp)


def _tc2_body(agg_ref, t1_ref, dinv_ref, b1_ref, w2_ref, t2_ref):
    dinvp = dinv_ref[...]
    pre = dinvp * (agg_ref[0] + agg_ref[1] + t1_ref[...]) + b1_ref[...]
    h1 = jnp.maximum(pre, 0.0)
    t2_ref[...] = dinvp * jnp.dot(h1, w2_ref[...],
                                  preferred_element_type=jnp.float32)


def _tc2(agg1p, t1p, dinvp, b1p, W2bd):
    return pl.pallas_call(
        _tc2_body,
        out_shape=jax.ShapeDtypeStruct((_NPP, _HP), jnp.float32),
    )(agg1p, t1p, dinvp, b1p, W2bd)


def _tc3_body(agg_ref, t2_ref, dinv_ref, b2_ref, be_ref, bo_ref,
              w3_ref, b3_ref, out_ref):
    dinvp = dinv_ref[...]
    pre = dinvp * (agg_ref[0] + agg_ref[1] + t2_ref[...]) + b2_ref[...]
    h2 = jnp.maximum(pre, 0.0)
    gi = lax.broadcasted_iota(jnp.int32, (_G, _NPP), 0)
    m_e = (be_ref[...] == gi).astype(jnp.float32)
    m_o = (bo_ref[...] == gi).astype(jnp.float32)
    pe = jnp.dot(m_e, h2, preferred_element_type=jnp.float32)
    po = jnp.dot(m_o, h2, preferred_element_type=jnp.float32)
    pooled = pe[:, :_H] + po[:, _H:]
    cnt = (jnp.sum(m_e, axis=1, keepdims=True)
           + jnp.sum(m_o, axis=1, keepdims=True))
    mean = pooled / jnp.maximum(cnt, 1.0)
    out_ref[...] = jnp.dot(mean, w3_ref[...],
                           preferred_element_type=jnp.float32) + b3_ref[...]


def _tc3(agg2p, t2p, dinvp, b2p, be2, bo2, W3, b3r):
    return pl.pallas_call(
        _tc3_body,
        out_shape=jax.ShapeDtypeStruct((_G, 2), jnp.float32),
    )(agg2p, t2p, dinvp, b2p, be2, bo2, W3, b3r)



@jax.jit
def kernel(x, edge_index, batch, W1, b1, W2, b2, W3, b3):
    ei2 = edge_index.astype(jnp.int32).reshape(2, _ECH, _CH)
    xp = jnp.pad(x, ((0, _NP - _N), (0, 0))).reshape(_NPP, 2 * _D)
    batch_pad = jnp.pad(batch.astype(jnp.int32), (0, _NP - _N),
                        constant_values=_G)
    be2 = batch_pad[0::2].reshape(1, _NPP)
    bo2 = batch_pad[1::2].reshape(1, _NPP)
    eye2 = jnp.eye(2, dtype=jnp.float32)
    W1bd = jnp.kron(eye2, W1)
    W2bd = jnp.kron(eye2, W2)
    b1p = jnp.tile(b1, 2).reshape(1, _HP)
    b2p = jnp.tile(b2, 2).reshape(1, _HP)
    b3r = b3.reshape(1, 2)

    indeg2 = _get_deg_call()(ei2)
    ind_e = indeg2[:, 0::2]
    ind_o = indeg2[:, 1::2]
    xwp = _tc1a(xp, W1bd)
    dinvp, t1p = _tc1b(ind_e, ind_o, xwp)
    agg1p = _get_agg_call()(t1p.reshape(_NP, _H), ei2).reshape(_NC, _NPP, _HP)
    t2p = _tc2(agg1p, t1p, dinvp, b1p, W2bd)
    agg2p = _get_agg_call()(t2p.reshape(_NP, _H), ei2).reshape(_NC, _NPP, _HP)
    return _tc3(agg2p, t2p, dinvp, b2p, be2, bo2, W3, b3r)

# --- scband reference (transcript-rebuilt; emitter-appended) ---
"""Pipeline reference for scband-lightning-gnn-18159121728201 (READ-ONLY COPY).

The authoritative reference and input builder live on the scoring server;
editing this copy changes nothing except your own understanding.
"""

import jax, jax.numpy as jnp
import numpy as np

N = 10000
E = 320000
D = 128
H = 64
G = 64


def setup_inputs(seed: int = 0) -> dict:
    key = jax.random.key(seed)
    ks = jax.random.split(key, 9)
    x = jax.random.normal(ks[0], (N, D), dtype=jnp.float32)
    edge_index = jax.random.randint(ks[1], (2, E), 0, N)
    batch = jnp.sort(jax.random.randint(ks[2], (N,), 0, G))
    W1 = jax.random.normal(ks[3], (D, H), dtype=jnp.float32) * 0.05
    b1 = jnp.zeros((H,), dtype=jnp.float32)
    W2 = jax.random.normal(ks[4], (H, H), dtype=jnp.float32) * 0.05
    b2 = jnp.zeros((H,), dtype=jnp.float32)
    W3 = jax.random.normal(ks[5], (H, 2), dtype=jnp.float32) * 0.05
    b3 = jnp.zeros((2,), dtype=jnp.float32)
    return {"x": x, "edge_index": edge_index, "batch": batch,
            "W1": W1, "b1": b1, "W2": W2, "b2": b2, "W3": W3, "b3": b3}


def _gcn_conv(x, edge_index, W, b):
    # x' = D^{-1/2} (A + I) D^{-1/2} X W + b  (PyG GCNConv default: add self loops, sym norm)
    xw = x @ W
    loop = jnp.arange(N, dtype=edge_index.dtype)
    src = jnp.concatenate([edge_index[0], loop])
    dst = jnp.concatenate([edge_index[1], loop])
    ones = jnp.ones(src.shape[0], dtype=x.dtype)
    deg = jax.ops.segment_sum(ones, dst, num_segments=N)
    dinv = jnp.where(deg > 0, jax.lax.rsqrt(jnp.maximum(deg, 1e-12)), 0.0)
    norm = dinv[src] * dinv[dst]
    msg = jnp.take(xw, src, axis=0) * norm[:, None]
    out = jax.ops.segment_sum(msg, dst, num_segments=N)
    return out + b


def _global_mean_pool(x, batch):
    sums = jax.ops.segment_sum(x, batch, num_segments=G)
    cnts = jax.ops.segment_sum(jnp.ones((x.shape[0],), dtype=x.dtype), batch, num_segments=G)
    return sums / jnp.maximum(cnts, 1.0)[:, None]


def reference(x, edge_index, batch, W1, b1, W2, b2, W3, b3):
    h = jax.nn.relu(_gcn_conv(x, edge_index, W1, b1))
    h = jax.nn.relu(_gcn_conv(h, edge_index, W2, b2))
    pooled = _global_mean_pool(h, batch)
    return pooled @ W3 + b3

if __name__ == "__main__":
    import jax
    _d = setup_inputs()
    print(jax.jit(kernel)(*tuple(_d.values())))

</pallas_src>

<mosaic_0001>
#map = affine_map<(d0, d1) -> (0, 0, 0)>
#map1 = affine_map<(d0, d1) -> (0, 0)>
module attributes {stable_mosaic.version = 14 : i64} {
  func.func @_deg_body(%arg0: i32, %arg1: i32, %arg2: memref<2x2500x128xi32, #tpu.memory_space<hbm>>, %arg3: memref<2x10240xf32, #tpu.memory_space<hbm>>, %arg4: memref<78x128xi32, #tpu.memory_space<vmem>>, %arg5: memref<1x128xi32, #tpu.memory_space<vmem>>, %arg6: memref<128xf32, #tpu.memory_space<vmem>>, %arg7: memref<640xf32, #tpu.memory_space<vmem>>, %arg8: memref<!tpu.dma_semaphore, #tpu.memory_space<semaphore_mem>>, %arg9: memref<10240xf32, #tpu.memory_space<vmem_shared>>) attributes {dimension_semantics = [#tpu.dimension_semantics<core_parallel>, #tpu.dimension_semantics<subcore_parallel>], iteration_bounds = array<i64: 2, 16>, scalar_prefetch = 0 : i64, scratch_operands = 6 : i64, tpu.core_type = #tpu.core_type<sc_vector_subcore>, window_params = [{transform_indices = #map}, {transform_indices = #map1}]} {
    %mul3A = arith.constant 16 : i32
    %mul3A_0 = arith.muli %arg0, %mul3A : i32
    %add3A = arith.addi %mul3A_0, %arg1 : i32
    %scan3A = arith.constant 0 : i32
    %scan3A_1 = arith.constant 40 : i32
    %scan3A_2 = arith.addi %scan3A, %scan3A_1 : i32
    %scan3A_3 = arith.constant 1 : i32
    scf.for %scan3A_36 = %scan3A to %scan3A_2 step %scan3A_3  : i32 {
      %mul3A_37 = arith.constant 1 : i32
      %mul3A_38 = arith.muli %scan3A_36, %mul3A_37 : i32
      %add3A_39 = arith.constant 0 : i32
      %add3A_40 = arith.addi %add3A_39, %mul3A_38 : i32
      %broadcast_in_dim3A = arith.constant 0.000000e+00 : f32
      %broadcast_in_dim3A_41 = vector.broadcast %broadcast_in_dim3A : f32 to vector<16xf32>
      %mul3A_42 = arith.constant 16 : i32
      %mul3A_43 = arith.muli %add3A_40, %mul3A_42 : i32
      %swap3A = arith.index_cast %mul3A_43 : i32 to index
      %swap3A_44 = tpu.vector_load %arg7[%swap3A] {strides = array<i32>} : memref<640xf32, #tpu.memory_space<vmem>>, vector<16xf32>,
      %swap3A_45 = vector.shape_cast %swap3A_44 : vector<16xf32> to vector<16xf32>
      %swap3A_46 = vector.shape_cast %broadcast_in_dim3A_41 : vector<16xf32> to vector<16xf32>
      tpu.vector_store %arg7[%swap3A], %swap3A_46 {strides = array<i32>} : memref<640xf32, #tpu.memory_space<vmem>>, vector<16xf32>,
    }
    %scan3A_4 = arith.constant 40 : i32
    %scan3A_5 = arith.constant 0 : i32
    %scan3A_6 = arith.constant 8 : i32
    %scan3A_7 = arith.addi %scan3A_5, %scan3A_6 : i32
    %scan3A_8 = arith.constant 1 : i32
    scf.for %scan3A_36 = %scan3A_5 to %scan3A_7 step %scan3A_8  : i32 {
      %mul3A_37 = arith.constant 1 : i32
      %mul3A_38 = arith.muli %scan3A_36, %mul3A_37 : i32
      %add3A_39 = arith.constant 0 : i32
      %add3A_40 = arith.addi %add3A_39, %mul3A_38 : i32
      %broadcast_in_dim3A = arith.constant 1.000000e+00 : f32
      %broadcast_in_dim3A_41 = vector.broadcast %broadcast_in_dim3A : f32 to vector<16xf32>
      %mul3A_42 = arith.constant 16 : i32
      %mul3A_43 = arith.muli %add3A_40, %mul3A_42 : i32
      %swap3A = arith.index_cast %mul3A_43 : i32 to index
      %swap3A_44 = tpu.vector_load %arg6[%swap3A] {strides = array<i32>} : memref<128xf32, #tpu.memory_space<vmem>>, vector<16xf32>,
      %swap3A_45 = vector.shape_cast %swap3A_44 : vector<16xf32> to vector<16xf32>
      %swap3A_46 = vector.shape_cast %broadcast_in_dim3A_41 : vector<16xf32> to vector<16xf32>
      tpu.vector_store %arg6[%swap3A], %swap3A_46 {strides = array<i32>} : memref<128xf32, #tpu.memory_space<vmem>>, vector<16xf32>,
    }
    %scan3A_9 = arith.constant 8 : i32
    %mul3A_10 = arith.constant 640 : i32
    %mul3A_11 = arith.muli %arg1, %mul3A_10 : i32
    "tpu.region"() ({
      %run_scoped3A_36 = tpu.sem_alloc : memref<!tpu.dma_semaphore, #tpu.memory_space<semaphore_mem>>
      %dma_start3A = tpu.memref_slice %arg9[%mul3A_11] : memref<10240xf32, #tpu.memory_space<vmem_shared>> -> memref<640xf32, #tpu.memory_space<vmem_shared>>
      %dma_start3A_37 = tpu.memref_slice %arg9[%mul3A_11] : memref<10240xf32, #tpu.memory_space<vmem_shared>> -> memref<640xf32, #tpu.memory_space<vmem_shared>>
      tpu.enqueue_dma source(%arg7 : memref<640xf32, #tpu.memory_space<vmem>>) target(%dma_start3A_37 : memref<640xf32, #tpu.memory_space<vmem_shared>>) target_semaphore(%run_scoped3A_36 : memref<!tpu.dma_semaphore, #tpu.memory_space<semaphore_mem>>)
      %dma_wait3A = tpu.memref_slice %arg9[%mul3A_11] : memref<10240xf32, #tpu.memory_space<vmem_shared>> -> memref<640xf32, #tpu.memory_space<vmem_shared>>
      %dma_wait3A_38 = tpu.memref_slice %arg9[%mul3A_11] : memref<10240xf32, #tpu.memory_space<vmem_shared>> -> memref<640xf32, #tpu.memory_space<vmem_shared>>
      tpu.wait_dma2 semaphore(%run_scoped3A_36 : memref<!tpu.dma_semaphore, #tpu.memory_space<semaphore_mem>>) src(%arg7 : memref<640xf32, #tpu.memory_space<vmem>>) dst(%dma_wait3A_38 : memref<640xf32, #tpu.memory_space<vmem_shared>>)
      tpu.yield
    }) : () -> ()
    %mul3A_12 = arith.constant 78 : i32
    %mul3A_13 = arith.muli %add3A, %mul3A_12 : i32
    %run_scoped3A = arith.constant 1 : i32
    "tpu.region"() ({
      %run_scoped3A_36 = tpu.sem_alloc : memref<!tpu.dma_semaphore, #tpu.memory_space<semaphore_mem>>
      %dma_start3A = arith.constant 0 : i32
      %dma_start3A_37 = tpu.memref_slice %arg2[%run_scoped3A, %mul3A_13, %dma_start3A] : memref<2x2500x128xi32, #tpu.memory_space<hbm>> -> memref<1x78x128xi32, #tpu.memory_space<hbm>>
      %dma_start3A_38 = tpu.memref_squeeze %dma_start3A_37 : memref<1x78x128xi32, #tpu.memory_space<hbm>> -> memref<78x128xi32, #tpu.memory_space<hbm>>
      %dma_start3A_39 = arith.constant 0 : i32
      %dma_start3A_40 = tpu.memref_slice %arg2[%run_scoped3A, %mul3A_13, %dma_start3A_39] : memref<2x2500x128xi32, #tpu.memory_space<hbm>> -> memref<1x78x128xi32, #tpu.memory_space<hbm>>
      %dma_start3A_41 = tpu.memref_squeeze %dma_start3A_40 : memref<1x78x128xi32, #tpu.memory_space<hbm>> -> memref<78x128xi32, #tpu.memory_space<hbm>>
      tpu.enqueue_dma source(%dma_start3A_41 : memref<78x128xi32, #tpu.memory_space<hbm>>) target(%arg4 : memref<78x128xi32, #tpu.memory_space<vmem>>) target_semaphore(%run_scoped3A_36 : memref<!tpu.dma_semaphore, #tpu.memory_space<semaphore_mem>>)
      %dma_wait3A = arith.constant 0 : i32
      %dma_wait3A_42 = tpu.memref_slice %arg2[%run_scoped3A, %mul3A_13, %dma_wait3A] : memref<2x2500x128xi32, #tpu.memory_space<hbm>> -> memref<1x78x128xi32, #tpu.memory_space<hbm>>
      %dma_wait3A_43 = tpu.memref_squeeze %dma_wait3A_42 : memref<1x78x128xi32, #tpu.memory_space<hbm>> -> memref<78x128xi32, #tpu.memory_space<hbm>>
      %dma_wait3A_44 = arith.constant 0 : i32
      %dma_wait3A_45 = tpu.memref_slice %arg2[%run_scoped3A, %mul3A_13, %dma_wait3A_44] : memref<2x2500x128xi32, #tpu.memory_space<hbm>> -> memref<1x78x128xi32, #tpu.memory_space<hbm>>
      %dma_wait3A_46 = tpu.memref_squeeze %dma_wait3A_45 : memref<1x78x128xi32, #tpu.memory_space<hbm>> -> memref<78x128xi32, #tpu.memory_space<hbm>>
      tpu.wait_dma2 semaphore(%run_scoped3A_36 : memref<!tpu.dma_semaphore, #tpu.memory_space<semaphore_mem>>) src(%dma_wait3A_46 : memref<78x128xi32, #tpu.memory_space<hbm>>) dst(%arg4 : memref<78x128xi32, #tpu.memory_space<vmem>>)
      tpu.yield
    }) : () -> ()
    %lt3A = arith.constant 4 : i32
    %lt3A_14 = arith.cmpi slt, %add3A, %lt3A : i32
    %convert_element_type3A = arith.extui %lt3A_14 : i1 to i32
    %cond3A = arith.constant 0 : i32
    %cond3A_15 = arith.cmpi ne, %convert_element_type3A, %cond3A : i32
    scf.if %cond3A_15 {
      %add3A_36 = arith.constant 2496 : i32
      %add3A_37 = arith.addi %add3A_36, %add3A : i32
      %run_scoped3A_38 = arith.constant 1 : i32
      "tpu.region"() ({
        %run_scoped3A_39 = tpu.sem_alloc : memref<!tpu.dma_semaphore, #tpu.memory_space<semaphore_mem>>
        %dma_start3A = arith.constant 0 : i32
        %dma_start3A_40 = tpu.memref_slice %arg2[%run_scoped3A_38, %add3A_37, %dma_start3A] : memref<2x2500x128xi32, #tpu.memory_space<hbm>> -> memref<1x1x128xi32, #tpu.memory_space<hbm>>
        %dma_start3A_41 = tpu.memref_squeeze %dma_start3A_40 : memref<1x1x128xi32, #tpu.memory_space<hbm>> -> memref<1x128xi32, #tpu.memory_space<hbm>>
        %dma_start3A_42 = arith.constant 0 : i32
        %dma_start3A_43 = tpu.memref_slice %arg2[%run_scoped3A_38, %add3A_37, %dma_start3A_42] : memref<2x2500x128xi32, #tpu.memory_space<hbm>> -> memref<1x1x128xi32, #tpu.memory_space<hbm>>
        %dma_start3A_44 = tpu.memref_squeeze %dma_start3A_43 : memref<1x1x128xi32, #tpu.memory_space<hbm>> -> memref<1x128xi32, #tpu.memory_space<hbm>>
        tpu.enqueue_dma source(%dma_start3A_44 : memref<1x128xi32, #tpu.memory_space<hbm>>) target(%arg5 : memref<1x128xi32, #tpu.memory_space<vmem>>) target_semaphore(%run_scoped3A_39 : memref<!tpu.dma_semaphore, #tpu.memory_space<semaphore_mem>>)
        %dma_wait3A = arith.constant 0 : i32
        %dma_wait3A_45 = tpu.memref_slice %arg2[%run_scoped3A_38, %add3A_37, %dma_wait3A] : memref<2x2500x128xi32, #tpu.memory_space<hbm>> -> memref<1x1x128xi32, #tpu.memory_space<hbm>>
        %dma_wait3A_46 = tpu.memref_squeeze %dma_wait3A_45 : memref<1x1x128xi32, #tpu.memory_space<hbm>> -> memref<1x128xi32, #tpu.memory_space<hbm>>
        %dma_wait3A_47 = arith.constant 0 : i32
        %dma_wait3A_48 = tpu.memref_slice %arg2[%run_scoped3A_38, %add3A_37, %dma_wait3A_47] : memref<2x2500x128xi32, #tpu.memory_space<hbm>> -> memref<1x1x128xi32, #tpu.memory_space<hbm>>
        %dma_wait3A_49 = tpu.memref_squeeze %dma_wait3A_48 : memref<1x1x128xi32, #tpu.memory_space<hbm>> -> memref<1x128xi32, #tpu.memory_space<hbm>>
        tpu.wait_dma2 semaphore(%run_scoped3A_39 : memref<!tpu.dma_semaphore, #tpu.memory_space<semaphore_mem>>) src(%dma_wait3A_49 : memref<1x128xi32, #tpu.memory_space<hbm>>) dst(%arg5 : memref<1x128xi32, #tpu.memory_space<vmem>>)
        tpu.yield
      }) : () -> ()
    } else {
    }
    %barrier3A = arith.constant 0 : index
    tpu.barrier barrier_id(%barrier3A)
    %scan3A_16 = arith.constant 0 : i32
    %scan3A_17 = arith.constant 78 : i32
    %scan3A_18 = arith.addi %scan3A_16, %scan3A_17 : i32
    %scan3A_19 = arith.constant 1 : i32
    scf.for %scan3A_36 = %scan3A_16 to %scan3A_18 step %scan3A_19  : i32 {
      %mul3A_37 = arith.constant 1 : i32
      %mul3A_38 = arith.muli %scan3A_36, %mul3A_37 : i32
      %add3A_39 = arith.constant 0 : i32
      %add3A_40 = arith.addi %add3A_39, %mul3A_38 : i32
      %dma_start3A = arith.constant 0 : i32
      %dma_start3A_41 = tpu.memref_slice %arg4[%add3A_40, %dma_start3A] : memref<78x128xi32, #tpu.memory_space<vmem>> -> memref<1x128xi32, #tpu.memory_space<vmem>>
      %dma_start3A_42 = tpu.memref_squeeze %dma_start3A_41 : memref<1x128xi32, #tpu.memory_space<vmem>> -> memref<128xi32, #tpu.memory_space<vmem>>
      %dma_start3A_43 = arith.constant 0 : i32
      %dma_start3A_44 = tpu.memref_slice %arg9[%dma_start3A_43] : memref<10240xf32, #tpu.memory_space<vmem_shared>> -> memref<10240xf32, #tpu.memory_space<vmem_shared>>
      tpu.enqueue_indirect_dma source(%arg6 : memref<128xf32, #tpu.memory_space<vmem>>) target(%dma_start3A_44 : memref<10240xf32, #tpu.memory_space<vmem_shared>>) offsets(%dma_start3A_42 : memref<128xi32, #tpu.memory_space<vmem>>) semaphore(%arg8 : memref<!tpu.dma_semaphore, #tpu.memory_space<semaphore_mem>>) {add = true}
      %ge3A = arith.constant 8 : i32
      %ge3A_45 = arith.cmpi sge, %add3A_40, %ge3A : i32
      %convert_element_type3A_46 = arith.extui %ge3A_45 : i1 to i32
      %cond3A_47 = arith.constant 0 : i32
      %cond3A_48 = arith.cmpi ne, %convert_element_type3A_46, %cond3A_47 : i32
      scf.if %cond3A_48 {
        %sub3A = arith.constant 8 : i32
        %sub3A_49 = arith.subi %add3A_40, %sub3A : i32
        %dma_wait3A = arith.constant 0 : i32
        %dma_wait3A_50 = tpu.memref_slice %arg4[%sub3A_49, %dma_wait3A] : memref<78x128xi32, #tpu.memory_space<vmem>> -> memref<1x128xi32, #tpu.memory_space<vmem>>
        %dma_wait3A_51 = tpu.memref_squeeze %dma_wait3A_50 : memref<1x128xi32, #tpu.memory_space<vmem>> -> memref<128xi32, #tpu.memory_space<vmem>>
        %dma_wait3A_52 = arith.constant 0 : i32
        %dma_wait3A_53 = tpu.memref_slice %arg9[%dma_wait3A_52] : memref<10240xf32, #tpu.memory_space<vmem_shared>> -> memref<10240xf32, #tpu.memory_space<vmem_shared>>
        tpu.wait_indirect_dma semaphore(%arg8 : memref<!tpu.dma_semaphore, #tpu.memory_space<semaphore_mem>>) src(%arg6 : memref<128xf32, #tpu.memory_space<vmem>>) dst(%dma_wait3A_53 : memref<10240xf32, #tpu.memory_space<vmem_shared>>)
      } else {
      }
    }
    %scan3A_20 = arith.constant 78 : i32
    %scan3A_21 = arith.constant 0 : i32
    %scan3A_22 = arith.constant 8 : i32
    %scan3A_23 = arith.addi %scan3A_21, %scan3A_22 : i32
    %scan3A_24 = arith.constant 1 : i32
    scf.for %scan3A_36 = %scan3A_21 to %scan3A_23 step %scan3A_24  : i32 {
      %mul3A_37 = arith.constant 1 : i32
      %mul3A_38 = arith.muli %scan3A_36, %mul3A_37 : i32
      %add3A_39 = arith.constant 0 : i32
      %add3A_40 = arith.addi %add3A_39, %mul3A_38 : i32
      %add3A_41 = arith.constant 70 : i32
      %add3A_42 = arith.addi %add3A_41, %add3A_40 : i32
      %dma_wait3A = arith.constant 0 : i32
      %dma_wait3A_43 = tpu.memref_slice %arg4[%add3A_42, %dma_wait3A] : memref<78x128xi32, #tpu.memory_space<vmem>> -> memref<1x128xi32, #tpu.memory_space<vmem>>
      %dma_wait3A_44 = tpu.memref_squeeze %dma_wait3A_43 : memref<1x128xi32, #tpu.memory_space<vmem>> -> memref<128xi32, #tpu.memory_space<vmem>>
      %dma_wait3A_45 = arith.constant 0 : i32
      %dma_wait3A_46 = tpu.memref_slice %arg9[%dma_wait3A_45] : memref<10240xf32, #tpu.memory_space<vmem_shared>> -> memref<10240xf32, #tpu.memory_space<vmem_shared>>
      tpu.wait_indirect_dma semaphore(%arg8 : memref<!tpu.dma_semaphore, #tpu.memory_space<semaphore_mem>>) src(%arg6 : memref<128xf32, #tpu.memory_space<vmem>>) dst(%dma_wait3A_46 : memref<10240xf32, #tpu.memory_space<vmem_shared>>)
    }
    %scan3A_25 = arith.constant 8 : i32
    %lt3A_26 = arith.constant 4 : i32
    %lt3A_27 = arith.cmpi slt, %add3A, %lt3A_26 : i32
    %convert_element_type3A_28 = arith.extui %lt3A_27 : i1 to i32
    %cond3A_29 = arith.constant 0 : i32
    %cond3A_30 = arith.cmpi ne, %convert_element_type3A_28, %cond3A_29 : i32
    scf.if %cond3A_30 {
      %run_scoped3A_36 = arith.constant 0 : i32
      "tpu.region"() ({
        %run_scoped3A_37 = tpu.sem_alloc : memref<!tpu.dma_semaphore, #tpu.memory_space<semaphore_mem>>
        %dma_start3A = arith.constant 0 : i32
        %dma_start3A_38 = tpu.memref_slice %arg5[%run_scoped3A_36, %dma_start3A] : memref<1x128xi32, #tpu.memory_space<vmem>> -> memref<1x128xi32, #tpu.memory_space<vmem>>
        %dma_start3A_39 = tpu.memref_squeeze %dma_start3A_38 : memref<1x128xi32, #tpu.memory_space<vmem>> -> memref<128xi32, #tpu.memory_space<vmem>>
        %dma_start3A_40 = arith.constant 0 : i32
        %dma_start3A_41 = tpu.memref_slice %arg9[%dma_start3A_40] : memref<10240xf32, #tpu.memory_space<vmem_shared>> -> memref<10240xf32, #tpu.memory_space<vmem_shared>>
        tpu.enqueue_indirect_dma source(%arg6 : memref<128xf32, #tpu.memory_space<vmem>>) target(%dma_start3A_41 : memref<10240xf32, #tpu.memory_space<vmem_shared>>) offsets(%dma_start3A_39 : memref<128xi32, #tpu.memory_space<vmem>>) semaphore(%run_scoped3A_37 : memref<!tpu.dma_semaphore, #tpu.memory_space<semaphore_mem>>) {add = true}
        %dma_wait3A = arith.constant 0 : i32
        %dma_wait3A_42 = tpu.memref_slice %arg5[%run_scoped3A_36, %dma_wait3A] : memref<1x128xi32, #tpu.memory_space<vmem>> -> memref<1x128xi32, #tpu.memory_space<vmem>>
        %dma_wait3A_43 = tpu.memref_squeeze %dma_wait3A_42 : memref<1x128xi32, #tpu.memory_space<vmem>> -> memref<128xi32, #tpu.memory_space<vmem>>
        %dma_wait3A_44 = arith.constant 0 : i32
        %dma_wait3A_45 = tpu.memref_slice %arg9[%dma_wait3A_44] : memref<10240xf32, #tpu.memory_space<vmem_shared>> -> memref<10240xf32, #tpu.memory_space<vmem_shared>>
        tpu.wait_indirect_dma semaphore(%run_scoped3A_37 : memref<!tpu.dma_semaphore, #tpu.memory_space<semaphore_mem>>) src(%arg6 : memref<128xf32, #tpu.memory_space<vmem>>) dst(%dma_wait3A_45 : memref<10240xf32, #tpu.memory_space<vmem_shared>>)
        tpu.yield
      }) : () -> ()
    } else {
    }
    %barrier3A_31 = arith.constant 0 : index
    tpu.barrier barrier_id(%barrier3A_31)
    %mul3A_32 = arith.constant 640 : i32
    %mul3A_33 = arith.muli %arg1, %mul3A_32 : i32
    "tpu.region"() ({
      %run_scoped3A_36 = tpu.sem_alloc : memref<!tpu.dma_semaphore, #tpu.memory_space<semaphore_mem>>
      %dma_start3A = tpu.memref_slice %arg9[%mul3A_33] : memref<10240xf32, #tpu.memory_space<vmem_shared>> -> memref<640xf32, #tpu.memory_space<vmem_shared>>
      %dma_start3A_37 = tpu.memref_slice %arg9[%mul3A_33] : memref<10240xf32, #tpu.memory_space<vmem_shared>> -> memref<640xf32, #tpu.memory_space<vmem_shared>>
      tpu.enqueue_dma source(%dma_start3A_37 : memref<640xf32, #tpu.memory_space<vmem_shared>>) target(%arg7 : memref<640xf32, #tpu.memory_space<vmem>>) target_semaphore(%run_scoped3A_36 : memref<!tpu.dma_semaphore, #tpu.memory_space<semaphore_mem>>)
      %dma_wait3A = tpu.memref_slice %arg9[%mul3A_33] : memref<10240xf32, #tpu.memory_space<vmem_shared>> -> memref<640xf32, #tpu.memory_space<vmem_shared>>
      %dma_wait3A_38 = tpu.memref_slice %arg9[%mul3A_33] : memref<10240xf32, #tpu.memory_space<vmem_shared>> -> memref<640xf32, #tpu.memory_space<vmem_shared>>
      tpu.wait_dma2 semaphore(%run_scoped3A_36 : memref<!tpu.dma_semaphore, #tpu.memory_space<semaphore_mem>>) src(%dma_wait3A_38 : memref<640xf32, #tpu.memory_space<vmem_shared>>) dst(%arg7 : memref<640xf32, #tpu.memory_space<vmem>>)
      tpu.yield
    }) : () -> ()
    %mul3A_34 = arith.constant 640 : i32
    %mul3A_35 = arith.muli %arg1, %mul3A_34 : i32
    "tpu.region"() ({
      %run_scoped3A_36 = tpu.sem_alloc : memref<!tpu.dma_semaphore, #tpu.memory_space<semaphore_mem>>
      %dma_start3A = tpu.memref_slice %arg3[%arg0, %mul3A_35] : memref<2x10240xf32, #tpu.memory_space<hbm>> -> memref<1x640xf32, #tpu.memory_space<hbm>>
      %dma_start3A_37 = tpu.memref_squeeze %dma_start3A : memref<1x640xf32, #tpu.memory_space<hbm>> -> memref<640xf32, #tpu.memory_space<hbm>>
      %dma_start3A_38 = tpu.memref_slice %arg3[%arg0, %mul3A_35] : memref<2x10240xf32, #tpu.memory_space<hbm>> -> memref<1x640xf32, #tpu.memory_space<hbm>>
      %dma_start3A_39 = tpu.memref_squeeze %dma_start3A_38 : memref<1x640xf32, #tpu.memory_space<hbm>> -> memref<640xf32, #tpu.memory_space<hbm>>
      tpu.enqueue_dma source(%arg7 : memref<640xf32, #tpu.memory_space<vmem>>) target(%dma_start3A_39 : memref<640xf32, #tpu.memory_space<hbm>>) target_semaphore(%run_scoped3A_36 : memref<!tpu.dma_semaphore, #tpu.memory_space<semaphore_mem>>)
      %dma_wait3A = tpu.memref_slice %arg3[%arg0, %mul3A_35] : memref<2x10240xf32, #tpu.memory_space<hbm>> -> memref<1x640xf32, #tpu.memory_space<hbm>>
      %dma_wait3A_40 = tpu.memref_squeeze %dma_wait3A : memref<1x640xf32, #tpu.memory_space<hbm>> -> memref<640xf32, #tpu.memory_space<hbm>>
      %dma_wait3A_41 = tpu.memref_slice %arg3[%arg0, %mul3A_35] : memref<2x10240xf32, #tpu.memory_space<hbm>> -> memref<1x640xf32, #tpu.memory_space<hbm>>
      %dma_wait3A_42 = tpu.memref_squeeze %dma_wait3A_41 : memref<1x640xf32, #tpu.memory_space<hbm>> -> memref<640xf32, #tpu.memory_space<hbm>>
      tpu.wait_dma2 semaphore(%run_scoped3A_36 : memref<!tpu.dma_semaphore, #tpu.memory_space<semaphore_mem>>) src(%arg7 : memref<640xf32, #tpu.memory_space<vmem>>) dst(%dma_wait3A_42 : memref<640xf32, #tpu.memory_space<hbm>>)
      tpu.yield
    }) : () -> ()
    return
  }
}

#map = affine_map<(d0, d1) -> (0, 0)>
#map1 = affine_map<(d0, d1) -> (0, 0, 0)>
module attributes {stable_mosaic.version = 14 : i64} {
  func.func @_agg_body(%arg0: i32, %arg1: i32, %arg2: memref<10240x64xf32, #tpu.memory_space<hbm>>, %arg3: memref<2x2500x128xi32, #tpu.memory_space<hbm>>, %arg4: memref<2x10240x64xf32, #tpu.memory_space<hbm>>, %arg5: memref<78x128xi32, #tpu.memory_space<vmem>>, %arg6: memref<78x128xi32, #tpu.memory_space<vmem>>, %arg7: memref<1x128xi32, #tpu.memory_space<vmem>>, %arg8: memref<1x128xi32, #tpu.memory_space<vmem>>, %arg9: memref<6x128x64xf32, #tpu.memory_space<vmem>>, %arg10: memref<128x64xf32, #tpu.memory_space<vmem>>, %arg11: memref<128x64xf32, #tpu.memory_space<vmem>>, %arg12: memref<6x!tpu.dma_semaphore, #tpu.memory_space<semaphore_mem>>, %arg13: memref<!tpu.dma_semaphore, #tpu.memory_space<semaphore_mem>>, %arg14: memref<10240x64xf32, #tpu.memory_space<vmem_shared>>) attributes {dimension_semantics = [#tpu.dimension_semantics<core_parallel>, #tpu.dimension_semantics<subcore_parallel>], iteration_bounds = array<i64: 2, 16>, scalar_prefetch = 0 : i64, scratch_operands = 10 : i64, tpu.core_type = #tpu.core_type<sc_vector_subcore>, window_params = [{transform_indices = #map}, {transform_indices = #map1}, {transform_indices = #map1}]} {
    %mul3A = arith.constant 16 : i32
    %mul3A_0 = arith.muli %arg0, %mul3A : i32
    %add3A = arith.addi %mul3A_0, %arg1 : i32
    %scan3A = arith.constant 0 : i32
    %scan3A_1 = arith.constant 128 : i32
    %scan3A_2 = arith.addi %scan3A, %scan3A_1 : i32
    %scan3A_3 = arith.constant 1 : i32
    scf.for %scan3A_122 = %scan3A to %scan3A_2 step %scan3A_3  : i32 {
      %mul3A_123 = arith.constant 1 : i32
      %mul3A_124 = arith.muli %scan3A_122, %mul3A_123 : i32
      %add3A_125 = arith.constant 0 : i32
      %add3A_126 = arith.addi %add3A_125, %mul3A_124 : i32
      %broadcast_in_dim3A = arith.constant 0.000000e+00 : f32
      %broadcast_in_dim3A_127 = vector.broadcast %broadcast_in_dim3A : f32 to vector<16xf32>
      %swap3A = arith.index_cast %add3A_126 : i32 to index
      %swap3A_128 = arith.constant 0 : index
      %swap3A_129 = tpu.vector_load %arg11[%swap3A, %swap3A_128] {strides = array<i32>} : memref<128x64xf32, #tpu.memory_space<vmem>>, vector<1x16xf32>,
      %swap3A_130 = vector.shape_cast %swap3A_129 : vector<1x16xf32> to vector<16xf32>
      %swap3A_131 = vector.shape_cast %broadcast_in_dim3A_127 : vector<16xf32> to vector<1x16xf32>
      tpu.vector_store %arg11[%swap3A, %swap3A_128], %swap3A_131 {strides = array<i32>} : memref<128x64xf32, #tpu.memory_space<vmem>>, vector<1x16xf32>,
      %broadcast_in_dim3A_132 = arith.constant 0.000000e+00 : f32
      %broadcast_in_dim3A_133 = vector.broadcast %broadcast_in_dim3A_132 : f32 to vector<16xf32>
      %swap3A_134 = arith.index_cast %add3A_126 : i32 to index
      %swap3A_135 = arith.constant 16 : index
      %swap3A_136 = tpu.vector_load %arg11[%swap3A_134, %swap3A_135] {strides = array<i32>} : memref<128x64xf32, #tpu.memory_space<vmem>>, vector<1x16xf32>,
      %swap3A_137 = vector.shape_cast %swap3A_136 : vector<1x16xf32> to vector<16xf32>
      %swap3A_138 = vector.shape_cast %broadcast_in_dim3A_133 : vector<16xf32> to vector<1x16xf32>
      tpu.vector_store %arg11[%swap3A_134, %swap3A_135], %swap3A_138 {strides = array<i32>} : memref<128x64xf32, #tpu.memory_space<vmem>>, vector<1x16xf32>,
      %broadcast_in_dim3A_139 = arith.constant 0.000000e+00 : f32
      %broadcast_in_dim3A_140 = vector.broadcast %broadcast_in_dim3A_139 : f32 to vector<16xf32>
      %swap3A_141 = arith.index_cast %add3A_126 : i32 to index
      %swap3A_142 = arith.constant 32 : index
      %swap3A_143 = tpu.vector_load %arg11[%swap3A_141, %swap3A_142] {strides = array<i32>} : memref<128x64xf32, #tpu.memory_space<vmem>>, vector<1x16xf32>,
      %swap3A_144 = vector.shape_cast %swap3A_143 : vector<1x16xf32> to vector<16xf32>
      %swap3A_145 = vector.shape_cast %broadcast_in_dim3A_140 : vector<16xf32> to vector<1x16xf32>
      tpu.vector_store %arg11[%swap3A_141, %swap3A_142], %swap3A_145 {strides = array<i32>} : memref<128x64xf32, #tpu.memory_space<vmem>>, vector<1x16xf32>,
      %broadcast_in_dim3A_146 = arith.constant 0.000000e+00 : f32
      %broadcast_in_dim3A_147 = vector.broadcast %broadcast_in_dim3A_146 : f32 to vector<16xf32>
      %swap3A_148 = arith.index_cast %add3A_126 : i32 to index
      %swap3A_149 = arith.constant 48 : index
      %swap3A_150 = tpu.vector_load %arg11[%swap3A_148, %swap3A_149] {strides = array<i32>} : memref<128x64xf32, #tpu.memory_space<vmem>>, vector<1x16xf32>,
      %swap3A_151 = vector.shape_cast %swap3A_150 : vector<1x16xf32> to vector<16xf32>
      %swap3A_152 = vector.shape_cast %broadcast_in_dim3A_147 : vector<16xf32> to vector<1x16xf32>
      tpu.vector_store %arg11[%swap3A_148, %swap3A_149], %swap3A_152 {strides = array<i32>} : memref<128x64xf32, #tpu.memory_space<vmem>>, vector<1x16xf32>,
    }
    %scan3A_4 = arith.constant 128 : i32
    %scan3A_5 = arith.constant 0 : i32
    %scan3A_6 = arith.constant 5 : i32
    %scan3A_7 = arith.addi %scan3A_5, %scan3A_6 : i32
    %scan3A_8 = arith.constant 1 : i32
    scf.for %scan3A_122 = %scan3A_5 to %scan3A_7 step %scan3A_8  : i32 {
      %mul3A_123 = arith.constant 1 : i32
      %mul3A_124 = arith.muli %scan3A_122, %mul3A_123 : i32
      %add3A_125 = arith.constant 0 : i32
      %add3A_126 = arith.addi %add3A_125, %mul3A_124 : i32
      %mul3A_127 = arith.constant 640 : i32
      %mul3A_128 = arith.muli %arg1, %mul3A_127 : i32
      %mul3A_129 = arith.constant 128 : i32
      %mul3A_130 = arith.muli %add3A_126, %mul3A_129 : i32
      %add3A_131 = arith.addi %mul3A_128, %mul3A_130 : i32
      "tpu.region"() ({
        %run_scoped3A_132 = tpu.sem_alloc : memref<!tpu.dma_semaphore, #tpu.memory_space<semaphore_mem>>
        %dma_start3A_133 = arith.constant 0 : i32
        %dma_start3A_134 = tpu.memref_slice %arg14[%add3A_131, %dma_start3A_133] : memref<10240x64xf32, #tpu.memory_space<vmem_shared>> -> memref<128x64xf32, #tpu.memory_space<vmem_shared>>
        %dma_start3A_135 = arith.constant 0 : i32
        %dma_start3A_136 = tpu.memref_slice %arg14[%add3A_131, %dma_start3A_135] : memref<10240x64xf32, #tpu.memory_space<vmem_shared>> -> memref<128x64xf32, #tpu.memory_space<vmem_shared>>
        tpu.enqueue_dma source(%arg11 : memref<128x64xf32, #tpu.memory_space<vmem>>) target(%dma_start3A_136 : memref<128x64xf32, #tpu.memory_space<vmem_shared>>) target_semaphore(%run_scoped3A_132 : memref<!tpu.dma_semaphore, #tpu.memory_space<semaphore_mem>>)
        %dma_wait3A = arith.constant 0 : i32
        %dma_wait3A_137 = tpu.memref_slice %arg14[%add3A_131, %dma_wait3A] : memref<10240x64xf32, #tpu.memory_space<vmem_shared>> -> memref<128x64xf32, #tpu.memory_space<vmem_shared>>
        %dma_wait3A_138 = arith.constant 0 : i32
        %dma_wait3A_139 = tpu.memref_slice %arg14[%add3A_131, %dma_wait3A_138] : memref<10240x64xf32, #tpu.memory_space<vmem_shared>> -> memref<128x64xf32, #tpu.memory_space<vmem_shared>>
        tpu.wait_dma2 semaphore(%run_scoped3A_132 : memref<!tpu.dma_semaphore, #tpu.memory_space<semaphore_mem>>) src(%arg11 : memref<128x64xf32, #tpu.memory_space<vmem>>) dst(%dma_wait3A_139 : memref<128x64xf32, #tpu.memory_space<vmem_shared>>)
        tpu.yield
      }) : () -> ()
    }
    %scan3A_9 = arith.constant 5 : i32
    %mul3A_10 = arith.constant 78 : i32
    %mul3A_11 = arith.muli %add3A, %mul3A_10 : i32
    %run_scoped3A = arith.constant 0 : i32
    "tpu.region"() ({
      %run_scoped3A_122 = tpu.sem_alloc : memref<!tpu.dma_semaphore, #tpu.memory_space<semaphore_mem>>
      %dma_start3A_123 = arith.constant 0 : i32
      %dma_start3A_124 = tpu.memref_slice %arg3[%run_scoped3A, %mul3A_11, %dma_start3A_123] : memref<2x2500x128xi32, #tpu.memory_space<hbm>> -> memref<1x78x128xi32, #tpu.memory_space<hbm>>
      %dma_start3A_125 = tpu.memref_squeeze %dma_start3A_124 : memref<1x78x128xi32, #tpu.memory_space<hbm>> -> memref<78x128xi32, #tpu.memory_space<hbm>>
      %dma_start3A_126 = arith.constant 0 : i32
      %dma_start3A_127 = tpu.memref_slice %arg3[%run_scoped3A, %mul3A_11, %dma_start3A_126] : memref<2x2500x128xi32, #tpu.memory_space<hbm>> -> memref<1x78x128xi32, #tpu.memory_space<hbm>>
      %dma_start3A_128 = tpu.memref_squeeze %dma_start3A_127 : memref<1x78x128xi32, #tpu.memory_space<hbm>> -> memref<78x128xi32, #tpu.memory_space<hbm>>
      tpu.enqueue_dma source(%dma_start3A_128 : memref<78x128xi32, #tpu.memory_space<hbm>>) target(%arg5 : memref<78x128xi32, #tpu.memory_space<vmem>>) target_semaphore(%run_scoped3A_122 : memref<!tpu.dma_semaphore, #tpu.memory_space<semaphore_mem>>)
      %dma_wait3A = arith.constant 0 : i32
      %dma_wait3A_129 = tpu.memref_slice %arg3[%run_scoped3A, %mul3A_11, %dma_wait3A] : memref<2x2500x128xi32, #tpu.memory_space<hbm>> -> memref<1x78x128xi32, #tpu.memory_space<hbm>>
      %dma_wait3A_130 = tpu.memref_squeeze %dma_wait3A_129 : memref<1x78x128xi32, #tpu.memory_space<hbm>> -> memref<78x128xi32, #tpu.memory_space<hbm>>
      %dma_wait3A_131 = arith.constant 0 : i32
      %dma_wait3A_132 = tpu.memref_slice %arg3[%run_scoped3A, %mul3A_11, %dma_wait3A_131] : memref<2x2500x128xi32, #tpu.memory_space<hbm>> -> memref<1x78x128xi32, #tpu.memory_space<hbm>>
      %dma_wait3A_133 = tpu.memref_squeeze %dma_wait3A_132 : memref<1x78x128xi32, #tpu.memory_space<hbm>> -> memref<78x128xi32, #tpu.memory_space<hbm>>
      tpu.wait_dma2 semaphore(%run_scoped3A_122 : memref<!tpu.dma_semaphore, #tpu.memory_space<semaphore_mem>>) src(%dma_wait3A_133 : memref<78x128xi32, #tpu.memory_space<hbm>>) dst(%arg5 : memref<78x128xi32, #tpu.memory_space<vmem>>)
      tpu.yield
    }) : () -> ()
    %mul3A_12 = arith.constant 78 : i32
    %mul3A_13 = arith.muli %add3A, %mul3A_12 : i32
    %run_scoped3A_14 = arith.constant 1 : i32
    "tpu.region"() ({
      %run_scoped3A_122 = tpu.sem_alloc : memref<!tpu.dma_semaphore, #tpu.memory_space<semaphore_mem>>
      %dma_start3A_123 = arith.constant 0 : i32
      %dma_start3A_124 = tpu.memref_slice %arg3[%run_scoped3A_14, %mul3A_13, %dma_start3A_123] : memref<2x2500x128xi32, #tpu.memory_space<hbm>> -> memref<1x78x128xi32, #tpu.memory_space<hbm>>
      %dma_start3A_125 = tpu.memref_squeeze %dma_start3A_124 : memref<1x78x128xi32, #tpu.memory_space<hbm>> -> memref<78x128xi32, #tpu.memory_space<hbm>>
      %dma_start3A_126 = arith.constant 0 : i32
      %dma_start3A_127 = tpu.memref_slice %arg3[%run_scoped3A_14, %mul3A_13, %dma_start3A_126] : memref<2x2500x128xi32, #tpu.memory_space<hbm>> -> memref<1x78x128xi32, #tpu.memory_space<hbm>>
      %dma_start3A_128 = tpu.memref_squeeze %dma_start3A_127 : memref<1x78x128xi32, #tpu.memory_space<hbm>> -> memref<78x128xi32, #tpu.memory_space<hbm>>
      tpu.enqueue_dma source(%dma_start3A_128 : memref<78x128xi32, #tpu.memory_space<hbm>>) target(%arg6 : memref<78x128xi32, #tpu.memory_space<vmem>>) target_semaphore(%run_scoped3A_122 : memref<!tpu.dma_semaphore, #tpu.memory_space<semaphore_mem>>)
      %dma_wait3A = arith.constant 0 : i32
      %dma_wait3A_129 = tpu.memref_slice %arg3[%run_scoped3A_14, %mul3A_13, %dma_wait3A] : memref<2x2500x128xi32, #tpu.memory_space<hbm>> -> memref<1x78x128xi32, #tpu.memory_space<hbm>>
      %dma_wait3A_130 = tpu.memref_squeeze %dma_wait3A_129 : memref<1x78x128xi32, #tpu.memory_space<hbm>> -> memref<78x128xi32, #tpu.memory_space<hbm>>
      %dma_wait3A_131 = arith.constant 0 : i32
      %dma_wait3A_132 = tpu.memref_slice %arg3[%run_scoped3A_14, %mul3A_13, %dma_wait3A_131] : memref<2x2500x128xi32, #tpu.memory_space<hbm>> -> memref<1x78x128xi32, #tpu.memory_space<hbm>>
      %dma_wait3A_133 = tpu.memref_squeeze %dma_wait3A_132 : memref<1x78x128xi32, #tpu.memory_space<hbm>> -> memref<78x128xi32, #tpu.memory_space<hbm>>
      tpu.wait_dma2 semaphore(%run_scoped3A_122 : memref<!tpu.dma_semaphore, #tpu.memory_space<semaphore_mem>>) src(%dma_wait3A_133 : memref<78x128xi32, #tpu.memory_space<hbm>>) dst(%arg6 : memref<78x128xi32, #tpu.memory_space<vmem>>)
      tpu.yield
    }) : () -> ()
    %lt3A = arith.constant 4 : i32
    %lt3A_15 = arith.cmpi slt, %add3A, %lt3A : i32
    %convert_element_type3A = arith.extui %lt3A_15 : i1 to i32
    %cond3A = arith.constant 0 : i32
    %cond3A_16 = arith.cmpi ne, %convert_element_type3A, %cond3A : i32
    scf.if %cond3A_16 {
      %add3A_122 = arith.constant 2496 : i32
      %add3A_123 = arith.addi %add3A_122, %add3A : i32
      %run_scoped3A_124 = arith.constant 0 : i32
      "tpu.region"() ({
        %run_scoped3A_135 = tpu.sem_alloc : memref<!tpu.dma_semaphore, #tpu.memory_space<semaphore_mem>>
        %dma_start3A_136 = arith.constant 0 : i32
        %dma_start3A_137 = tpu.memref_slice %arg3[%run_scoped3A_124, %add3A_123, %dma_start3A_136] : memref<2x2500x128xi32, #tpu.memory_space<hbm>> -> memref<1x1x128xi32, #tpu.memory_space<hbm>>
        %dma_start3A_138 = tpu.memref_squeeze %dma_start3A_137 : memref<1x1x128xi32, #tpu.memory_space<hbm>> -> memref<1x128xi32, #tpu.memory_space<hbm>>
        %dma_start3A_139 = arith.constant 0 : i32
        %dma_start3A_140 = tpu.memref_slice %arg3[%run_scoped3A_124, %add3A_123, %dma_start3A_139] : memref<2x2500x128xi32, #tpu.memory_space<hbm>> -> memref<1x1x128xi32, #tpu.memory_space<hbm>>
        %dma_start3A_141 = tpu.memref_squeeze %dma_start3A_140 : memref<1x1x128xi32, #tpu.memory_space<hbm>> -> memref<1x128xi32, #tpu.memory_space<hbm>>
        tpu.enqueue_dma source(%dma_start3A_141 : memref<1x128xi32, #tpu.memory_space<hbm>>) target(%arg7 : memref<1x128xi32, #tpu.memory_space<vmem>>) target_semaphore(%run_scoped3A_135 : memref<!tpu.dma_semaphore, #tpu.memory_space<semaphore_mem>>)
        %dma_wait3A = arith.constant 0 : i32
        %dma_wait3A_142 = tpu.memref_slice %arg3[%run_scoped3A_124, %add3A_123, %dma_wait3A] : memref<2x2500x128xi32, #tpu.memory_space<hbm>> -> memref<1x1x128xi32, #tpu.memory_space<hbm>>
        %dma_wait3A_143 = tpu.memref_squeeze %dma_wait3A_142 : memref<1x1x128xi32, #tpu.memory_space<hbm>> -> memref<1x128xi32, #tpu.memory_space<hbm>>
        %dma_wait3A_144 = arith.constant 0 : i32
        %dma_wait3A_145 = tpu.memref_slice %arg3[%run_scoped3A_124, %add3A_123, %dma_wait3A_144] : memref<2x2500x128xi32, #tpu.memory_space<hbm>> -> memref<1x1x128xi32, #tpu.memory_space<hbm>>
        %dma_wait3A_146 = tpu.memref_squeeze %dma_wait3A_145 : memref<1x1x128xi32, #tpu.memory_space<hbm>> -> memref<1x128xi32, #tpu.memory_space<hbm>>
        tpu.wait_dma2 semaphore(%run_scoped3A_135 : memref<!tpu.dma_semaphore, #tpu.memory_space<semaphore_mem>>) src(%dma_wait3A_146 : memref<1x128xi32, #tpu.memory_space<hbm>>) dst(%arg7 : memref<1x128xi32, #tpu.memory_space<vmem>>)
        tpu.yield
      }) : () -> ()
      %add3A_125 = arith.constant 2496 : i32
      %add3A_126 = arith.addi %add3A_125, %add3A : i32
      %run_scoped3A_127 = arith.constant 1 : i32
      "tpu.region"() ({
        %run_scoped3A_135 = tpu.sem_alloc : memref<!tpu.dma_semaphore, #tpu.memory_space<semaphore_mem>>
        %dma_start3A_136 = arith.constant 0 : i32
        %dma_start3A_137 = tpu.memref_slice %arg3[%run_scoped3A_127, %add3A_126, %dma_start3A_136] : memref<2x2500x128xi32, #tpu.memory_space<hbm>> -> memref<1x1x128xi32, #tpu.memory_space<hbm>>
        %dma_start3A_138 = tpu.memref_squeeze %dma_start3A_137 : memref<1x1x128xi32, #tpu.memory_space<hbm>> -> memref<1x128xi32, #tpu.memory_space<hbm>>
        %dma_start3A_139 = arith.constant 0 : i32
        %dma_start3A_140 = tpu.memref_slice %arg3[%run_scoped3A_127, %add3A_126, %dma_start3A_139] : memref<2x2500x128xi32, #tpu.memory_space<hbm>> -> memref<1x1x128xi32, #tpu.memory_space<hbm>>
        %dma_start3A_141 = tpu.memref_squeeze %dma_start3A_140 : memref<1x1x128xi32, #tpu.memory_space<hbm>> -> memref<1x128xi32, #tpu.memory_space<hbm>>
        tpu.enqueue_dma source(%dma_start3A_141 : memref<1x128xi32, #tpu.memory_space<hbm>>) target(%arg8 : memref<1x128xi32, #tpu.memory_space<vmem>>) target_semaphore(%run_scoped3A_135 : memref<!tpu.dma_semaphore, #tpu.memory_space<semaphore_mem>>)
        %dma_wait3A = arith.constant 0 : i32
        %dma_wait3A_142 = tpu.memref_slice %arg3[%run_scoped3A_127, %add3A_126, %dma_wait3A] : memref<2x2500x128xi32, #tpu.memory_space<hbm>> -> memref<1x1x128xi32, #tpu.memory_space<hbm>>
        %dma_wait3A_143 = tpu.memref_squeeze %dma_wait3A_142 : memref<1x1x128xi32, #tpu.memory_space<hbm>> -> memref<1x128xi32, #tpu.memory_space<hbm>>
        %dma_wait3A_144 = arith.constant 0 : i32
        %dma_wait3A_145 = tpu.memref_slice %arg3[%run_scoped3A_127, %add3A_126, %dma_wait3A_144] : memref<2x2500x128xi32, #tpu.memory_space<hbm>> -> memref<1x1x128xi32, #tpu.memory_space<hbm>>
        %dma_wait3A_146 = tpu.memref_squeeze %dma_wait3A_145 : memref<1x1x128xi32, #tpu.memory_space<hbm>> -> memref<1x128xi32, #tpu.memory_space<hbm>>
        tpu.wait_dma2 semaphore(%run_scoped3A_135 : memref<!tpu.dma_semaphore, #tpu.memory_space<semaphore_mem>>) src(%dma_wait3A_146 : memref<1x128xi32, #tpu.memory_space<hbm>>) dst(%arg8 : memref<1x128xi32, #tpu.memory_space<vmem>>)
        tpu.yield
      }) : () -> ()
      %dma_start3A_128 = arith.constant 0 : i32
      %dma_start3A_129 = arith.constant 0 : i32
      %dma_start3A_130 = tpu.memref_slice %arg7[%dma_start3A_128, %dma_start3A_129] : memref<1x128xi32, #tpu.memory_space<vmem>> -> memref<1x128xi32, #tpu.memory_space<vmem>>
      %dma_start3A_131 = tpu.memref_squeeze %dma_start3A_130 : memref<1x128xi32, #tpu.memory_space<vmem>> -> memref<128xi32, #tpu.memory_space<vmem>>
      %dma_start3A_132 = arith.constant 0 : i32
      %dma_start3A_133 = arith.constant 0 : i32
      %dma_start3A_134 = tpu.memref_slice %arg2[%dma_start3A_132, %dma_start3A_133] : memref<10240x64xf32, #tpu.memory_space<hbm>> -> memref<10240x64xf32, #tpu.memory_space<hbm>>
      tpu.enqueue_indirect_dma source(%dma_start3A_134 : memref<10240x64xf32, #tpu.memory_space<hbm>>) target(%arg10 : memref<128x64xf32, #tpu.memory_space<vmem>>) offsets(%dma_start3A_131 : memref<128xi32, #tpu.memory_space<vmem>>) semaphore(%arg13 : memref<!tpu.dma_semaphore, #tpu.memory_space<semaphore_mem>>)
    } else {
    }
    %dma_start3A = arith.constant 0 : i32
    %dma_start3A_17 = arith.constant 0 : i32
    %dma_start3A_18 = arith.constant 0 : i32
    %dma_start3A_19 = arith.constant 0 : i32
    %dma_start3A_20 = arith.constant 0 : i32
    %dma_start3A_21 = tpu.memref_slice %arg9[%dma_start3A_17, %dma_start3A_19, %dma_start3A_20] : memref<6x128x64xf32, #tpu.memory_space<vmem>> -> memref<1x128x64xf32, #tpu.memory_space<vmem>>
    %dma_start3A_22 = tpu.memref_squeeze %dma_start3A_21 : memref<1x128x64xf32, #tpu.memory_space<vmem>> -> memref<128x64xf32, #tpu.memory_space<vmem>>
    %dma_start3A_23 = arith.constant 0 : i32
    %dma_start3A_24 = tpu.memref_slice %arg5[%dma_start3A, %dma_start3A_23] : memref<78x128xi32, #tpu.memory_space<vmem>> -> memref<1x128xi32, #tpu.memory_space<vmem>>
    %dma_start3A_25 = tpu.memref_squeeze %dma_start3A_24 : memref<1x128xi32, #tpu.memory_space<vmem>> -> memref<128xi32, #tpu.memory_space<vmem>>
    %dma_start3A_26 = arith.constant 0 : i32
    %dma_start3A_27 = arith.constant 0 : i32
    %dma_start3A_28 = tpu.memref_slice %arg2[%dma_start3A_26, %dma_start3A_27] : memref<10240x64xf32, #tpu.memory_space<hbm>> -> memref<10240x64xf32, #tpu.memory_space<hbm>>
    %dma_start3A_29 = tpu.memref_slice %arg12[%dma_start3A_18] : memref<6x!tpu.dma_semaphore, #tpu.memory_space<semaphore_mem>> -> memref<1x!tpu.dma_semaphore, #tpu.memory_space<semaphore_mem>>
    %dma_start3A_30 = tpu.memref_squeeze %dma_start3A_29 : memref<1x!tpu.dma_semaphore, #tpu.memory_space<semaphore_mem>> -> memref<!tpu.dma_semaphore, #tpu.memory_space<semaphore_mem>>
    tpu.enqueue_indirect_dma source(%dma_start3A_28 : memref<10240x64xf32, #tpu.memory_space<hbm>>) target(%dma_start3A_22 : memref<128x64xf32, #tpu.memory_space<vmem>>) offsets(%dma_start3A_25 : memref<128xi32, #tpu.memory_space<vmem>>) semaphore(%dma_start3A_30 : memref<!tpu.dma_semaphore, #tpu.memory_space<semaphore_mem>>)
    %dma_start3A_31 = arith.constant 1 : i32
    %dma_start3A_32 = arith.constant 1 : i32
    %dma_start3A_33 = arith.constant 1 : i32
    %dma_start3A_34 = arith.constant 0 : i32
    %dma_start3A_35 = arith.constant 0 : i32
    %dma_start3A_36 = tpu.memref_slice %arg9[%dma_start3A_32, %dma_start3A_34, %dma_start3A_35] : memref<6x128x64xf32, #tpu.memory_space<vmem>> -> memref<1x128x64xf32, #tpu.memory_space<vmem>>
    %dma_start3A_37 = tpu.memref_squeeze %dma_start3A_36 : memref<1x128x64xf32, #tpu.memory_space<vmem>> -> memref<128x64xf32, #tpu.memory_space<vmem>>
    %dma_start3A_38 = arith.constant 0 : i32
    %dma_start3A_39 = tpu.memref_slice %arg5[%dma_start3A_31, %dma_start3A_38] : memref<78x128xi32, #tpu.memory_space<vmem>> -> memref<1x128xi32, #tpu.memory_space<vmem>>
    %dma_start3A_40 = tpu.memref_squeeze %dma_start3A_39 : memref<1x128xi32, #tpu.memory_space<vmem>> -> memref<128xi32, #tpu.memory_space<vmem>>
    %dma_start3A_41 = arith.constant 0 : i32
    %dma_start3A_42 = arith.constant 0 : i32
    %dma_start3A_43 = tpu.memref_slice %arg2[%dma_start3A_41, %dma_start3A_42] : memref<10240x64xf32, #tpu.memory_space<hbm>> -> memref<10240x64xf32, #tpu.memory_space<hbm>>
    %dma_start3A_44 = tpu.memref_slice %arg12[%dma_start3A_33] : memref<6x!tpu.dma_semaphore, #tpu.memory_space<semaphore_mem>> -> memref<1x!tpu.dma_semaphore, #tpu.memory_space<semaphore_mem>>
    %dma_start3A_45 = tpu.memref_squeeze %dma_start3A_44 : memref<1x!tpu.dma_semaphore, #tpu.memory_space<semaphore_mem>> -> memref<!tpu.dma_semaphore, #tpu.memory_space<semaphore_mem>>
    tpu.enqueue_indirect_dma source(%dma_start3A_43 : memref<10240x64xf32, #tpu.memory_space<hbm>>) target(%dma_start3A_37 : memref<128x64xf32, #tpu.memory_space<vmem>>) offsets(%dma_start3A_40 : memref<128xi32, #tpu.memory_space<vmem>>) semaphore(%dma_start3A_45 : memref<!tpu.dma_semaphore, #tpu.memory_space<semaphore_mem>>)
    %dma_start3A_46 = arith.constant 2 : i32
    %dma_start3A_47 = arith.constant 2 : i32
    %dma_start3A_48 = arith.constant 2 : i32
    %dma_start3A_49 = arith.constant 0 : i32
    %dma_start3A_50 = arith.constant 0 : i32
    %dma_start3A_51 = tpu.memref_slice %arg9[%dma_start3A_47, %dma_start3A_49, %dma_start3A_50] : memref<6x128x64xf32, #tpu.memory_space<vmem>> -> memref<1x128x64xf32, #tpu.memory_space<vmem>>
    %dma_start3A_52 = tpu.memref_squeeze %dma_start3A_51 : memref<1x128x64xf32, #tpu.memory_space<vmem>> -> memref<128x64xf32, #tpu.memory_space<vmem>>
    %dma_start3A_53 = arith.constant 0 : i32
    %dma_start3A_54 = tpu.memref_slice %arg5[%dma_start3A_46, %dma_start3A_53] : memref<78x128xi32, #tpu.memory_space<vmem>> -> memref<1x128xi32, #tpu.memory_space<vmem>>
    %dma_start3A_55 = tpu.memref_squeeze %dma_start3A_54 : memref<1x128xi32, #tpu.memory_space<vmem>> -> memref<128xi32, #tpu.memory_space<vmem>>
    %dma_start3A_56 = arith.constant 0 : i32
    %dma_start3A_57 = arith.constant 0 : i32
    %dma_start3A_58 = tpu.memref_slice %arg2[%dma_start3A_56, %dma_start3A_57] : memref<10240x64xf32, #tpu.memory_space<hbm>> -> memref<10240x64xf32, #tpu.memory_space<hbm>>
    %dma_start3A_59 = tpu.memref_slice %arg12[%dma_start3A_48] : memref<6x!tpu.dma_semaphore, #tpu.memory_space<semaphore_mem>> -> memref<1x!tpu.dma_semaphore, #tpu.memory_space<semaphore_mem>>
    %dma_start3A_60 = tpu.memref_squeeze %dma_start3A_59 : memref<1x!tpu.dma_semaphore, #tpu.memory_space<semaphore_mem>> -> memref<!tpu.dma_semaphore, #tpu.memory_space<semaphore_mem>>
    tpu.enqueue_indirect_dma source(%dma_start3A_58 : memref<10240x64xf32, #tpu.memory_space<hbm>>) target(%dma_start3A_52 : memref<128x64xf32, #tpu.memory_space<vmem>>) offsets(%dma_start3A_55 : memref<128xi32, #tpu.memory_space<vmem>>) semaphore(%dma_start3A_60 : memref<!tpu.dma_semaphore, #tpu.memory_space<semaphore_mem>>)
    %dma_start3A_61 = arith.constant 3 : i32
    %dma_start3A_62 = arith.constant 3 : i32
    %dma_start3A_63 = arith.constant 3 : i32
    %dma_start3A_64 = arith.constant 0 : i32
    %dma_start3A_65 = arith.constant 0 : i32
    %dma_start3A_66 = tpu.memref_slice %arg9[%dma_start3A_62, %dma_start3A_64, %dma_start3A_65] : memref<6x128x64xf32, #tpu.memory_space<vmem>> -> memref<1x128x64xf32, #tpu.memory_space<vmem>>
    %dma_start3A_67 = tpu.memref_squeeze %dma_start3A_66 : memref<1x128x64xf32, #tpu.memory_space<vmem>> -> memref<128x64xf32, #tpu.memory_space<vmem>>
    %dma_start3A_68 = arith.constant 0 : i32
    %dma_start3A_69 = tpu.memref_slice %arg5[%dma_start3A_61, %dma_start3A_68] : memref<78x128xi32, #tpu.memory_space<vmem>> -> memref<1x128xi32, #tpu.memory_space<vmem>>
    %dma_start3A_70 = tpu.memref_squeeze %dma_start3A_69 : memref<1x128xi32, #tpu.memory_space<vmem>> -> memref<128xi32, #tpu.memory_space<vmem>>
    %dma_start3A_71 = arith.constant 0 : i32
    %dma_start3A_72 = arith.constant 0 : i32
    %dma_start3A_73 = tpu.memref_slice %arg2[%dma_start3A_71, %dma_start3A_72] : memref<10240x64xf32, #tpu.memory_space<hbm>> -> memref<10240x64xf32, #tpu.memory_space<hbm>>
    %dma_start3A_74 = tpu.memref_slice %arg12[%dma_start3A_63] : memref<6x!tpu.dma_semaphore, #tpu.memory_space<semaphore_mem>> -> memref<1x!tpu.dma_semaphore, #tpu.memory_space<semaphore_mem>>
    %dma_start3A_75 = tpu.memref_squeeze %dma_start3A_74 : memref<1x!tpu.dma_semaphore, #tpu.memory_space<semaphore_mem>> -> memref<!tpu.dma_semaphore, #tpu.memory_space<semaphore_mem>>
    tpu.enqueue_indirect_dma source(%dma_start3A_73 : memref<10240x64xf32, #tpu.memory_space<hbm>>) target(%dma_start3A_67 : memref<128x64xf32, #tpu.memory_space<vmem>>) offsets(%dma_start3A_70 : memref<128xi32, #tpu.memory_space<vmem>>) semaphore(%dma_start3A_75 : memref<!tpu.dma_semaphore, #tpu.memory_space<semaphore_mem>>)
    %dma_start3A_76 = arith.constant 4 : i32
    %dma_start3A_77 = arith.constant 4 : i32
    %dma_start3A_78 = arith.constant 4 : i32
    %dma_start3A_79 = arith.constant 0 : i32
    %dma_start3A_80 = arith.constant 0 : i32
    %dma_start3A_81 = tpu.memref_slice %arg9[%dma_start3A_77, %dma_start3A_79, %dma_start3A_80] : memref<6x128x64xf32, #tpu.memory_space<vmem>> -> memref<1x128x64xf32, #tpu.memory_space<vmem>>
    %dma_start3A_82 = tpu.memref_squeeze %dma_start3A_81 : memref<1x128x64xf32, #tpu.memory_space<vmem>> -> memref<128x64xf32, #tpu.memory_space<vmem>>
    %dma_start3A_83 = arith.constant 0 : i32
    %dma_start3A_84 = tpu.memref_slice %arg5[%dma_start3A_76, %dma_start3A_83] : memref<78x128xi32, #tpu.memory_space<vmem>> -> memref<1x128xi32, #tpu.memory_space<vmem>>
    %dma_start3A_85 = tpu.memref_squeeze %dma_start3A_84 : memref<1x128xi32, #tpu.memory_space<vmem>> -> memref<128xi32, #tpu.memory_space<vmem>>
    %dma_start3A_86 = arith.constant 0 : i32
    %dma_start3A_87 = arith.constant 0 : i32
    %dma_start3A_88 = tpu.memref_slice %arg2[%dma_start3A_86, %dma_start3A_87] : memref<10240x64xf32, #tpu.memory_space<hbm>> -> memref<10240x64xf32, #tpu.memory_space<hbm>>
    %dma_start3A_89 = tpu.memref_slice %arg12[%dma_start3A_78] : memref<6x!tpu.dma_semaphore, #tpu.memory_space<semaphore_mem>> -> memref<1x!tpu.dma_semaphore, #tpu.memory_space<semaphore_mem>>
    %dma_start3A_90 = tpu.memref_squeeze %dma_start3A_89 : memref<1x!tpu.dma_semaphore, #tpu.memory_space<semaphore_mem>> -> memref<!tpu.dma_semaphore, #tpu.memory_space<semaphore_mem>>
    tpu.enqueue_indirect_dma source(%dma_start3A_88 : memref<10240x64xf32, #tpu.memory_space<hbm>>) target(%dma_start3A_82 : memref<128x64xf32, #tpu.memory_space<vmem>>) offsets(%dma_start3A_85 : memref<128xi32, #tpu.memory_space<vmem>>) semaphore(%dma_start3A_90 : memref<!tpu.dma_semaphore, #tpu.memory_space<semaphore_mem>>)
    %dma_start3A_91 = arith.constant 5 : i32
    %dma_start3A_92 = arith.constant 5 : i32
    %dma_start3A_93 = arith.constant 5 : i32
    %dma_start3A_94 = arith.constant 0 : i32
    %dma_start3A_95 = arith.constant 0 : i32
    %dma_start3A_96 = tpu.memref_slice %arg9[%dma_start3A_92, %dma_start3A_94, %dma_start3A_95] : memref<6x128x64xf32, #tpu.memory_space<vmem>> -> memref<1x128x64xf32, #tpu.memory_space<vmem>>
    %dma_start3A_97 = tpu.memref_squeeze %dma_start3A_96 : memref<1x128x64xf32, #tpu.memory_space<vmem>> -> memref<128x64xf32, #tpu.memory_space<vmem>>
    %dma_start3A_98 = arith.constant 0 : i32
    %dma_start3A_99 = tpu.memref_slice %arg5[%dma_start3A_91, %dma_start3A_98] : memref<78x128xi32, #tpu.memory_space<vmem>> -> memref<1x128xi32, #tpu.memory_space<vmem>>
    %dma_start3A_100 = tpu.memref_squeeze %dma_start3A_99 : memref<1x128xi32, #tpu.memory_space<vmem>> -> memref<128xi32, #tpu.memory_space<vmem>>
    %dma_start3A_101 = arith.constant 0 : i32
    %dma_start3A_102 = arith.constant 0 : i32
    %dma_start3A_103 = tpu.memref_slice %arg2[%dma_start3A_101, %dma_start3A_102] : memref<10240x64xf32, #tpu.memory_space<hbm>> -> memref<10240x64xf32, #tpu.memory_space<hbm>>
    %dma_start3A_104 = tpu.memref_slice %arg12[%dma_start3A_93] : memref<6x!tpu.dma_semaphore, #tpu.memory_space<semaphore_mem>> -> memref<1x!tpu.dma_semaphore, #tpu.memory_space<semaphore_mem>>
    %dma_start3A_105 = tpu.memref_squeeze %dma_start3A_104 : memref<1x!tpu.dma_semaphore, #tpu.memory_space<semaphore_mem>> -> memref<!tpu.dma_semaphore, #tpu.memory_space<semaphore_mem>>
    tpu.enqueue_indirect_dma source(%dma_start3A_103 : memref<10240x64xf32, #tpu.memory_space<hbm>>) target(%dma_start3A_97 : memref<128x64xf32, #tpu.memory_space<vmem>>) offsets(%dma_start3A_100 : memref<128xi32, #tpu.memory_space<vmem>>) semaphore(%dma_start3A_105 : memref<!tpu.dma_semaphore, #tpu.memory_space<semaphore_mem>>)
    %barrier3A = arith.constant 0 : index
    tpu.barrier barrier_id(%barrier3A)
    %scan3A_106 = arith.constant 0 : i32
    %scan3A_107 = arith.constant 13 : i32
    %scan3A_108 = arith.addi %scan3A_106, %scan3A_107 : i32
    %scan3A_109 = arith.constant 1 : i32
    scf.for %scan3A_122 = %scan3A_106 to %scan3A_108 step %scan3A_109  : i32 {
      %mul3A_123 = arith.constant 6 : i32
      %mul3A_124 = arith.muli %scan3A_122, %mul3A_123 : i32
      %add3A_125 = arith.constant 0 : i32
      %add3A_126 = arith.addi %add3A_125, %mul3A_124 : i32
      %add3A_127 = arith.constant 0 : i32
      %add3A_128 = arith.addi %add3A_126, %add3A_127 : i32
      %dma_wait3A = arith.constant 0 : i32
      %dma_wait3A_129 = arith.constant 0 : i32
      %dma_wait3A_130 = arith.constant 0 : i32
      %dma_wait3A_131 = arith.constant 0 : i32
      %dma_wait3A_132 = tpu.memref_slice %arg9[%dma_wait3A, %dma_wait3A_130, %dma_wait3A_131] : memref<6x128x64xf32, #tpu.memory_space<vmem>> -> memref<1x128x64xf32, #tpu.memory_space<vmem>>
      %dma_wait3A_133 = tpu.memref_squeeze %dma_wait3A_132 : memref<1x128x64xf32, #tpu.memory_space<vmem>> -> memref<128x64xf32, #tpu.memory_space<vmem>>
      %dma_wait3A_134 = arith.constant 0 : i32
      %dma_wait3A_135 = tpu.memref_slice %arg5[%add3A_128, %dma_wait3A_134] : memref<78x128xi32, #tpu.memory_space<vmem>> -> memref<1x128xi32, #tpu.memory_space<vmem>>
      %dma_wait3A_136 = tpu.memref_squeeze %dma_wait3A_135 : memref<1x128xi32, #tpu.memory_space<vmem>> -> memref<128xi32, #tpu.memory_space<vmem>>
      %dma_wait3A_137 = arith.constant 0 : i32
      %dma_wait3A_138 = arith.constant 0 : i32
      %dma_wait3A_139 = tpu.memref_slice %arg2[%dma_wait3A_137, %dma_wait3A_138] : memref<10240x64xf32, #tpu.memory_space<hbm>> -> memref<10240x64xf32, #tpu.memory_space<hbm>>
      %dma_wait3A_140 = tpu.memref_slice %arg12[%dma_wait3A_129] : memref<6x!tpu.dma_semaphore, #tpu.memory_space<semaphore_mem>> -> memref<1x!tpu.dma_semaphore, #tpu.memory_space<semaphore_mem>>
      %dma_wait3A_141 = tpu.memref_squeeze %dma_wait3A_140 : memref<1x!tpu.dma_semaphore, #tpu.memory_space<semaphore_mem>> -> memref<!tpu.dma_semaphore, #tpu.memory_space<semaphore_mem>>
      tpu.wait_indirect_dma semaphore(%dma_wait3A_141 : memref<!tpu.dma_semaphore, #tpu.memory_space<semaphore_mem>>) src(%dma_wait3A_139 : memref<10240x64xf32, #tpu.memory_space<hbm>>) dst(%dma_wait3A_133 : memref<128x64xf32, #tpu.memory_space<vmem>>)
      %run_scoped3A_142 = arith.constant 0 : i32
      "tpu.region"() ({
        %run_scoped3A_270 = tpu.sem_alloc : memref<!tpu.dma_semaphore, #tpu.memory_space<semaphore_mem>>
        %dma_start3A_271 = arith.constant 0 : i32
        %dma_start3A_272 = arith.constant 0 : i32
        %dma_start3A_273 = tpu.memref_slice %arg9[%run_scoped3A_142, %dma_start3A_271, %dma_start3A_272] : memref<6x128x64xf32, #tpu.memory_space<vmem>> -> memref<1x128x64xf32, #tpu.memory_space<vmem>>
        %dma_start3A_274 = tpu.memref_squeeze %dma_start3A_273 : memref<1x128x64xf32, #tpu.memory_space<vmem>> -> memref<128x64xf32, #tpu.memory_space<vmem>>
        %dma_start3A_275 = arith.constant 0 : i32
        %dma_start3A_276 = tpu.memref_slice %arg6[%add3A_128, %dma_start3A_275] : memref<78x128xi32, #tpu.memory_space<vmem>> -> memref<1x128xi32, #tpu.memory_space<vmem>>
        %dma_start3A_277 = tpu.memref_squeeze %dma_start3A_276 : memref<1x128xi32, #tpu.memory_space<vmem>> -> memref<128xi32, #tpu.memory_space<vmem>>
        %dma_start3A_278 = arith.constant 0 : i32
        %dma_start3A_279 = arith.constant 0 : i32
        %dma_start3A_280 = tpu.memref_slice %arg14[%dma_start3A_278, %dma_start3A_279] : memref<10240x64xf32, #tpu.memory_space<vmem_shared>> -> memref<10240x64xf32, #tpu.memory_space<vmem_shared>>
        tpu.enqueue_indirect_dma source(%dma_start3A_274 : memref<128x64xf32, #tpu.memory_space<vmem>>) target(%dma_start3A_280 : memref<10240x64xf32, #tpu.memory_space<vmem_shared>>) offsets(%dma_start3A_277 : memref<128xi32, #tpu.memory_space<vmem>>) semaphore(%run_scoped3A_270 : memref<!tpu.dma_semaphore, #tpu.memory_space<semaphore_mem>>) {add = true}
        %dma_wait3A_281 = arith.constant 0 : i32
        %dma_wait3A_282 = arith.constant 0 : i32
        %dma_wait3A_283 = tpu.memref_slice %arg9[%run_scoped3A_142, %dma_wait3A_281, %dma_wait3A_282] : memref<6x128x64xf32, #tpu.memory_space<vmem>> -> memref<1x128x64xf32, #tpu.memory_space<vmem>>
        %dma_wait3A_284 = tpu.memref_squeeze %dma_wait3A_283 : memref<1x128x64xf32, #tpu.memory_space<vmem>> -> memref<128x64xf32, #tpu.memory_space<vmem>>
        %dma_wait3A_285 = arith.constant 0 : i32
        %dma_wait3A_286 = tpu.memref_slice %arg6[%add3A_128, %dma_wait3A_285] : memref<78x128xi32, #tpu.memory_space<vmem>> -> memref<1x128xi32, #tpu.memory_space<vmem>>
        %dma_wait3A_287 = tpu.memref_squeeze %dma_wait3A_286 : memref<1x128xi32, #tpu.memory_space<vmem>> -> memref<128xi32, #tpu.memory_space<vmem>>
        %dma_wait3A_288 = arith.constant 0 : i32
        %dma_wait3A_289 = arith.constant 0 : i32
        %dma_wait3A_290 = tpu.memref_slice %arg14[%dma_wait3A_288, %dma_wait3A_289] : memref<10240x64xf32, #tpu.memory_space<vmem_shared>> -> memref<10240x64xf32, #tpu.memory_space<vmem_shared>>
        tpu.wait_indirect_dma semaphore(%run_scoped3A_270 : memref<!tpu.dma_semaphore, #tpu.memory_space<semaphore_mem>>) src(%dma_wait3A_284 : memref<128x64xf32, #tpu.memory_space<vmem>>) dst(%dma_wait3A_290 : memref<10240x64xf32, #tpu.memory_space<vmem_shared>>)
        tpu.yield
      }) : () -> ()
      %add3A_143 = arith.constant 6 : i32
      %add3A_144 = arith.addi %add3A_128, %add3A_143 : i32
      %lt3A_145 = arith.constant 78 : i32
      %lt3A_146 = arith.cmpi slt, %add3A_144, %lt3A_145 : i32
      %convert_element_type3A_147 = arith.extui %lt3A_146 : i1 to i32
      %cond3A_148 = arith.constant 0 : i32
      %cond3A_149 = arith.cmpi ne, %convert_element_type3A_147, %cond3A_148 : i32
      scf.if %cond3A_149 {
        %dma_start3A_270 = arith.constant 0 : i32
        %dma_start3A_271 = arith.constant 0 : i32
        %dma_start3A_272 = arith.constant 0 : i32
        %dma_start3A_273 = arith.constant 0 : i32
        %dma_start3A_274 = tpu.memref_slice %arg9[%dma_start3A_270, %dma_start3A_272, %dma_start3A_273] : memref<6x128x64xf32, #tpu.memory_space<vmem>> -> memref<1x128x64xf32, #tpu.memory_space<vmem>>
        %dma_start3A_275 = tpu.memref_squeeze %dma_start3A_274 : memref<1x128x64xf32, #tpu.memory_space<vmem>> -> memref<128x64xf32, #tpu.memory_space<vmem>>
        %dma_start3A_276 = arith.constant 0 : i32
        %dma_start3A_277 = tpu.memref_slice %arg5[%add3A_144, %dma_start3A_276] : memref<78x128xi32, #tpu.memory_space<vmem>> -> memref<1x128xi32, #tpu.memory_space<vmem>>
        %dma_start3A_278 = tpu.memref_squeeze %dma_start3A_277 : memref<1x128xi32, #tpu.memory_space<vmem>> -> memref<128xi32, #tpu.memory_space<vmem>>
        %dma_start3A_279 = arith.constant 0 : i32
        %dma_start3A_280 = arith.constant 0 : i32
        %dma_start3A_281 = tpu.memref_slice %arg2[%dma_start3A_279, %dma_start3A_280] : memref<10240x64xf32, #tpu.memory_space<hbm>> -> memref<10240x64xf32, #tpu.memory_space<hbm>>
        %dma_start3A_282 = tpu.memref_slice %arg12[%dma_start3A_271] : memref<6x!tpu.dma_semaphore, #tpu.memory_space<semaphore_mem>> -> memref<1x!tpu.dma_semaphore, #tpu.memory_space<semaphore_mem>>
        %dma_start3A_283 = tpu.memref_squeeze %dma_start3A_282 : memref<1x!tpu.dma_semaphore, #tpu.memory_space<semaphore_mem>> -> memref<!tpu.dma_semaphore, #tpu.memory_space<semaphore_mem>>
        tpu.enqueue_indirect_dma source(%dma_start3A_281 : memref<10240x64xf32, #tpu.memory_space<hbm>>) target(%dma_start3A_275 : memref<128x64xf32, #tpu.memory_space<vmem>>) offsets(%dma_start3A_278 : memref<128xi32, #tpu.memory_space<vmem>>) semaphore(%dma_start3A_283 : memref<!tpu.dma_semaphore, #tpu.memory_space<semaphore_mem>>)
      } else {
      }
      %add3A_150 = arith.constant 1 : i32
      %add3A_151 = arith.addi %add3A_126, %add3A_150 : i32
      %dma_wait3A_152 = arith.constant 1 : i32
      %dma_wait3A_153 = arith.constant 1 : i32
      %dma_wait3A_154 = arith.constant 0 : i32
      %dma_wait3A_155 = arith.constant 0 : i32
      %dma_wait3A_156 = tpu.memref_slice %arg9[%dma_wait3A_152, %dma_wait3A_154, %dma_wait3A_155] : memref<6x128x64xf32, #tpu.memory_space<vmem>> -> memref<1x128x64xf32, #tpu.memory_space<vmem>>
      %dma_wait3A_157 = tpu.memref_squeeze %dma_wait3A_156 : memref<1x128x64xf32, #tpu.memory_space<vmem>> -> memref<128x64xf32, #tpu.memory_space<vmem>>
      %dma_wait3A_158 = arith.constant 0 : i32
      %dma_wait3A_159 = tpu.memref_slice %arg5[%add3A_151, %dma_wait3A_158] : memref<78x128xi32, #tpu.memory_space<vmem>> -> memref<1x128xi32, #tpu.memory_space<vmem>>
      %dma_wait3A_160 = tpu.memref_squeeze %dma_wait3A_159 : memref<1x128xi32, #tpu.memory_space<vmem>> -> memref<128xi32, #tpu.memory_space<vmem>>
      %dma_wait3A_161 = arith.constant 0 : i32
      %dma_wait3A_162 = arith.constant 0 : i32
      %dma_wait3A_163 = tpu.memref_slice %arg2[%dma_wait3A_161, %dma_wait3A_162] : memref<10240x64xf32, #tpu.memory_space<hbm>> -> memref<10240x64xf32, #tpu.memory_space<hbm>>
      %dma_wait3A_164 = tpu.memref_slice %arg12[%dma_wait3A_153] : memref<6x!tpu.dma_semaphore, #tpu.memory_space<semaphore_mem>> -> memref<1x!tpu.dma_semaphore, #tpu.memory_space<semaphore_mem>>
      %dma_wait3A_165 = tpu.memref_squeeze %dma_wait3A_164 : memref<1x!tpu.dma_semaphore, #tpu.memory_space<semaphore_mem>> -> memref<!tpu.dma_semaphore, #tpu.memory_space<semaphore_mem>>
      tpu.wait_indirect_dma semaphore(%dma_wait3A_165 : memref<!tpu.dma_semaphore, #tpu.memory_space<semaphore_mem>>) src(%dma_wait3A_163 : memref<10240x64xf32, #tpu.memory_space<hbm>>) dst(%dma_wait3A_157 : memref<128x64xf32, #tpu.memory_space<vmem>>)
      %run_scoped3A_166 = arith.constant 1 : i32
      "tpu.region"() ({
        %run_scoped3A_270 = tpu.sem_alloc : memref<!tpu.dma_semaphore, #tpu.memory_space<semaphore_mem>>
        %dma_start3A_271 = arith.constant 0 : i32
        %dma_start3A_272 = arith.constant 0 : i32
        %dma_start3A_273 = tpu.memref_slice %arg9[%run_scoped3A_166, %dma_start3A_271, %dma_start3A_272] : memref<6x128x64xf32, #tpu.memory_space<vmem>> -> memref<1x128x64xf32, #tpu.memory_space<vmem>>
        %dma_start3A_274 = tpu.memref_squeeze %dma_start3A_273 : memref<1x128x64xf32, #tpu.memory_space<vmem>> -> memref<128x64xf32, #tpu.memory_space<vmem>>
        %dma_start3A_275 = arith.constant 0 : i32
        %dma_start3A_276 = tpu.memref_slice %arg6[%add3A_151, %dma_start3A_275] : memref<78x128xi32, #tpu.memory_space<vmem>> -> memref<1x128xi32, #tpu.memory_space<vmem>>
        %dma_start3A_277 = tpu.memref_squeeze %dma_start3A_276 : memref<1x128xi32, #tpu.memory_space<vmem>> -> memref<128xi32, #tpu.memory_space<vmem>>
        %dma_start3A_278 = arith.constant 0 : i32
        %dma_start3A_279 = arith.constant 0 : i32
        %dma_start3A_280 = tpu.memref_slice %arg14[%dma_start3A_278, %dma_start3A_279] : memref<10240x64xf32, #tpu.memory_space<vmem_shared>> -> memref<10240x64xf32, #tpu.memory_space<vmem_shared>>
        tpu.enqueue_indirect_dma source(%dma_start3A_274 : memref<128x64xf32, #tpu.memory_space<vmem>>) target(%dma_start3A_280 : memref<10240x64xf32, #tpu.memory_space<vmem_shared>>) offsets(%dma_start3A_277 : memref<128xi32, #tpu.memory_space<vmem>>) semaphore(%run_scoped3A_270 : memref<!tpu.dma_semaphore, #tpu.memory_space<semaphore_mem>>) {add = true}
        %dma_wait3A_281 = arith.constant 0 : i32
        %dma_wait3A_282 = arith.constant 0 : i32
        %dma_wait3A_283 = tpu.memref_slice %arg9[%run_scoped3A_166, %dma_wait3A_281, %dma_wait3A_282] : memref<6x128x64xf32, #tpu.memory_space<vmem>> -> memref<1x128x64xf32, #tpu.memory_space<vmem>>
        %dma_wait3A_284 = tpu.memref_squeeze %dma_wait3A_283 : memref<1x128x64xf32, #tpu.memory_space<vmem>> -> memref<128x64xf32, #tpu.memory_space<vmem>>
        %dma_wait3A_285 = arith.constant 0 : i32
        %dma_wait3A_286 = tpu.memref_slice %arg6[%add3A_151, %dma_wait3A_285] : memref<78x128xi32, #tpu.memory_space<vmem>> -> memref<1x128xi32, #tpu.memory_space<vmem>>
        %dma_wait3A_287 = tpu.memref_squeeze %dma_wait3A_286 : memref<1x128xi32, #tpu.memory_space<vmem>> -> memref<128xi32, #tpu.memory_space<vmem>>
        %dma_wait3A_288 = arith.constant 0 : i32
        %dma_wait3A_289 = arith.constant 0 : i32
        %dma_wait3A_290 = tpu.memref_slice %arg14[%dma_wait3A_288, %dma_wait3A_289] : memref<10240x64xf32, #tpu.memory_space<vmem_shared>> -> memref<10240x64xf32, #tpu.memory_space<vmem_shared>>
        tpu.wait_indirect_dma semaphore(%run_scoped3A_270 : memref<!tpu.dma_semaphore, #tpu.memory_space<semaphore_mem>>) src(%dma_wait3A_284 : memref<128x64xf32, #tpu.memory_space<vmem>>) dst(%dma_wait3A_290 : memref<10240x64xf32, #tpu.memory_space<vmem_shared>>)
        tpu.yield
      }) : () -> ()
      %add3A_167 = arith.constant 6 : i32
      %add3A_168 = arith.addi %add3A_151, %add3A_167 : i32
      %lt3A_169 = arith.constant 78 : i32
      %lt3A_170 = arith.cmpi slt, %add3A_168, %lt3A_169 : i32
      %convert_element_type3A_171 = arith.extui %lt3A_170 : i1 to i32
      %cond3A_172 = arith.constant 0 : i32
      %cond3A_173 = arith.cmpi ne, %convert_element_type3A_171, %cond3A_172 : i32
      scf.if %cond3A_173 {
        %dma_start3A_270 = arith.constant 1 : i32
        %dma_start3A_271 = arith.constant 1 : i32
        %dma_start3A_272 = arith.constant 0 : i32
        %dma_start3A_273 = arith.constant 0 : i32
        %dma_start3A_274 = tpu.memref_slice %arg9[%dma_start3A_270, %dma_start3A_272, %dma_start3A_273] : memref<6x128x64xf32, #tpu.memory_space<vmem>> -> memref<1x128x64xf32, #tpu.memory_space<vmem>>
        %dma_start3A_275 = tpu.memref_squeeze %dma_start3A_274 : memref<1x128x64xf32, #tpu.memory_space<vmem>> -> memref<128x64xf32, #tpu.memory_space<vmem>>
        %dma_start3A_276 = arith.constant 0 : i32
        %dma_start3A_277 = tpu.memref_slice %arg5[%add3A_168, %dma_start3A_276] : memref<78x128xi32, #tpu.memory_space<vmem>> -> memref<1x128xi32, #tpu.memory_space<vmem>>
        %dma_start3A_278 = tpu.memref_squeeze %dma_start3A_277 : memref<1x128xi32, #tpu.memory_space<vmem>> -> memref<128xi32, #tpu.memory_space<vmem>>
        %dma_start3A_279 = arith.constant 0 : i32
        %dma_start3A_280 = arith.constant 0 : i32
        %dma_start3A_281 = tpu.memref_slice %arg2[%dma_start3A_279, %dma_start3A_280] : memref<10240x64xf32, #tpu.memory_space<hbm>> -> memref<10240x64xf32, #tpu.memory_space<hbm>>
        %dma_start3A_282 = tpu.memref_slice %arg12[%dma_start3A_271] : memref<6x!tpu.dma_semaphore, #tpu.memory_space<semaphore_mem>> -> memref<1x!tpu.dma_semaphore, #tpu.memory_space<semaphore_mem>>
        %dma_start3A_283 = tpu.memref_squeeze %dma_start3A_282 : memref<1x!tpu.dma_semaphore, #tpu.memory_space<semaphore_mem>> -> memref<!tpu.dma_semaphore, #tpu.memory_space<semaphore_mem>>
        tpu.enqueue_indirect_dma source(%dma_start3A_281 : memref<10240x64xf32, #tpu.memory_space<hbm>>) target(%dma_start3A_275 : memref<128x64xf32, #tpu.memory_space<vmem>>) offsets(%dma_start3A_278 : memref<128xi32, #tpu.memory_space<vmem>>) semaphore(%dma_start3A_283 : memref<!tpu.dma_semaphore, #tpu.memory_space<semaphore_mem>>)
      } else {
      }
      %add3A_174 = arith.constant 2 : i32
      %add3A_175 = arith.addi %add3A_126, %add3A_174 : i32
      %dma_wait3A_176 = arith.constant 2 : i32
      %dma_wait3A_177 = arith.constant 2 : i32
      %dma_wait3A_178 = arith.constant 0 : i32
      %dma_wait3A_179 = arith.constant 0 : i32
      %dma_wait3A_180 = tpu.memref_slice %arg9[%dma_wait3A_176, %dma_wait3A_178, %dma_wait3A_179] : memref<6x128x64xf32, #tpu.memory_space<vmem>> -> memref<1x128x64xf32, #tpu.memory_space<vmem>>
      %dma_wait3A_181 = tpu.memref_squeeze %dma_wait3A_180 : memref<1x128x64xf32, #tpu.memory_space<vmem>> -> memref<128x64xf32, #tpu.memory_space<vmem>>
      %dma_wait3A_182 = arith.constant 0 : i32
      %dma_wait3A_183 = tpu.memref_slice %arg5[%add3A_175, %dma_wait3A_182] : memref<78x128xi32, #tpu.memory_space<vmem>> -> memref<1x128xi32, #tpu.memory_space<vmem>>
      %dma_wait3A_184 = tpu.memref_squeeze %dma_wait3A_183 : memref<1x128xi32, #tpu.memory_space<vmem>> -> memref<128xi32, #tpu.memory_space<vmem>>
      %dma_wait3A_185 = arith.constant 0 : i32
      %dma_wait3A_186 = arith.constant 0 : i32
      %dma_wait3A_187 = tpu.memref_slice %arg2[%dma_wait3A_185, %dma_wait3A_186] : memref<10240x64xf32, #tpu.memory_space<hbm>> -> memref<10240x64xf32, #tpu.memory_space<hbm>>
      %dma_wait3A_188 = tpu.memref_slice %arg12[%dma_wait3A_177] : memref<6x!tpu.dma_semaphore, #tpu.memory_space<semaphore_mem>> -> memref<1x!tpu.dma_semaphore, #tpu.memory_space<semaphore_mem>>
      %dma_wait3A_189 = tpu.memref_squeeze %dma_wait3A_188 : memref<1x!tpu.dma_semaphore, #tpu.memory_space<semaphore_mem>> -> memref<!tpu.dma_semaphore, #tpu.memory_space<semaphore_mem>>
      tpu.wait_indirect_dma semaphore(%dma_wait3A_189 : memref<!tpu.dma_semaphore, #tpu.memory_space<semaphore_mem>>) src(%dma_wait3A_187 : memref<10240x64xf32, #tpu.memory_space<hbm>>) dst(%dma_wait3A_181 : memref<128x64xf32, #tpu.memory_space<vmem>>)
      %run_scoped3A_190 = arith.constant 2 : i32
      "tpu.region"() ({
        %run_scoped3A_270 = tpu.sem_alloc : memref<!tpu.dma_semaphore, #tpu.memory_space<semaphore_mem>>
        %dma_start3A_271 = arith.constant 0 : i32
        %dma_start3A_272 = arith.constant 0 : i32
        %dma_start3A_273 = tpu.memref_slice %arg9[%run_scoped3A_190, %dma_start3A_271, %dma_start3A_272] : memref<6x128x64xf32, #tpu.memory_space<vmem>> -> memref<1x128x64xf32, #tpu.memory_space<vmem>>
        %dma_start3A_274 = tpu.memref_squeeze %dma_start3A_273 : memref<1x128x64xf32, #tpu.memory_space<vmem>> -> memref<128x64xf32, #tpu.memory_space<vmem>>
        %dma_start3A_275 = arith.constant 0 : i32
        %dma_start3A_276 = tpu.memref_slice %arg6[%add3A_175, %dma_start3A_275] : memref<78x128xi32, #tpu.memory_space<vmem>> -> memref<1x128xi32, #tpu.memory_space<vmem>>
        %dma_start3A_277 = tpu.memref_squeeze %dma_start3A_276 : memref<1x128xi32, #tpu.memory_space<vmem>> -> memref<128xi32, #tpu.memory_space<vmem>>
        %dma_start3A_278 = arith.constant 0 : i32
        %dma_start3A_279 = arith.constant 0 : i32
        %dma_start3A_280 = tpu.memref_slice %arg14[%dma_start3A_278, %dma_start3A_279] : memref<10240x64xf32, #tpu.memory_space<vmem_shared>> -> memref<10240x64xf32, #tpu.memory_space<vmem_shared>>
        tpu.enqueue_indirect_dma source(%dma_start3A_274 : memref<128x64xf32, #tpu.memory_space<vmem>>) target(%dma_start3A_280 : memref<10240x64xf32, #tpu.memory_space<vmem_shared>>) offsets(%dma_start3A_277 : memref<128xi32, #tpu.memory_space<vmem>>) semaphore(%run_scoped3A_270 : memref<!tpu.dma_semaphore, #tpu.memory_space<semaphore_mem>>) {add = true}
        %dma_wait3A_281 = arith.constant 0 : i32
        %dma_wait3A_282 = arith.constant 0 : i32
        %dma_wait3A_283 = tpu.memref_slice %arg9[%run_scoped3A_190, %dma_wait3A_281, %dma_wait3A_282] : memref<6x128x64xf32, #tpu.memory_space<vmem>> -> memref<1x128x64xf32, #tpu.memory_space<vmem>>
        %dma_wait3A_284 = tpu.memref_squeeze %dma_wait3A_283 : memref<1x128x64xf32, #tpu.memory_space<vmem>> -> memref<128x64xf32, #tpu.memory_space<vmem>>
        %dma_wait3A_285 = arith.constant 0 : i32
        %dma_wait3A_286 = tpu.memref_slice %arg6[%add3A_175, %dma_wait3A_285] : memref<78x128xi32, #tpu.memory_space<vmem>> -> memref<1x128xi32, #tpu.memory_space<vmem>>
        %dma_wait3A_287 = tpu.memref_squeeze %dma_wait3A_286 : memref<1x128xi32, #tpu.memory_space<vmem>> -> memref<128xi32, #tpu.memory_space<vmem>>
        %dma_wait3A_288 = arith.constant 0 : i32
        %dma_wait3A_289 = arith.constant 0 : i32
        %dma_wait3A_290 = tpu.memref_slice %arg14[%dma_wait3A_288, %dma_wait3A_289] : memref<10240x64xf32, #tpu.memory_space<vmem_shared>> -> memref<10240x64xf32, #tpu.memory_space<vmem_shared>>
        tpu.wait_indirect_dma semaphore(%run_scoped3A_270 : memref<!tpu.dma_semaphore, #tpu.memory_space<semaphore_mem>>) src(%dma_wait3A_284 : memref<128x64xf32, #tpu.memory_space<vmem>>) dst(%dma_wait3A_290 : memref<10240x64xf32, #tpu.memory_space<vmem_shared>>)
        tpu.yield
      }) : () -> ()
      %add3A_191 = arith.constant 6 : i32
      %add3A_192 = arith.addi %add3A_175, %add3A_191 : i32
      %lt3A_193 = arith.constant 78 : i32
      %lt3A_194 = arith.cmpi slt, %add3A_192, %lt3A_193 : i32
      %convert_element_type3A_195 = arith.extui %lt3A_194 : i1 to i32
      %cond3A_196 = arith.constant 0 : i32
      %cond3A_197 = arith.cmpi ne, %convert_element_type3A_195, %cond3A_196 : i32
      scf.if %cond3A_197 {
        %dma_start3A_270 = arith.constant 2 : i32
        %dma_start3A_271 = arith.constant 2 : i32
        %dma_start3A_272 = arith.constant 0 : i32
        %dma_start3A_273 = arith.constant 0 : i32
        %dma_start3A_274 = tpu.memref_slice %arg9[%dma_start3A_270, %dma_start3A_272, %dma_start3A_273] : memref<6x128x64xf32, #tpu.memory_space<vmem>> -> memref<1x128x64xf32, #tpu.memory_space<vmem>>
        %dma_start3A_275 = tpu.memref_squeeze %dma_start3A_274 : memref<1x128x64xf32, #tpu.memory_space<vmem>> -> memref<128x64xf32, #tpu.memory_space<vmem>>
        %dma_start3A_276 = arith.constant 0 : i32
        %dma_start3A_277 = tpu.memref_slice %arg5[%add3A_192, %dma_start3A_276] : memref<78x128xi32, #tpu.memory_space<vmem>> -> memref<1x128xi32, #tpu.memory_space<vmem>>
        %dma_start3A_278 = tpu.memref_squeeze %dma_start3A_277 : memref<1x128xi32, #tpu.memory_space<vmem>> -> memref<128xi32, #tpu.memory_space<vmem>>
        %dma_start3A_279 = arith.constant 0 : i32
        %dma_start3A_280 = arith.constant 0 : i32
        %dma_start3A_281 = tpu.memref_slice %arg2[%dma_start3A_279, %dma_start3A_280] : memref<10240x64xf32, #tpu.memory_space<hbm>> -> memref<10240x64xf32, #tpu.memory_space<hbm>>
        %dma_start3A_282 = tpu.memref_slice %arg12[%dma_start3A_271] : memref<6x!tpu.dma_semaphore, #tpu.memory_space<semaphore_mem>> -> memref<1x!tpu.dma_semaphore, #tpu.memory_space<semaphore_mem>>
        %dma_start3A_283 = tpu.memref_squeeze %dma_start3A_282 : memref<1x!tpu.dma_semaphore, #tpu.memory_space<semaphore_mem>> -> memref<!tpu.dma_semaphore, #tpu.memory_space<semaphore_mem>>
        tpu.enqueue_indirect_dma source(%dma_start3A_281 : memref<10240x64xf32, #tpu.memory_space<hbm>>) target(%dma_start3A_275 : memref<128x64xf32, #tpu.memory_space<vmem>>) offsets(%dma_start3A_278 : memref<128xi32, #tpu.memory_space<vmem>>) semaphore(%dma_start3A_283 : memref<!tpu.dma_semaphore, #tpu.memory_space<semaphore_mem>>)
      } else {
      }
      %add3A_198 = arith.constant 3 : i32
      %add3A_199 = arith.addi %add3A_126, %add3A_198 : i32
      %dma_wait3A_200 = arith.constant 3 : i32
      %dma_wait3A_201 = arith.constant 3 : i32
      %dma_wait3A_202 = arith.constant 0 : i32
      %dma_wait3A_203 = arith.constant 0 : i32
      %dma_wait3A_204 = tpu.memref_slice %arg9[%dma_wait3A_200, %dma_wait3A_202, %dma_wait3A_203] : memref<6x128x64xf32, #tpu.memory_space<vmem>> -> memref<1x128x64xf32, #tpu.memory_space<vmem>>
      %dma_wait3A_205 = tpu.memref_squeeze %dma_wait3A_204 : memref<1x128x64xf32, #tpu.memory_space<vmem>> -> memref<128x64xf32, #tpu.memory_space<vmem>>
      %dma_wait3A_206 = arith.constant 0 : i32
      %dma_wait3A_207 = tpu.memref_slice %arg5[%add3A_199, %dma_wait3A_206] : memref<78x128xi32, #tpu.memory_space<vmem>> -> memref<1x128xi32, #tpu.memory_space<vmem>>
      %dma_wait3A_208 = tpu.memref_squeeze %dma_wait3A_207 : memref<1x128xi32, #tpu.memory_space<vmem>> -> memref<128xi32, #tpu.memory_space<vmem>>
      %dma_wait3A_209 = arith.constant 0 : i32
      %dma_wait3A_210 = arith.constant 0 : i32
      %dma_wait3A_211 = tpu.memref_slice %arg2[%dma_wait3A_209, %dma_wait3A_210] : memref<10240x64xf32, #tpu.memory_space<hbm>> -> memref<10240x64xf32, #tpu.memory_space<hbm>>
      %dma_wait3A_212 = tpu.memref_slice %arg12[%dma_wait3A_201] : memref<6x!tpu.dma_semaphore, #tpu.memory_space<semaphore_mem>> -> memref<1x!tpu.dma_semaphore, #tpu.memory_space<semaphore_mem>>
      %dma_wait3A_213 = tpu.memref_squeeze %dma_wait3A_212 : memref<1x!tpu.dma_semaphore, #tpu.memory_space<semaphore_mem>> -> memref<!tpu.dma_semaphore, #tpu.memory_space<semaphore_mem>>
      tpu.wait_indirect_dma semaphore(%dma_wait3A_213 : memref<!tpu.dma_semaphore, #tpu.memory_space<semaphore_mem>>) src(%dma_wait3A_211 : memref<10240x64xf32, #tpu.memory_space<hbm>>) dst(%dma_wait3A_205 : memref<128x64xf32, #tpu.memory_space<vmem>>)
      %run_scoped3A_214 = arith.constant 3 : i32
      "tpu.region"() ({
        %run_scoped3A_270 = tpu.sem_alloc : memref<!tpu.dma_semaphore, #tpu.memory_space<semaphore_mem>>
        %dma_start3A_271 = arith.constant 0 : i32
        %dma_start3A_272 = arith.constant 0 : i32
        %dma_start3A_273 = tpu.memref_slice %arg9[%run_scoped3A_214, %dma_start3A_271, %dma_start3A_272] : memref<6x128x64xf32, #tpu.memory_space<vmem>> -> memref<1x128x64xf32, #tpu.memory_space<vmem>>
        %dma_start3A_274 = tpu.memref_squeeze %dma_start3A_273 : memref<1x128x64xf32, #tpu.memory_space<vmem>> -> memref<128x64xf32, #tpu.memory_space<vmem>>
        %dma_start3A_275 = arith.constant 0 : i32
        %dma_start3A_276 = tpu.memref_slice %arg6[%add3A_199, %dma_start3A_275] : memref<78x128xi32, #tpu.memory_space<vmem>> -> memref<1x128xi32, #tpu.memory_space<vmem>>
        %dma_start3A_277 = tpu.memref_squeeze %dma_start3A_276 : memref<1x128xi32, #tpu.memory_space<vmem>> -> memref<128xi32, #tpu.memory_space<vmem>>
        %dma_start3A_278 = arith.constant 0 : i32
        %dma_start3A_279 = arith.constant 0 : i32
        %dma_start3A_280 = tpu.memref_slice %arg14[%dma_start3A_278, %dma_start3A_279] : memref<10240x64xf32, #tpu.memory_space<vmem_shared>> -> memref<10240x64xf32, #tpu.memory_space<vmem_shared>>
        tpu.enqueue_indirect_dma source(%dma_start3A_274 : memref<128x64xf32, #tpu.memory_space<vmem>>) target(%dma_start3A_280 : memref<10240x64xf32, #tpu.memory_space<vmem_shared>>) offsets(%dma_start3A_277 : memref<128xi32, #tpu.memory_space<vmem>>) semaphore(%run_scoped3A_270 : memref<!tpu.dma_semaphore, #tpu.memory_space<semaphore_mem>>) {add = true}
        %dma_wait3A_281 = arith.constant 0 : i32
        %dma_wait3A_282 = arith.constant 0 : i32
        %dma_wait3A_283 = tpu.memref_slice %arg9[%run_scoped3A_214, %dma_wait3A_281, %dma_wait3A_282] : memref<6x128x64xf32, #tpu.memory_space<vmem>> -> memref<1x128x64xf32, #tpu.memory_space<vmem>>
        %dma_wait3A_284 = tpu.memref_squeeze %dma_wait3A_283 : memref<1x128x64xf32, #tpu.memory_space<vmem>> -> memref<128x64xf32, #tpu.memory_space<vmem>>
        %dma_wait3A_285 = arith.constant 0 : i32
        %dma_wait3A_286 = tpu.memref_slice %arg6[%add3A_199, %dma_wait3A_285] : memref<78x128xi32, #tpu.memory_space<vmem>> -> memref<1x128xi32, #tpu.memory_space<vmem>>
        %dma_wait3A_287 = tpu.memref_squeeze %dma_wait3A_286 : memref<1x128xi32, #tpu.memory_space<vmem>> -> memref<128xi32, #tpu.memory_space<vmem>>
        %dma_wait3A_288 = arith.constant 0 : i32
        %dma_wait3A_289 = arith.constant 0 : i32
        %dma_wait3A_290 = tpu.memref_slice %arg14[%dma_wait3A_288, %dma_wait3A_289] : memref<10240x64xf32, #tpu.memory_space<vmem_shared>> -> memref<10240x64xf32, #tpu.memory_space<vmem_shared>>
        tpu.wait_indirect_dma semaphore(%run_scoped3A_270 : memref<!tpu.dma_semaphore, #tpu.memory_space<semaphore_mem>>) src(%dma_wait3A_284 : memref<128x64xf32, #tpu.memory_space<vmem>>) dst(%dma_wait3A_290 : memref<10240x64xf32, #tpu.memory_space<vmem_shared>>)
        tpu.yield
      }) : () -> ()
      %add3A_215 = arith.constant 6 : i32
      %add3A_216 = arith.addi %add3A_199, %add3A_215 : i32
      %lt3A_217 = arith.constant 78 : i32
      %lt3A_218 = arith.cmpi slt, %add3A_216, %lt3A_217 : i32
      %convert_element_type3A_219 = arith.extui %lt3A_218 : i1 to i32
      %cond3A_220 = arith.constant 0 : i32
      %cond3A_221 = arith.cmpi ne, %convert_element_type3A_219, %cond3A_220 : i32
      scf.if %cond3A_221 {
        %dma_start3A_270 = arith.constant 3 : i32
        %dma_start3A_271 = arith.constant 3 : i32
        %dma_start3A_272 = arith.constant 0 : i32
        %dma_start3A_273 = arith.constant 0 : i32
        %dma_start3A_274 = tpu.memref_slice %arg9[%dma_start3A_270, %dma_start3A_272, %dma_start3A_273] : memref<6x128x64xf32, #tpu.memory_space<vmem>> -> memref<1x128x64xf32, #tpu.memory_space<vmem>>
        %dma_start3A_275 = tpu.memref_squeeze %dma_start3A_274 : memref<1x128x64xf32, #tpu.memory_space<vmem>> -> memref<128x64xf32, #tpu.memory_space<vmem>>
        %dma_start3A_276 = arith.constant 0 : i32
        %dma_start3A_277 = tpu.memref_slice %arg5[%add3A_216, %dma_start3A_276] : memref<78x128xi32, #tpu.memory_space<vmem>> -> memref<1x128xi32, #tpu.memory_space<vmem>>
        %dma_start3A_278 = tpu.memref_squeeze %dma_start3A_277 : memref<1x128xi32, #tpu.memory_space<vmem>> -> memref<128xi32, #tpu.memory_space<vmem>>
        %dma_start3A_279 = arith.constant 0 : i32
        %dma_start3A_280 = arith.constant 0 : i32
        %dma_start3A_281 = tpu.memref_slice %arg2[%dma_start3A_279, %dma_start3A_280] : memref<10240x64xf32, #tpu.memory_space<hbm>> -> memref<10240x64xf32, #tpu.memory_space<hbm>>
        %dma_start3A_282 = tpu.memref_slice %arg12[%dma_start3A_271] : memref<6x!tpu.dma_semaphore, #tpu.memory_space<semaphore_mem>> -> memref<1x!tpu.dma_semaphore, #tpu.memory_space<semaphore_mem>>
        %dma_start3A_283 = tpu.memref_squeeze %dma_start3A_282 : memref<1x!tpu.dma_semaphore, #tpu.memory_space<semaphore_mem>> -> memref<!tpu.dma_semaphore, #tpu.memory_space<semaphore_mem>>
        tpu.enqueue_indirect_dma source(%dma_start3A_281 : memref<10240x64xf32, #tpu.memory_space<hbm>>) target(%dma_start3A_275 : memref<128x64xf32, #tpu.memory_space<vmem>>) offsets(%dma_start3A_278 : memref<128xi32, #tpu.memory_space<vmem>>) semaphore(%dma_start3A_283 : memref<!tpu.dma_semaphore, #tpu.memory_space<semaphore_mem>>)
      } else {
      }
      %add3A_222 = arith.constant 4 : i32
      %add3A_223 = arith.addi %add3A_126, %add3A_222 : i32
      %dma_wait3A_224 = arith.constant 4 : i32
      %dma_wait3A_225 = arith.constant 4 : i32
      %dma_wait3A_226 = arith.constant 0 : i32
      %dma_wait3A_227 = arith.constant 0 : i32
      %dma_wait3A_228 = tpu.memref_slice %arg9[%dma_wait3A_224, %dma_wait3A_226, %dma_wait3A_227] : memref<6x128x64xf32, #tpu.memory_space<vmem>> -> memref<1x128x64xf32, #tpu.memory_space<vmem>>
      %dma_wait3A_229 = tpu.memref_squeeze %dma_wait3A_228 : memref<1x128x64xf32, #tpu.memory_space<vmem>> -> memref<128x64xf32, #tpu.memory_space<vmem>>
      %dma_wait3A_230 = arith.constant 0 : i32
      %dma_wait3A_231 = tpu.memref_slice %arg5[%add3A_223, %dma_wait3A_230] : memref<78x128xi32, #tpu.memory_space<vmem>> -> memref<1x128xi32, #tpu.memory_space<vmem>>
      %dma_wait3A_232 = tpu.memref_squeeze %dma_wait3A_231 : memref<1x128xi32, #tpu.memory_space<vmem>> -> memref<128xi32, #tpu.memory_space<vmem>>
      %dma_wait3A_233 = arith.constant 0 : i32
      %dma_wait3A_234 = arith.constant 0 : i32
      %dma_wait3A_235 = tpu.memref_slice %arg2[%dma_wait3A_233, %dma_wait3A_234] : memref<10240x64xf32, #tpu.memory_space<hbm>> -> memref<10240x64xf32, #tpu.memory_space<hbm>>
      %dma_wait3A_236 = tpu.memref_slice %arg12[%dma_wait3A_225] : memref<6x!tpu.dma_semaphore, #tpu.memory_space<semaphore_mem>> -> memref<1x!tpu.dma_semaphore, #tpu.memory_space<semaphore_mem>>
      %dma_wait3A_237 = tpu.memref_squeeze %dma_wait3A_236 : memref<1x!tpu.dma_semaphore, #tpu.memory_space<semaphore_mem>> -> memref<!tpu.dma_semaphore, #tpu.memory_space<semaphore_mem>>
      tpu.wait_indirect_dma semaphore(%dma_wait3A_237 : memref<!tpu.dma_semaphore, #tpu.memory_space<semaphore_mem>>) src(%dma_wait3A_235 : memref<10240x64xf32, #tpu.memory_space<hbm>>) dst(%dma_wait3A_229 : memref<128x64xf32, #tpu.memory_space<vmem>>)
      %run_scoped3A_238 = arith.constant 4 : i32
      "tpu.region"() ({
        %run_scoped3A_270 = tpu.sem_alloc : memref<!tpu.dma_semaphore, #tpu.memory_space<semaphore_mem>>
        %dma_start3A_271 = arith.constant 0 : i32
        %dma_start3A_272 = arith.constant 0 : i32
        %dma_start3A_273 = tpu.memref_slice %arg9[%run_scoped3A_238, %dma_start3A_271, %dma_start3A_272] : memref<6x128x64xf32, #tpu.memory_space<vmem>> -> memref<1x128x64xf32, #tpu.memory_space<vmem>>
        %dma_start3A_274 = tpu.memref_squeeze %dma_start3A_273 : memref<1x128x64xf32, #tpu.memory_space<vmem>> -> memref<128x64xf32, #tpu.memory_space<vmem>>
        %dma_start3A_275 = arith.constant 0 : i32
        %dma_start3A_276 = tpu.memref_slice %arg6[%add3A_223, %dma_start3A_275] : memref<78x128xi32, #tpu.memory_space<vmem>> -> memref<1x128xi32, #tpu.memory_space<vmem>>
        %dma_start3A_277 = tpu.memref_squeeze %dma_start3A_276 : memref<1x128xi32, #tpu.memory_space<vmem>> -> memref<128xi32, #tpu.memory_space<vmem>>
        %dma_start3A_278 = arith.constant 0 : i32
        %dma_start3A_279 = arith.constant 0 : i32
        %dma_start3A_280 = tpu.memref_slice %arg14[%dma_start3A_278, %dma_start3A_279] : memref<10240x64xf32, #tpu.memory_space<vmem_shared>> -> memref<10240x64xf32, #tpu.memory_space<vmem_shared>>
        tpu.enqueue_indirect_dma source(%dma_start3A_274 : memref<128x64xf32, #tpu.memory_space<vmem>>) target(%dma_start3A_280 : memref<10240x64xf32, #tpu.memory_space<vmem_shared>>) offsets(%dma_start3A_277 : memref<128xi32, #tpu.memory_space<vmem>>) semaphore(%run_scoped3A_270 : memref<!tpu.dma_semaphore, #tpu.memory_space<semaphore_mem>>) {add = true}
        %dma_wait3A_281 = arith.constant 0 : i32
        %dma_wait3A_282 = arith.constant 0 : i32
        %dma_wait3A_283 = tpu.memref_slice %arg9[%run_scoped3A_238, %dma_wait3A_281, %dma_wait3A_282] : memref<6x128x64xf32, #tpu.memory_space<vmem>> -> memref<1x128x64xf32, #tpu.memory_space<vmem>>
        %dma_wait3A_284 = tpu.memref_squeeze %dma_wait3A_283 : memref<1x128x64xf32, #tpu.memory_space<vmem>> -> memref<128x64xf32, #tpu.memory_space<vmem>>
        %dma_wait3A_285 = arith.constant 0 : i32
        %dma_wait3A_286 = tpu.memref_slice %arg6[%add3A_223, %dma_wait3A_285] : memref<78x128xi32, #tpu.memory_space<vmem>> -> memref<1x128xi32, #tpu.memory_space<vmem>>
        %dma_wait3A_287 = tpu.memref_squeeze %dma_wait3A_286 : memref<1x128xi32, #tpu.memory_space<vmem>> -> memref<128xi32, #tpu.memory_space<vmem>>
        %dma_wait3A_288 = arith.constant 0 : i32
        %dma_wait3A_289 = arith.constant 0 : i32
        %dma_wait3A_290 = tpu.memref_slice %arg14[%dma_wait3A_288, %dma_wait3A_289] : memref<10240x64xf32, #tpu.memory_space<vmem_shared>> -> memref<10240x64xf32, #tpu.memory_space<vmem_shared>>
        tpu.wait_indirect_dma semaphore(%run_scoped3A_270 : memref<!tpu.dma_semaphore, #tpu.memory_space<semaphore_mem>>) src(%dma_wait3A_284 : memref<128x64xf32, #tpu.memory_space<vmem>>) dst(%dma_wait3A_290 : memref<10240x64xf32, #tpu.memory_space<vmem_shared>>)
        tpu.yield
      }) : () -> ()
      %add3A_239 = arith.constant 6 : i32
      %add3A_240 = arith.addi %add3A_223, %add3A_239 : i32
      %lt3A_241 = arith.constant 78 : i32
      %lt3A_242 = arith.cmpi slt, %add3A_240, %lt3A_241 : i32
      %convert_element_type3A_243 = arith.extui %lt3A_242 : i1 to i32
      %cond3A_244 = arith.constant 0 : i32
      %cond3A_245 = arith.cmpi ne, %convert_element_type3A_243, %cond3A_244 : i32
      scf.if %cond3A_245 {
        %dma_start3A_270 = arith.constant 4 : i32
        %dma_start3A_271 = arith.constant 4 : i32
        %dma_start3A_272 = arith.constant 0 : i32
        %dma_start3A_273 = arith.constant 0 : i32
        %dma_start3A_274 = tpu.memref_slice %arg9[%dma_start3A_270, %dma_start3A_272, %dma_start3A_273] : memref<6x128x64xf32, #tpu.memory_space<vmem>> -> memref<1x128x64xf32, #tpu.memory_space<vmem>>
        %dma_start3A_275 = tpu.memref_squeeze %dma_start3A_274 : memref<1x128x64xf32, #tpu.memory_space<vmem>> -> memref<128x64xf32, #tpu.memory_space<vmem>>
        %dma_start3A_276 = arith.constant 0 : i32
        %dma_start3A_277 = tpu.memref_slice %arg5[%add3A_240, %dma_start3A_276] : memref<78x128xi32, #tpu.memory_space<vmem>> -> memref<1x128xi32, #tpu.memory_space<vmem>>
        %dma_start3A_278 = tpu.memref_squeeze %dma_start3A_277 : memref<1x128xi32, #tpu.memory_space<vmem>> -> memref<128xi32, #tpu.memory_space<vmem>>
        %dma_start3A_279 = arith.constant 0 : i32
        %dma_start3A_280 = arith.constant 0 : i32
        %dma_start3A_281 = tpu.memref_slice %arg2[%dma_start3A_279, %dma_start3A_280] : memref<10240x64xf32, #tpu.memory_space<hbm>> -> memref<10240x64xf32, #tpu.memory_space<hbm>>
        %dma_start3A_282 = tpu.memref_slice %arg12[%dma_start3A_271] : memref<6x!tpu.dma_semaphore, #tpu.memory_space<semaphore_mem>> -> memref<1x!tpu.dma_semaphore, #tpu.memory_space<semaphore_mem>>
        %dma_start3A_283 = tpu.memref_squeeze %dma_start3A_282 : memref<1x!tpu.dma_semaphore, #tpu.memory_space<semaphore_mem>> -> memref<!tpu.dma_semaphore, #tpu.memory_space<semaphore_mem>>
        tpu.enqueue_indirect_dma source(%dma_start3A_281 : memref<10240x64xf32, #tpu.memory_space<hbm>>) target(%dma_start3A_275 : memref<128x64xf32, #tpu.memory_space<vmem>>) offsets(%dma_start3A_278 : memref<128xi32, #tpu.memory_space<vmem>>) semaphore(%dma_start3A_283 : memref<!tpu.dma_semaphore, #tpu.memory_space<semaphore_mem>>)
      } else {
      }
      %add3A_246 = arith.constant 5 : i32
      %add3A_247 = arith.addi %add3A_126, %add3A_246 : i32
      %dma_wait3A_248 = arith.constant 5 : i32
      %dma_wait3A_249 = arith.constant 5 : i32
      %dma_wait3A_250 = arith.constant 0 : i32
      %dma_wait3A_251 = arith.constant 0 : i32
      %dma_wait3A_252 = tpu.memref_slice %arg9[%dma_wait3A_248, %dma_wait3A_250, %dma_wait3A_251] : memref<6x128x64xf32, #tpu.memory_space<vmem>> -> memref<1x128x64xf32, #tpu.memory_space<vmem>>
      %dma_wait3A_253 = tpu.memref_squeeze %dma_wait3A_252 : memref<1x128x64xf32, #tpu.memory_space<vmem>> -> memref<128x64xf32, #tpu.memory_space<vmem>>
      %dma_wait3A_254 = arith.constant 0 : i32
      %dma_wait3A_255 = tpu.memref_slice %arg5[%add3A_247, %dma_wait3A_254] : memref<78x128xi32, #tpu.memory_space<vmem>> -> memref<1x128xi32, #tpu.memory_space<vmem>>
      %dma_wait3A_256 = tpu.memref_squeeze %dma_wait3A_255 : memref<1x128xi32, #tpu.memory_space<vmem>> -> memref<128xi32, #tpu.memory_space<vmem>>
      %dma_wait3A_257 = arith.constant 0 : i32
      %dma_wait3A_258 = arith.constant 0 : i32
      %dma_wait3A_259 = tpu.memref_slice %arg2[%dma_wait3A_257, %dma_wait3A_258] : memref<10240x64xf32, #tpu.memory_space<hbm>> -> memref<10240x64xf32, #tpu.memory_space<hbm>>
      %dma_wait3A_260 = tpu.memref_slice %arg12[%dma_wait3A_249] : memref<6x!tpu.dma_semaphore, #tpu.memory_space<semaphore_mem>> -> memref<1x!tpu.dma_semaphore, #tpu.memory_space<semaphore_mem>>
      %dma_wait3A_261 = tpu.memref_squeeze %dma_wait3A_260 : memref<1x!tpu.dma_semaphore, #tpu.memory_space<semaphore_mem>> -> memref<!tpu.dma_semaphore, #tpu.memory_space<semaphore_mem>>
      tpu.wait_indirect_dma semaphore(%dma_wait3A_261 : memref<!tpu.dma_semaphore, #tpu.memory_space<semaphore_mem>>) src(%dma_wait3A_259 : memref<10240x64xf32, #tpu.memory_space<hbm>>) dst(%dma_wait3A_253 : memref<128x64xf32, #tpu.memory_space<vmem>>)
      %run_scoped3A_262 = arith.constant 5 : i32
      "tpu.region"() ({
        %run_scoped3A_270 = tpu.sem_alloc : memref<!tpu.dma_semaphore, #tpu.memory_space<semaphore_mem>>
        %dma_start3A_271 = arith.constant 0 : i32
        %dma_start3A_272 = arith.constant 0 : i32
        %dma_start3A_273 = tpu.memref_slice %arg9[%run_scoped3A_262, %dma_start3A_271, %dma_start3A_272] : memref<6x128x64xf32, #tpu.memory_space<vmem>> -> memref<1x128x64xf32, #tpu.memory_space<vmem>>
        %dma_start3A_274 = tpu.memref_squeeze %dma_start3A_273 : memref<1x128x64xf32, #tpu.memory_space<vmem>> -> memref<128x64xf32, #tpu.memory_space<vmem>>
        %dma_start3A_275 = arith.constant 0 : i32
        %dma_start3A_276 = tpu.memref_slice %arg6[%add3A_247, %dma_start3A_275] : memref<78x128xi32, #tpu.memory_space<vmem>> -> memref<1x128xi32, #tpu.memory_space<vmem>>
        %dma_start3A_277 = tpu.memref_squeeze %dma_start3A_276 : memref<1x128xi32, #tpu.memory_space<vmem>> -> memref<128xi32, #tpu.memory_space<vmem>>
        %dma_start3A_278 = arith.constant 0 : i32
        %dma_start3A_279 = arith.constant 0 : i32
        %dma_start3A_280 = tpu.memref_slice %arg14[%dma_start3A_278, %dma_start3A_279] : memref<10240x64xf32, #tpu.memory_space<vmem_shared>> -> memref<10240x64xf32, #tpu.memory_space<vmem_shared>>
        tpu.enqueue_indirect_dma source(%dma_start3A_274 : memref<128x64xf32, #tpu.memory_space<vmem>>) target(%dma_start3A_280 : memref<10240x64xf32, #tpu.memory_space<vmem_shared>>) offsets(%dma_start3A_277 : memref<128xi32, #tpu.memory_space<vmem>>) semaphore(%run_scoped3A_270 : memref<!tpu.dma_semaphore, #tpu.memory_space<semaphore_mem>>) {add = true}
        %dma_wait3A_281 = arith.constant 0 : i32
        %dma_wait3A_282 = arith.constant 0 : i32
        %dma_wait3A_283 = tpu.memref_slice %arg9[%run_scoped3A_262, %dma_wait3A_281, %dma_wait3A_282] : memref<6x128x64xf32, #tpu.memory_space<vmem>> -> memref<1x128x64xf32, #tpu.memory_space<vmem>>
        %dma_wait3A_284 = tpu.memref_squeeze %dma_wait3A_283 : memref<1x128x64xf32, #tpu.memory_space<vmem>> -> memref<128x64xf32, #tpu.memory_space<vmem>>
        %dma_wait3A_285 = arith.constant 0 : i32
        %dma_wait3A_286 = tpu.memref_slice %arg6[%add3A_247, %dma_wait3A_285] : memref<78x128xi32, #tpu.memory_space<vmem>> -> memref<1x128xi32, #tpu.memory_space<vmem>>
        %dma_wait3A_287 = tpu.memref_squeeze %dma_wait3A_286 : memref<1x128xi32, #tpu.memory_space<vmem>> -> memref<128xi32, #tpu.memory_space<vmem>>
        %dma_wait3A_288 = arith.constant 0 : i32
        %dma_wait3A_289 = arith.constant 0 : i32
        %dma_wait3A_290 = tpu.memref_slice %arg14[%dma_wait3A_288, %dma_wait3A_289] : memref<10240x64xf32, #tpu.memory_space<vmem_shared>> -> memref<10240x64xf32, #tpu.memory_space<vmem_shared>>
        tpu.wait_indirect_dma semaphore(%run_scoped3A_270 : memref<!tpu.dma_semaphore, #tpu.memory_space<semaphore_mem>>) src(%dma_wait3A_284 : memref<128x64xf32, #tpu.memory_space<vmem>>) dst(%dma_wait3A_290 : memref<10240x64xf32, #tpu.memory_space<vmem_shared>>)
        tpu.yield
      }) : () -> ()
      %add3A_263 = arith.constant 6 : i32
      %add3A_264 = arith.addi %add3A_247, %add3A_263 : i32
      %lt3A_265 = arith.constant 78 : i32
      %lt3A_266 = arith.cmpi slt, %add3A_264, %lt3A_265 : i32
      %convert_element_type3A_267 = arith.extui %lt3A_266 : i1 to i32
      %cond3A_268 = arith.constant 0 : i32
      %cond3A_269 = arith.cmpi ne, %convert_element_type3A_267, %cond3A_268 : i32
      scf.if %cond3A_269 {
        %dma_start3A_270 = arith.constant 5 : i32
        %dma_start3A_271 = arith.constant 5 : i32
        %dma_start3A_272 = arith.constant 0 : i32
        %dma_start3A_273 = arith.constant 0 : i32
        %dma_start3A_274 = tpu.memref_slice %arg9[%dma_start3A_270, %dma_start3A_272, %dma_start3A_273] : memref<6x128x64xf32, #tpu.memory_space<vmem>> -> memref<1x128x64xf32, #tpu.memory_space<vmem>>
        %dma_start3A_275 = tpu.memref_squeeze %dma_start3A_274 : memref<1x128x64xf32, #tpu.memory_space<vmem>> -> memref<128x64xf32, #tpu.memory_space<vmem>>
        %dma_start3A_276 = arith.constant 0 : i32
        %dma_start3A_277 = tpu.memref_slice %arg5[%add3A_264, %dma_start3A_276] : memref<78x128xi32, #tpu.memory_space<vmem>> -> memref<1x128xi32, #tpu.memory_space<vmem>>
        %dma_start3A_278 = tpu.memref_squeeze %dma_start3A_277 : memref<1x128xi32, #tpu.memory_space<vmem>> -> memref<128xi32, #tpu.memory_space<vmem>>
        %dma_start3A_279 = arith.constant 0 : i32
        %dma_start3A_280 = arith.constant 0 : i32
        %dma_start3A_281 = tpu.memref_slice %arg2[%dma_start3A_279, %dma_start3A_280] : memref<10240x64xf32, #tpu.memory_space<hbm>> -> memref<10240x64xf32, #tpu.memory_space<hbm>>
        %dma_start3A_282 = tpu.memref_slice %arg12[%dma_start3A_271] : memref<6x!tpu.dma_semaphore, #tpu.memory_space<semaphore_mem>> -> memref<1x!tpu.dma_semaphore, #tpu.memory_space<semaphore_mem>>
        %dma_start3A_283 = tpu.memref_squeeze %dma_start3A_282 : memref<1x!tpu.dma_semaphore, #tpu.memory_space<semaphore_mem>> -> memref<!tpu.dma_semaphore, #tpu.memory_space<semaphore_mem>>
        tpu.enqueue_indirect_dma source(%dma_start3A_281 : memref<10240x64xf32, #tpu.memory_space<hbm>>) target(%dma_start3A_275 : memref<128x64xf32, #tpu.memory_space<vmem>>) offsets(%dma_start3A_278 : memref<128xi32, #tpu.memory_space<vmem>>) semaphore(%dma_start3A_283 : memref<!tpu.dma_semaphore, #tpu.memory_space<semaphore_mem>>)
      } else {
      }
    }
    %scan3A_110 = arith.constant 13 : i32
    %lt3A_111 = arith.constant 4 : i32
    %lt3A_112 = arith.cmpi slt, %add3A, %lt3A_111 : i32
    %convert_element_type3A_113 = arith.extui %lt3A_112 : i1 to i32
    %cond3A_114 = arith.constant 0 : i32
    %cond3A_115 = arith.cmpi ne, %convert_element_type3A_113, %cond3A_114 : i32
    scf.if %cond3A_115 {
      %dma_wait3A = arith.constant 0 : i32
      %dma_wait3A_122 = arith.constant 0 : i32
      %dma_wait3A_123 = tpu.memref_slice %arg7[%dma_wait3A, %dma_wait3A_122] : memref<1x128xi32, #tpu.memory_space<vmem>> -> memref<1x128xi32, #tpu.memory_space<vmem>>
      %dma_wait3A_124 = tpu.memref_squeeze %dma_wait3A_123 : memref<1x128xi32, #tpu.memory_space<vmem>> -> memref<128xi32, #tpu.memory_space<vmem>>
      %dma_wait3A_125 = arith.constant 0 : i32
      %dma_wait3A_126 = arith.constant 0 : i32
      %dma_wait3A_127 = tpu.memref_slice %arg2[%dma_wait3A_125, %dma_wait3A_126] : memref<10240x64xf32, #tpu.memory_space<hbm>> -> memref<10240x64xf32, #tpu.memory_space<hbm>>
      tpu.wait_indirect_dma semaphore(%arg13 : memref<!tpu.dma_semaphore, #tpu.memory_space<semaphore_mem>>) src(%dma_wait3A_127 : memref<10240x64xf32, #tpu.memory_space<hbm>>) dst(%arg10 : memref<128x64xf32, #tpu.memory_space<vmem>>)
      %run_scoped3A_128 = arith.constant 0 : i32
      "tpu.region"() ({
        %run_scoped3A_129 = tpu.sem_alloc : memref<!tpu.dma_semaphore, #tpu.memory_space<semaphore_mem>>
        %dma_start3A_130 = arith.constant 0 : i32
        %dma_start3A_131 = tpu.memref_slice %arg8[%run_scoped3A_128, %dma_start3A_130] : memref<1x128xi32, #tpu.memory_space<vmem>> -> memref<1x128xi32, #tpu.memory_space<vmem>>
        %dma_start3A_132 = tpu.memref_squeeze %dma_start3A_131 : memref<1x128xi32, #tpu.memory_space<vmem>> -> memref<128xi32, #tpu.memory_space<vmem>>
        %dma_start3A_133 = arith.constant 0 : i32
        %dma_start3A_134 = arith.constant 0 : i32
        %dma_start3A_135 = tpu.memref_slice %arg14[%dma_start3A_133, %dma_start3A_134] : memref<10240x64xf32, #tpu.memory_space<vmem_shared>> -> memref<10240x64xf32, #tpu.memory_space<vmem_shared>>
        tpu.enqueue_indirect_dma source(%arg10 : memref<128x64xf32, #tpu.memory_space<vmem>>) target(%dma_start3A_135 : memref<10240x64xf32, #tpu.memory_space<vmem_shared>>) offsets(%dma_start3A_132 : memref<128xi32, #tpu.memory_space<vmem>>) semaphore(%run_scoped3A_129 : memref<!tpu.dma_semaphore, #tpu.memory_space<semaphore_mem>>) {add = true}
        %dma_wait3A_136 = arith.constant 0 : i32
        %dma_wait3A_137 = tpu.memref_slice %arg8[%run_scoped3A_128, %dma_wait3A_136] : memref<1x128xi32, #tpu.memory_space<vmem>> -> memref<1x128xi32, #tpu.memory_space<vmem>>
        %dma_wait3A_138 = tpu.memref_squeeze %dma_wait3A_137 : memref<1x128xi32, #tpu.memory_space<vmem>> -> memref<128xi32, #tpu.memory_space<vmem>>
        %dma_wait3A_139 = arith.constant 0 : i32
        %dma_wait3A_140 = arith.constant 0 : i32
        %dma_wait3A_141 = tpu.memref_slice %arg14[%dma_wait3A_139, %dma_wait3A_140] : memref<10240x64xf32, #tpu.memory_space<vmem_shared>> -> memref<10240x64xf32, #tpu.memory_space<vmem_shared>>
        tpu.wait_indirect_dma semaphore(%run_scoped3A_129 : memref<!tpu.dma_semaphore, #tpu.memory_space<semaphore_mem>>) src(%arg10 : memref<128x64xf32, #tpu.memory_space<vmem>>) dst(%dma_wait3A_141 : memref<10240x64xf32, #tpu.memory_space<vmem_shared>>)
        tpu.yield
      }) : () -> ()
    } else {
    }
    %barrier3A_116 = arith.constant 0 : index
    tpu.barrier barrier_id(%barrier3A_116)
    %scan3A_117 = arith.constant 0 : i32
    %scan3A_118 = arith.constant 5 : i32
    %scan3A_119 = arith.addi %scan3A_117, %scan3A_118 : i32
    %scan3A_120 = arith.constant 1 : i32
    scf.for %scan3A_122 = %scan3A_117 to %scan3A_119 step %scan3A_120  : i32 {
      %mul3A_123 = arith.constant 1 : i32
      %mul3A_124 = arith.muli %scan3A_122, %mul3A_123 : i32
      %add3A_125 = arith.constant 0 : i32
      %add3A_126 = arith.addi %add3A_125, %mul3A_124 : i32
      %mul3A_127 = arith.constant 640 : i32
      %mul3A_128 = arith.muli %arg1, %mul3A_127 : i32
      %mul3A_129 = arith.constant 128 : i32
      %mul3A_130 = arith.muli %add3A_126, %mul3A_129 : i32
      %add3A_131 = arith.addi %mul3A_128, %mul3A_130 : i32
      "tpu.region"() ({
        %run_scoped3A_137 = tpu.sem_alloc : memref<!tpu.dma_semaphore, #tpu.memory_space<semaphore_mem>>
        %dma_start3A_138 = arith.constant 0 : i32
        %dma_start3A_139 = tpu.memref_slice %arg14[%add3A_131, %dma_start3A_138] : memref<10240x64xf32, #tpu.memory_space<vmem_shared>> -> memref<128x64xf32, #tpu.memory_space<vmem_shared>>
        %dma_start3A_140 = arith.constant 0 : i32
        %dma_start3A_141 = tpu.memref_slice %arg14[%add3A_131, %dma_start3A_140] : memref<10240x64xf32, #tpu.memory_space<vmem_shared>> -> memref<128x64xf32, #tpu.memory_space<vmem_shared>>
        tpu.enqueue_dma source(%dma_start3A_141 : memref<128x64xf32, #tpu.memory_space<vmem_shared>>) target(%arg11 : memref<128x64xf32, #tpu.memory_space<vmem>>) target_semaphore(%run_scoped3A_137 : memref<!tpu.dma_semaphore, #tpu.memory_space<semaphore_mem>>)
        %dma_wait3A = arith.constant 0 : i32
        %dma_wait3A_142 = tpu.memref_slice %arg14[%add3A_131, %dma_wait3A] : memref<10240x64xf32, #tpu.memory_space<vmem_shared>> -> memref<128x64xf32, #tpu.memory_space<vmem_shared>>
        %dma_wait3A_143 = arith.constant 0 : i32
        %dma_wait3A_144 = tpu.memref_slice %arg14[%add3A_131, %dma_wait3A_143] : memref<10240x64xf32, #tpu.memory_space<vmem_shared>> -> memref<128x64xf32, #tpu.memory_space<vmem_shared>>
        tpu.wait_dma2 semaphore(%run_scoped3A_137 : memref<!tpu.dma_semaphore, #tpu.memory_space<semaphore_mem>>) src(%dma_wait3A_144 : memref<128x64xf32, #tpu.memory_space<vmem_shared>>) dst(%arg11 : memref<128x64xf32, #tpu.memory_space<vmem>>)
        tpu.yield
      }) : () -> ()
      %mul3A_132 = arith.constant 640 : i32
      %mul3A_133 = arith.muli %arg1, %mul3A_132 : i32
      %mul3A_134 = arith.constant 128 : i32
      %mul3A_135 = arith.muli %add3A_126, %mul3A_134 : i32
      %add3A_136 = arith.addi %mul3A_133, %mul3A_135 : i32
      "tpu.region"() ({
        %run_scoped3A_137 = tpu.sem_alloc : memref<!tpu.dma_semaphore, #tpu.memory_space<semaphore_mem>>
        %dma_start3A_138 = arith.constant 0 : i32
        %dma_start3A_139 = tpu.memref_slice %arg4[%arg0, %add3A_136, %dma_start3A_138] : memref<2x10240x64xf32, #tpu.memory_space<hbm>> -> memref<1x128x64xf32, #tpu.memory_space<hbm>>
        %dma_start3A_140 = tpu.memref_squeeze %dma_start3A_139 : memref<1x128x64xf32, #tpu.memory_space<hbm>> -> memref<128x64xf32, #tpu.memory_space<hbm>>
        %dma_start3A_141 = arith.constant 0 : i32
        %dma_start3A_142 = tpu.memref_slice %arg4[%arg0, %add3A_136, %dma_start3A_141] : memref<2x10240x64xf32, #tpu.memory_space<hbm>> -> memref<1x128x64xf32, #tpu.memory_space<hbm>>
        %dma_start3A_143 = tpu.memref_squeeze %dma_start3A_142 : memref<1x128x64xf32, #tpu.memory_space<hbm>> -> memref<128x64xf32, #tpu.memory_space<hbm>>
        tpu.enqueue_dma source(%arg11 : memref<128x64xf32, #tpu.memory_space<vmem>>) target(%dma_start3A_143 : memref<128x64xf32, #tpu.memory_space<hbm>>) target_semaphore(%run_scoped3A_137 : memref<!tpu.dma_semaphore, #tpu.memory_space<semaphore_mem>>)
        %dma_wait3A = arith.constant 0 : i32
        %dma_wait3A_144 = tpu.memref_slice %arg4[%arg0, %add3A_136, %dma_wait3A] : memref<2x10240x64xf32, #tpu.memory_space<hbm>> -> memref<1x128x64xf32, #tpu.memory_space<hbm>>
        %dma_wait3A_145 = tpu.memref_squeeze %dma_wait3A_144 : memref<1x128x64xf32, #tpu.memory_space<hbm>> -> memref<128x64xf32, #tpu.memory_space<hbm>>
        %dma_wait3A_146 = arith.constant 0 : i32
        %dma_wait3A_147 = tpu.memref_slice %arg4[%arg0, %add3A_136, %dma_wait3A_146] : memref<2x10240x64xf32, #tpu.memory_space<hbm>> -> memref<1x128x64xf32, #tpu.memory_space<hbm>>
        %dma_wait3A_148 = tpu.memref_squeeze %dma_wait3A_147 : memref<1x128x64xf32, #tpu.memory_space<hbm>> -> memref<128x64xf32, #tpu.memory_space<hbm>>
        tpu.wait_dma2 semaphore(%run_scoped3A_137 : memref<!tpu.dma_semaphore, #tpu.memory_space<semaphore_mem>>) src(%arg11 : memref<128x64xf32, #tpu.memory_space<vmem>>) dst(%dma_wait3A_148 : memref<128x64xf32, #tpu.memory_space<hbm>>)
        tpu.yield
      }) : () -> ()
    }
    %scan3A_121 = arith.constant 5 : i32
    return
  }
}

#map = affine_map<(d0, d1) -> (0, 0)>
#map1 = affine_map<(d0, d1) -> (0, 0, 0)>
module attributes {stable_mosaic.version = 14 : i64} {
  func.func @_agg_body(%arg0: i32, %arg1: i32, %arg2: memref<10240x64xf32, #tpu.memory_space<hbm>>, %arg3: memref<2x2500x128xi32, #tpu.memory_space<hbm>>, %arg4: memref<2x10240x64xf32, #tpu.memory_space<hbm>>, %arg5: memref<78x128xi32, #tpu.memory_space<vmem>>, %arg6: memref<78x128xi32, #tpu.memory_space<vmem>>, %arg7: memref<1x128xi32, #tpu.memory_space<vmem>>, %arg8: memref<1x128xi32, #tpu.memory_space<vmem>>, %arg9: memref<6x128x64xf32, #tpu.memory_space<vmem>>, %arg10: memref<128x64xf32, #tpu.memory_space<vmem>>, %arg11: memref<128x64xf32, #tpu.memory_space<vmem>>, %arg12: memref<6x!tpu.dma_semaphore, #tpu.memory_space<semaphore_mem>>, %arg13: memref<!tpu.dma_semaphore, #tpu.memory_space<semaphore_mem>>, %arg14: memref<10240x64xf32, #tpu.memory_space<vmem_shared>>) attributes {dimension_semantics = [#tpu.dimension_semantics<core_parallel>, #tpu.dimension_semantics<subcore_parallel>], iteration_bounds = array<i64: 2, 16>, scalar_prefetch = 0 : i64, scratch_operands = 10 : i64, tpu.core_type = #tpu.core_type<sc_vector_subcore>, window_params = [{transform_indices = #map}, {transform_indices = #map1}, {transform_indices = #map1}]} {
    %mul3A = arith.constant 16 : i32
    %mul3A_0 = arith.muli %arg0, %mul3A : i32
    %add3A = arith.addi %mul3A_0, %arg1 : i32
    %scan3A = arith.constant 0 : i32
    %scan3A_1 = arith.constant 128 : i32
    %scan3A_2 = arith.addi %scan3A, %scan3A_1 : i32
    %scan3A_3 = arith.constant 1 : i32
    scf.for %scan3A_122 = %scan3A to %scan3A_2 step %scan3A_3  : i32 {
      %mul3A_123 = arith.constant 1 : i32
      %mul3A_124 = arith.muli %scan3A_122, %mul3A_123 : i32
      %add3A_125 = arith.constant 0 : i32
      %add3A_126 = arith.addi %add3A_125, %mul3A_124 : i32
      %broadcast_in_dim3A = arith.constant 0.000000e+00 : f32
      %broadcast_in_dim3A_127 = vector.broadcast %broadcast_in_dim3A : f32 to vector<16xf32>
      %swap3A = arith.index_cast %add3A_126 : i32 to index
      %swap3A_128 = arith.constant 0 : index
      %swap3A_129 = tpu.vector_load %arg11[%swap3A, %swap3A_128] {strides = array<i32>} : memref<128x64xf32, #tpu.memory_space<vmem>>, vector<1x16xf32>,
      %swap3A_130 = vector.shape_cast %swap3A_129 : vector<1x16xf32> to vector<16xf32>
      %swap3A_131 = vector.shape_cast %broadcast_in_dim3A_127 : vector<16xf32> to vector<1x16xf32>
      tpu.vector_store %arg11[%swap3A, %swap3A_128], %swap3A_131 {strides = array<i32>} : memref<128x64xf32, #tpu.memory_space<vmem>>, vector<1x16xf32>,
      %broadcast_in_dim3A_132 = arith.constant 0.000000e+00 : f32
      %broadcast_in_dim3A_133 = vector.broadcast %broadcast_in_dim3A_132 : f32 to vector<16xf32>
      %swap3A_134 = arith.index_cast %add3A_126 : i32 to index
      %swap3A_135 = arith.constant 16 : index
      %swap3A_136 = tpu.vector_load %arg11[%swap3A_134, %swap3A_135] {strides = array<i32>} : memref<128x64xf32, #tpu.memory_space<vmem>>, vector<1x16xf32>,
      %swap3A_137 = vector.shape_cast %swap3A_136 : vector<1x16xf32> to vector<16xf32>
      %swap3A_138 = vector.shape_cast %broadcast_in_dim3A_133 : vector<16xf32> to vector<1x16xf32>
      tpu.vector_store %arg11[%swap3A_134, %swap3A_135], %swap3A_138 {strides = array<i32>} : memref<128x64xf32, #tpu.memory_space<vmem>>, vector<1x16xf32>,
      %broadcast_in_dim3A_139 = arith.constant 0.000000e+00 : f32
      %broadcast_in_dim3A_140 = vector.broadcast %broadcast_in_dim3A_139 : f32 to vector<16xf32>
      %swap3A_141 = arith.index_cast %add3A_126 : i32 to index
      %swap3A_142 = arith.constant 32 : index
      %swap3A_143 = tpu.vector_load %arg11[%swap3A_141, %swap3A_142] {strides = array<i32>} : memref<128x64xf32, #tpu.memory_space<vmem>>, vector<1x16xf32>,
      %swap3A_144 = vector.shape_cast %swap3A_143 : vector<1x16xf32> to vector<16xf32>
      %swap3A_145 = vector.shape_cast %broadcast_in_dim3A_140 : vector<16xf32> to vector<1x16xf32>
      tpu.vector_store %arg11[%swap3A_141, %swap3A_142], %swap3A_145 {strides = array<i32>} : memref<128x64xf32, #tpu.memory_space<vmem>>, vector<1x16xf32>,
      %broadcast_in_dim3A_146 = arith.constant 0.000000e+00 : f32
      %broadcast_in_dim3A_147 = vector.broadcast %broadcast_in_dim3A_146 : f32 to vector<16xf32>
      %swap3A_148 = arith.index_cast %add3A_126 : i32 to index
      %swap3A_149 = arith.constant 48 : index
      %swap3A_150 = tpu.vector_load %arg11[%swap3A_148, %swap3A_149] {strides = array<i32>} : memref<128x64xf32, #tpu.memory_space<vmem>>, vector<1x16xf32>,
      %swap3A_151 = vector.shape_cast %swap3A_150 : vector<1x16xf32> to vector<16xf32>
      %swap3A_152 = vector.shape_cast %broadcast_in_dim3A_147 : vector<16xf32> to vector<1x16xf32>
      tpu.vector_store %arg11[%swap3A_148, %swap3A_149], %swap3A_152 {strides = array<i32>} : memref<128x64xf32, #tpu.memory_space<vmem>>, vector<1x16xf32>,
    }
    %scan3A_4 = arith.constant 128 : i32
    %scan3A_5 = arith.constant 0 : i32
    %scan3A_6 = arith.constant 5 : i32
    %scan3A_7 = arith.addi %scan3A_5, %scan3A_6 : i32
    %scan3A_8 = arith.constant 1 : i32
    scf.for %scan3A_122 = %scan3A_5 to %scan3A_7 step %scan3A_8  : i32 {
      %mul3A_123 = arith.constant 1 : i32
      %mul3A_124 = arith.muli %scan3A_122, %mul3A_123 : i32
      %add3A_125 = arith.constant 0 : i32
      %add3A_126 = arith.addi %add3A_125, %mul3A_124 : i32
      %mul3A_127 = arith.constant 640 : i32
      %mul3A_128 = arith.muli %arg1, %mul3A_127 : i32
      %mul3A_129 = arith.constant 128 : i32
      %mul3A_130 = arith.muli %add3A_126, %mul3A_129 : i32
      %add3A_131 = arith.addi %mul3A_128, %mul3A_130 : i32
      "tpu.region"() ({
        %run_scoped3A_132 = tpu.sem_alloc : memref<!tpu.dma_semaphore, #tpu.memory_space<semaphore_mem>>
        %dma_start3A_133 = arith.constant 0 : i32
        %dma_start3A_134 = tpu.memref_slice %arg14[%add3A_131, %dma_start3A_133] : memref<10240x64xf32, #tpu.memory_space<vmem_shared>> -> memref<128x64xf32, #tpu.memory_space<vmem_shared>>
        %dma_start3A_135 = arith.constant 0 : i32
        %dma_start3A_136 = tpu.memref_slice %arg14[%add3A_131, %dma_start3A_135] : memref<10240x64xf32, #tpu.memory_space<vmem_shared>> -> memref<128x64xf32, #tpu.memory_space<vmem_shared>>
        tpu.enqueue_dma source(%arg11 : memref<128x64xf32, #tpu.memory_space<vmem>>) target(%dma_start3A_136 : memref<128x64xf32, #tpu.memory_space<vmem_shared>>) target_semaphore(%run_scoped3A_132 : memref<!tpu.dma_semaphore, #tpu.memory_space<semaphore_mem>>)
        %dma_wait3A = arith.constant 0 : i32
        %dma_wait3A_137 = tpu.memref_slice %arg14[%add3A_131, %dma_wait3A] : memref<10240x64xf32, #tpu.memory_space<vmem_shared>> -> memref<128x64xf32, #tpu.memory_space<vmem_shared>>
        %dma_wait3A_138 = arith.constant 0 : i32
        %dma_wait3A_139 = tpu.memref_slice %arg14[%add3A_131, %dma_wait3A_138] : memref<10240x64xf32, #tpu.memory_space<vmem_shared>> -> memref<128x64xf32, #tpu.memory_space<vmem_shared>>
        tpu.wait_dma2 semaphore(%run_scoped3A_132 : memref<!tpu.dma_semaphore, #tpu.memory_space<semaphore_mem>>) src(%arg11 : memref<128x64xf32, #tpu.memory_space<vmem>>) dst(%dma_wait3A_139 : memref<128x64xf32, #tpu.memory_space<vmem_shared>>)
        tpu.yield
      }) : () -> ()
    }
    %scan3A_9 = arith.constant 5 : i32
    %mul3A_10 = arith.constant 78 : i32
    %mul3A_11 = arith.muli %add3A, %mul3A_10 : i32
    %run_scoped3A = arith.constant 0 : i32
    "tpu.region"() ({
      %run_scoped3A_122 = tpu.sem_alloc : memref<!tpu.dma_semaphore, #tpu.memory_space<semaphore_mem>>
      %dma_start3A_123 = arith.constant 0 : i32
      %dma_start3A_124 = tpu.memref_slice %arg3[%run_scoped3A, %mul3A_11, %dma_start3A_123] : memref<2x2500x128xi32, #tpu.memory_space<hbm>> -> memref<1x78x128xi32, #tpu.memory_space<hbm>>
      %dma_start3A_125 = tpu.memref_squeeze %dma_start3A_124 : memref<1x78x128xi32, #tpu.memory_space<hbm>> -> memref<78x128xi32, #tpu.memory_space<hbm>>
      %dma_start3A_126 = arith.constant 0 : i32
      %dma_start3A_127 = tpu.memref_slice %arg3[%run_scoped3A, %mul3A_11, %dma_start3A_126] : memref<2x2500x128xi32, #tpu.memory_space<hbm>> -> memref<1x78x128xi32, #tpu.memory_space<hbm>>
      %dma_start3A_128 = tpu.memref_squeeze %dma_start3A_127 : memref<1x78x128xi32, #tpu.memory_space<hbm>> -> memref<78x128xi32, #tpu.memory_space<hbm>>
      tpu.enqueue_dma source(%dma_start3A_128 : memref<78x128xi32, #tpu.memory_space<hbm>>) target(%arg5 : memref<78x128xi32, #tpu.memory_space<vmem>>) target_semaphore(%run_scoped3A_122 : memref<!tpu.dma_semaphore, #tpu.memory_space<semaphore_mem>>)
      %dma_wait3A = arith.constant 0 : i32
      %dma_wait3A_129 = tpu.memref_slice %arg3[%run_scoped3A, %mul3A_11, %dma_wait3A] : memref<2x2500x128xi32, #tpu.memory_space<hbm>> -> memref<1x78x128xi32, #tpu.memory_space<hbm>>
      %dma_wait3A_130 = tpu.memref_squeeze %dma_wait3A_129 : memref<1x78x128xi32, #tpu.memory_space<hbm>> -> memref<78x128xi32, #tpu.memory_space<hbm>>
      %dma_wait3A_131 = arith.constant 0 : i32
      %dma_wait3A_132 = tpu.memref_slice %arg3[%run_scoped3A, %mul3A_11, %dma_wait3A_131] : memref<2x2500x128xi32, #tpu.memory_space<hbm>> -> memref<1x78x128xi32, #tpu.memory_space<hbm>>
      %dma_wait3A_133 = tpu.memref_squeeze %dma_wait3A_132 : memref<1x78x128xi32, #tpu.memory_space<hbm>> -> memref<78x128xi32, #tpu.memory_space<hbm>>
      tpu.wait_dma2 semaphore(%run_scoped3A_122 : memref<!tpu.dma_semaphore, #tpu.memory_space<semaphore_mem>>) src(%dma_wait3A_133 : memref<78x128xi32, #tpu.memory_space<hbm>>) dst(%arg5 : memref<78x128xi32, #tpu.memory_space<vmem>>)
      tpu.yield
    }) : () -> ()
    %mul3A_12 = arith.constant 78 : i32
    %mul3A_13 = arith.muli %add3A, %mul3A_12 : i32
    %run_scoped3A_14 = arith.constant 1 : i32
    "tpu.region"() ({
      %run_scoped3A_122 = tpu.sem_alloc : memref<!tpu.dma_semaphore, #tpu.memory_space<semaphore_mem>>
      %dma_start3A_123 = arith.constant 0 : i32
      %dma_start3A_124 = tpu.memref_slice %arg3[%run_scoped3A_14, %mul3A_13, %dma_start3A_123] : memref<2x2500x128xi32, #tpu.memory_space<hbm>> -> memref<1x78x128xi32, #tpu.memory_space<hbm>>
      %dma_start3A_125 = tpu.memref_squeeze %dma_start3A_124 : memref<1x78x128xi32, #tpu.memory_space<hbm>> -> memref<78x128xi32, #tpu.memory_space<hbm>>
      %dma_start3A_126 = arith.constant 0 : i32
      %dma_start3A_127 = tpu.memref_slice %arg3[%run_scoped3A_14, %mul3A_13, %dma_start3A_126] : memref<2x2500x128xi32, #tpu.memory_space<hbm>> -> memref<1x78x128xi32, #tpu.memory_space<hbm>>
      %dma_start3A_128 = tpu.memref_squeeze %dma_start3A_127 : memref<1x78x128xi32, #tpu.memory_space<hbm>> -> memref<78x128xi32, #tpu.memory_space<hbm>>
      tpu.enqueue_dma source(%dma_start3A_128 : memref<78x128xi32, #tpu.memory_space<hbm>>) target(%arg6 : memref<78x128xi32, #tpu.memory_space<vmem>>) target_semaphore(%run_scoped3A_122 : memref<!tpu.dma_semaphore, #tpu.memory_space<semaphore_mem>>)
      %dma_wait3A = arith.constant 0 : i32
      %dma_wait3A_129 = tpu.memref_slice %arg3[%run_scoped3A_14, %mul3A_13, %dma_wait3A] : memref<2x2500x128xi32, #tpu.memory_space<hbm>> -> memref<1x78x128xi32, #tpu.memory_space<hbm>>
      %dma_wait3A_130 = tpu.memref_squeeze %dma_wait3A_129 : memref<1x78x128xi32, #tpu.memory_space<hbm>> -> memref<78x128xi32, #tpu.memory_space<hbm>>
      %dma_wait3A_131 = arith.constant 0 : i32
      %dma_wait3A_132 = tpu.memref_slice %arg3[%run_scoped3A_14, %mul3A_13, %dma_wait3A_131] : memref<2x2500x128xi32, #tpu.memory_space<hbm>> -> memref<1x78x128xi32, #tpu.memory_space<hbm>>
      %dma_wait3A_133 = tpu.memref_squeeze %dma_wait3A_132 : memref<1x78x128xi32, #tpu.memory_space<hbm>> -> memref<78x128xi32, #tpu.memory_space<hbm>>
      tpu.wait_dma2 semaphore(%run_scoped3A_122 : memref<!tpu.dma_semaphore, #tpu.memory_space<semaphore_mem>>) src(%dma_wait3A_133 : memref<78x128xi32, #tpu.memory_space<hbm>>) dst(%arg6 : memref<78x128xi32, #tpu.memory_space<vmem>>)
      tpu.yield
    }) : () -> ()
    %lt3A = arith.constant 4 : i32
    %lt3A_15 = arith.cmpi slt, %add3A, %lt3A : i32
    %convert_element_type3A = arith.extui %lt3A_15 : i1 to i32
    %cond3A = arith.constant 0 : i32
    %cond3A_16 = arith.cmpi ne, %convert_element_type3A, %cond3A : i32
    scf.if %cond3A_16 {
      %add3A_122 = arith.constant 2496 : i32
      %add3A_123 = arith.addi %add3A_122, %add3A : i32
      %run_scoped3A_124 = arith.constant 0 : i32
      "tpu.region"() ({
        %run_scoped3A_135 = tpu.sem_alloc : memref<!tpu.dma_semaphore, #tpu.memory_space<semaphore_mem>>
        %dma_start3A_136 = arith.constant 0 : i32
        %dma_start3A_137 = tpu.memref_slice %arg3[%run_scoped3A_124, %add3A_123, %dma_start3A_136] : memref<2x2500x128xi32, #tpu.memory_space<hbm>> -> memref<1x1x128xi32, #tpu.memory_space<hbm>>
        %dma_start3A_138 = tpu.memref_squeeze %dma_start3A_137 : memref<1x1x128xi32, #tpu.memory_space<hbm>> -> memref<1x128xi32, #tpu.memory_space<hbm>>
        %dma_start3A_139 = arith.constant 0 : i32
        %dma_start3A_140 = tpu.memref_slice %arg3[%run_scoped3A_124, %add3A_123, %dma_start3A_139] : memref<2x2500x128xi32, #tpu.memory_space<hbm>> -> memref<1x1x128xi32, #tpu.memory_space<hbm>>
        %dma_start3A_141 = tpu.memref_squeeze %dma_start3A_140 : memref<1x1x128xi32, #tpu.memory_space<hbm>> -> memref<1x128xi32, #tpu.memory_space<hbm>>
        tpu.enqueue_dma source(%dma_start3A_141 : memref<1x128xi32, #tpu.memory_space<hbm>>) target(%arg7 : memref<1x128xi32, #tpu.memory_space<vmem>>) target_semaphore(%run_scoped3A_135 : memref<!tpu.dma_semaphore, #tpu.memory_space<semaphore_mem>>)
        %dma_wait3A = arith.constant 0 : i32
        %dma_wait3A_142 = tpu.memref_slice %arg3[%run_scoped3A_124, %add3A_123, %dma_wait3A] : memref<2x2500x128xi32, #tpu.memory_space<hbm>> -> memref<1x1x128xi32, #tpu.memory_space<hbm>>
        %dma_wait3A_143 = tpu.memref_squeeze %dma_wait3A_142 : memref<1x1x128xi32, #tpu.memory_space<hbm>> -> memref<1x128xi32, #tpu.memory_space<hbm>>
        %dma_wait3A_144 = arith.constant 0 : i32
        %dma_wait3A_145 = tpu.memref_slice %arg3[%run_scoped3A_124, %add3A_123, %dma_wait3A_144] : memref<2x2500x128xi32, #tpu.memory_space<hbm>> -> memref<1x1x128xi32, #tpu.memory_space<hbm>>
        %dma_wait3A_146 = tpu.memref_squeeze %dma_wait3A_145 : memref<1x1x128xi32, #tpu.memory_space<hbm>> -> memref<1x128xi32, #tpu.memory_space<hbm>>
        tpu.wait_dma2 semaphore(%run_scoped3A_135 : memref<!tpu.dma_semaphore, #tpu.memory_space<semaphore_mem>>) src(%dma_wait3A_146 : memref<1x128xi32, #tpu.memory_space<hbm>>) dst(%arg7 : memref<1x128xi32, #tpu.memory_space<vmem>>)
        tpu.yield
      }) : () -> ()
      %add3A_125 = arith.constant 2496 : i32
      %add3A_126 = arith.addi %add3A_125, %add3A : i32
      %run_scoped3A_127 = arith.constant 1 : i32
      "tpu.region"() ({
        %run_scoped3A_135 = tpu.sem_alloc : memref<!tpu.dma_semaphore, #tpu.memory_space<semaphore_mem>>
        %dma_start3A_136 = arith.constant 0 : i32
        %dma_start3A_137 = tpu.memref_slice %arg3[%run_scoped3A_127, %add3A_126, %dma_start3A_136] : memref<2x2500x128xi32, #tpu.memory_space<hbm>> -> memref<1x1x128xi32, #tpu.memory_space<hbm>>
        %dma_start3A_138 = tpu.memref_squeeze %dma_start3A_137 : memref<1x1x128xi32, #tpu.memory_space<hbm>> -> memref<1x128xi32, #tpu.memory_space<hbm>>
        %dma_start3A_139 = arith.constant 0 : i32
        %dma_start3A_140 = tpu.memref_slice %arg3[%run_scoped3A_127, %add3A_126, %dma_start3A_139] : memref<2x2500x128xi32, #tpu.memory_space<hbm>> -> memref<1x1x128xi32, #tpu.memory_space<hbm>>
        %dma_start3A_141 = tpu.memref_squeeze %dma_start3A_140 : memref<1x1x128xi32, #tpu.memory_space<hbm>> -> memref<1x128xi32, #tpu.memory_space<hbm>>
        tpu.enqueue_dma source(%dma_start3A_141 : memref<1x128xi32, #tpu.memory_space<hbm>>) target(%arg8 : memref<1x128xi32, #tpu.memory_space<vmem>>) target_semaphore(%run_scoped3A_135 : memref<!tpu.dma_semaphore, #tpu.memory_space<semaphore_mem>>)
        %dma_wait3A = arith.constant 0 : i32
        %dma_wait3A_142 = tpu.memref_slice %arg3[%run_scoped3A_127, %add3A_126, %dma_wait3A] : memref<2x2500x128xi32, #tpu.memory_space<hbm>> -> memref<1x1x128xi32, #tpu.memory_space<hbm>>
        %dma_wait3A_143 = tpu.memref_squeeze %dma_wait3A_142 : memref<1x1x128xi32, #tpu.memory_space<hbm>> -> memref<1x128xi32, #tpu.memory_space<hbm>>
        %dma_wait3A_144 = arith.constant 0 : i32
        %dma_wait3A_145 = tpu.memref_slice %arg3[%run_scoped3A_127, %add3A_126, %dma_wait3A_144] : memref<2x2500x128xi32, #tpu.memory_space<hbm>> -> memref<1x1x128xi32, #tpu.memory_space<hbm>>
        %dma_wait3A_146 = tpu.memref_squeeze %dma_wait3A_145 : memref<1x1x128xi32, #tpu.memory_space<hbm>> -> memref<1x128xi32, #tpu.memory_space<hbm>>
        tpu.wait_dma2 semaphore(%run_scoped3A_135 : memref<!tpu.dma_semaphore, #tpu.memory_space<semaphore_mem>>) src(%dma_wait3A_146 : memref<1x128xi32, #tpu.memory_space<hbm>>) dst(%arg8 : memref<1x128xi32, #tpu.memory_space<vmem>>)
        tpu.yield
      }) : () -> ()
      %dma_start3A_128 = arith.constant 0 : i32
      %dma_start3A_129 = arith.constant 0 : i32
      %dma_start3A_130 = tpu.memref_slice %arg7[%dma_start3A_128, %dma_start3A_129] : memref<1x128xi32, #tpu.memory_space<vmem>> -> memref<1x128xi32, #tpu.memory_space<vmem>>
      %dma_start3A_131 = tpu.memref_squeeze %dma_start3A_130 : memref<1x128xi32, #tpu.memory_space<vmem>> -> memref<128xi32, #tpu.memory_space<vmem>>
      %dma_start3A_132 = arith.constant 0 : i32
      %dma_start3A_133 = arith.constant 0 : i32
      %dma_start3A_134 = tpu.memref_slice %arg2[%dma_start3A_132, %dma_start3A_133] : memref<10240x64xf32, #tpu.memory_space<hbm>> -> memref<10240x64xf32, #tpu.memory_space<hbm>>
      tpu.enqueue_indirect_dma source(%dma_start3A_134 : memref<10240x64xf32, #tpu.memory_space<hbm>>) target(%arg10 : memref<128x64xf32, #tpu.memory_space<vmem>>) offsets(%dma_start3A_131 : memref<128xi32, #tpu.memory_space<vmem>>) semaphore(%arg13 : memref<!tpu.dma_semaphore, #tpu.memory_space<semaphore_mem>>)
    } else {
    }
    %dma_start3A = arith.constant 0 : i32
    %dma_start3A_17 = arith.constant 0 : i32
    %dma_start3A_18 = arith.constant 0 : i32
    %dma_start3A_19 = arith.constant 0 : i32
    %dma_start3A_20 = arith.constant 0 : i32
    %dma_start3A_21 = tpu.memref_slice %arg9[%dma_start3A_17, %dma_start3A_19, %dma_start3A_20] : memref<6x128x64xf32, #tpu.memory_space<vmem>> -> memref<1x128x64xf32, #tpu.memory_space<vmem>>
    %dma_start3A_22 = tpu.memref_squeeze %dma_start3A_21 : memref<1x128x64xf32, #tpu.memory_space<vmem>> -> memref<128x64xf32, #tpu.memory_space<vmem>>
    %dma_start3A_23 = arith.constant 0 : i32
    %dma_start3A_24 = tpu.memref_slice %arg5[%dma_start3A, %dma_start3A_23] : memref<78x128xi32, #tpu.memory_space<vmem>> -> memref<1x128xi32, #tpu.memory_space<vmem>>
    %dma_start3A_25 = tpu.memref_squeeze %dma_start3A_24 : memref<1x128xi32, #tpu.memory_space<vmem>> -> memref<128xi32, #tpu.memory_space<vmem>>
    %dma_start3A_26 = arith.constant 0 : i32
    %dma_start3A_27 = arith.constant 0 : i32
    %dma_start3A_28 = tpu.memref_slice %arg2[%dma_start3A_26, %dma_start3A_27] : memref<10240x64xf32, #tpu.memory_space<hbm>> -> memref<10240x64xf32, #tpu.memory_space<hbm>>
    %dma_start3A_29 = tpu.memref_slice %arg12[%dma_start3A_18] : memref<6x!tpu.dma_semaphore, #tpu.memory_space<semaphore_mem>> -> memref<1x!tpu.dma_semaphore, #tpu.memory_space<semaphore_mem>>
    %dma_start3A_30 = tpu.memref_squeeze %dma_start3A_29 : memref<1x!tpu.dma_semaphore, #tpu.memory_space<semaphore_mem>> -> memref<!tpu.dma_semaphore, #tpu.memory_space<semaphore_mem>>
    tpu.enqueue_indirect_dma source(%dma_start3A_28 : memref<10240x64xf32, #tpu.memory_space<hbm>>) target(%dma_start3A_22 : memref<128x64xf32, #tpu.memory_space<vmem>>) offsets(%dma_start3A_25 : memref<128xi32, #tpu.memory_space<vmem>>) semaphore(%dma_start3A_30 : memref<!tpu.dma_semaphore, #tpu.memory_space<semaphore_mem>>)
    %dma_start3A_31 = arith.constant 1 : i32
    %dma_start3A_32 = arith.constant 1 : i32
    %dma_start3A_33 = arith.constant 1 : i32
    %dma_start3A_34 = arith.constant 0 : i32
    %dma_start3A_35 = arith.constant 0 : i32
    %dma_start3A_36 = tpu.memref_slice %arg9[%dma_start3A_32, %dma_start3A_34, %dma_start3A_35] : memref<6x128x64xf32, #tpu.memory_space<vmem>> -> memref<1x128x64xf32, #tpu.memory_space<vmem>>
    %dma_start3A_37 = tpu.memref_squeeze %dma_start3A_36 : memref<1x128x64xf32, #tpu.memory_space<vmem>> -> memref<128x64xf32, #tpu.memory_space<vmem>>
    %dma_start3A_38 = arith.constant 0 : i32
    %dma_start3A_39 = tpu.memref_slice %arg5[%dma_start3A_31, %dma_start3A_38] : memref<78x128xi32, #tpu.memory_space<vmem>> -> memref<1x128xi32, #tpu.memory_space<vmem>>
    %dma_start3A_40 = tpu.memref_squeeze %dma_start3A_39 : memref<1x128xi32, #tpu.memory_space<vmem>> -> memref<128xi32, #tpu.memory_space<vmem>>
    %dma_start3A_41 = arith.constant 0 : i32
    %dma_start3A_42 = arith.constant 0 : i32
    %dma_start3A_43 = tpu.memref_slice %arg2[%dma_start3A_41, %dma_start3A_42] : memref<10240x64xf32, #tpu.memory_space<hbm>> -> memref<10240x64xf32, #tpu.memory_space<hbm>>
    %dma_start3A_44 = tpu.memref_slice %arg12[%dma_start3A_33] : memref<6x!tpu.dma_semaphore, #tpu.memory_space<semaphore_mem>> -> memref<1x!tpu.dma_semaphore, #tpu.memory_space<semaphore_mem>>
    %dma_start3A_45 = tpu.memref_squeeze %dma_start3A_44 : memref<1x!tpu.dma_semaphore, #tpu.memory_space<semaphore_mem>> -> memref<!tpu.dma_semaphore, #tpu.memory_space<semaphore_mem>>
    tpu.enqueue_indirect_dma source(%dma_start3A_43 : memref<10240x64xf32, #tpu.memory_space<hbm>>) target(%dma_start3A_37 : memref<128x64xf32, #tpu.memory_space<vmem>>) offsets(%dma_start3A_40 : memref<128xi32, #tpu.memory_space<vmem>>) semaphore(%dma_start3A_45 : memref<!tpu.dma_semaphore, #tpu.memory_space<semaphore_mem>>)
    %dma_start3A_46 = arith.constant 2 : i32
    %dma_start3A_47 = arith.constant 2 : i32
    %dma_start3A_48 = arith.constant 2 : i32
    %dma_start3A_49 = arith.constant 0 : i32
    %dma_start3A_50 = arith.constant 0 : i32
    %dma_start3A_51 = tpu.memref_slice %arg9[%dma_start3A_47, %dma_start3A_49, %dma_start3A_50] : memref<6x128x64xf32, #tpu.memory_space<vmem>> -> memref<1x128x64xf32, #tpu.memory_space<vmem>>
    %dma_start3A_52 = tpu.memref_squeeze %dma_start3A_51 : memref<1x128x64xf32, #tpu.memory_space<vmem>> -> memref<128x64xf32, #tpu.memory_space<vmem>>
    %dma_start3A_53 = arith.constant 0 : i32
    %dma_start3A_54 = tpu.memref_slice %arg5[%dma_start3A_46, %dma_start3A_53] : memref<78x128xi32, #tpu.memory_space<vmem>> -> memref<1x128xi32, #tpu.memory_space<vmem>>
    %dma_start3A_55 = tpu.memref_squeeze %dma_start3A_54 : memref<1x128xi32, #tpu.memory_space<vmem>> -> memref<128xi32, #tpu.memory_space<vmem>>
    %dma_start3A_56 = arith.constant 0 : i32
    %dma_start3A_57 = arith.constant 0 : i32
    %dma_start3A_58 = tpu.memref_slice %arg2[%dma_start3A_56, %dma_start3A_57] : memref<10240x64xf32, #tpu.memory_space<hbm>> -> memref<10240x64xf32, #tpu.memory_space<hbm>>
    %dma_start3A_59 = tpu.memref_slice %arg12[%dma_start3A_48] : memref<6x!tpu.dma_semaphore, #tpu.memory_space<semaphore_mem>> -> memref<1x!tpu.dma_semaphore, #tpu.memory_space<semaphore_mem>>
    %dma_start3A_60 = tpu.memref_squeeze %dma_start3A_59 : memref<1x!tpu.dma_semaphore, #tpu.memory_space<semaphore_mem>> -> memref<!tpu.dma_semaphore, #tpu.memory_space<semaphore_mem>>
    tpu.enqueue_indirect_dma source(%dma_start3A_58 : memref<10240x64xf32, #tpu.memory_space<hbm>>) target(%dma_start3A_52 : memref<128x64xf32, #tpu.memory_space<vmem>>) offsets(%dma_start3A_55 : memref<128xi32, #tpu.memory_space<vmem>>) semaphore(%dma_start3A_60 : memref<!tpu.dma_semaphore, #tpu.memory_space<semaphore_mem>>)
    %dma_start3A_61 = arith.constant 3 : i32
    %dma_start3A_62 = arith.constant 3 : i32
    %dma_start3A_63 = arith.constant 3 : i32
    %dma_start3A_64 = arith.constant 0 : i32
    %dma_start3A_65 = arith.constant 0 : i32
    %dma_start3A_66 = tpu.memref_slice %arg9[%dma_start3A_62, %dma_start3A_64, %dma_start3A_65] : memref<6x128x64xf32, #tpu.memory_space<vmem>> -> memref<1x128x64xf32, #tpu.memory_space<vmem>>
    %dma_start3A_67 = tpu.memref_squeeze %dma_start3A_66 : memref<1x128x64xf32, #tpu.memory_space<vmem>> -> memref<128x64xf32, #tpu.memory_space<vmem>>
    %dma_start3A_68 = arith.constant 0 : i32
    %dma_start3A_69 = tpu.memref_slice %arg5[%dma_start3A_61, %dma_start3A_68] : memref<78x128xi32, #tpu.memory_space<vmem>> -> memref<1x128xi32, #tpu.memory_space<vmem>>
    %dma_start3A_70 = tpu.memref_squeeze %dma_start3A_69 : memref<1x128xi32, #tpu.memory_space<vmem>> -> memref<128xi32, #tpu.memory_space<vmem>>
    %dma_start3A_71 = arith.constant 0 : i32
    %dma_start3A_72 = arith.constant 0 : i32
    %dma_start3A_73 = tpu.memref_slice %arg2[%dma_start3A_71, %dma_start3A_72] : memref<10240x64xf32, #tpu.memory_space<hbm>> -> memref<10240x64xf32, #tpu.memory_space<hbm>>
    %dma_start3A_74 = tpu.memref_slice %arg12[%dma_start3A_63] : memref<6x!tpu.dma_semaphore, #tpu.memory_space<semaphore_mem>> -> memref<1x!tpu.dma_semaphore, #tpu.memory_space<semaphore_mem>>
    %dma_start3A_75 = tpu.memref_squeeze %dma_start3A_74 : memref<1x!tpu.dma_semaphore, #tpu.memory_space<semaphore_mem>> -> memref<!tpu.dma_semaphore, #tpu.memory_space<semaphore_mem>>
    tpu.enqueue_indirect_dma source(%dma_start3A_73 : memref<10240x64xf32, #tpu.memory_space<hbm>>) target(%dma_start3A_67 : memref<128x64xf32, #tpu.memory_space<vmem>>) offsets(%dma_start3A_70 : memref<128xi32, #tpu.memory_space<vmem>>) semaphore(%dma_start3A_75 : memref<!tpu.dma_semaphore, #tpu.memory_space<semaphore_mem>>)
    %dma_start3A_76 = arith.constant 4 : i32
    %dma_start3A_77 = arith.constant 4 : i32
    %dma_start3A_78 = arith.constant 4 : i32
    %dma_start3A_79 = arith.constant 0 : i32
    %dma_start3A_80 = arith.constant 0 : i32
    %dma_start3A_81 = tpu.memref_slice %arg9[%dma_start3A_77, %dma_start3A_79, %dma_start3A_80] : memref<6x128x64xf32, #tpu.memory_space<vmem>> -> memref<1x128x64xf32, #tpu.memory_space<vmem>>
    %dma_start3A_82 = tpu.memref_squeeze %dma_start3A_81 : memref<1x128x64xf32, #tpu.memory_space<vmem>> -> memref<128x64xf32, #tpu.memory_space<vmem>>
    %dma_start3A_83 = arith.constant 0 : i32
    %dma_start3A_84 = tpu.memref_slice %arg5[%dma_start3A_76, %dma_start3A_83] : memref<78x128xi32, #tpu.memory_space<vmem>> -> memref<1x128xi32, #tpu.memory_space<vmem>>
    %dma_start3A_85 = tpu.memref_squeeze %dma_start3A_84 : memref<1x128xi32, #tpu.memory_space<vmem>> -> memref<128xi32, #tpu.memory_space<vmem>>
    %dma_start3A_86 = arith.constant 0 : i32
    %dma_start3A_87 = arith.constant 0 : i32
    %dma_start3A_88 = tpu.memref_slice %arg2[%dma_start3A_86, %dma_start3A_87] : memref<10240x64xf32, #tpu.memory_space<hbm>> -> memref<10240x64xf32, #tpu.memory_space<hbm>>
    %dma_start3A_89 = tpu.memref_slice %arg12[%dma_start3A_78] : memref<6x!tpu.dma_semaphore, #tpu.memory_space<semaphore_mem>> -> memref<1x!tpu.dma_semaphore, #tpu.memory_space<semaphore_mem>>
    %dma_start3A_90 = tpu.memref_squeeze %dma_start3A_89 : memref<1x!tpu.dma_semaphore, #tpu.memory_space<semaphore_mem>> -> memref<!tpu.dma_semaphore, #tpu.memory_space<semaphore_mem>>
    tpu.enqueue_indirect_dma source(%dma_start3A_88 : memref<10240x64xf32, #tpu.memory_space<hbm>>) target(%dma_start3A_82 : memref<128x64xf32, #tpu.memory_space<vmem>>) offsets(%dma_start3A_85 : memref<128xi32, #tpu.memory_space<vmem>>) semaphore(%dma_start3A_90 : memref<!tpu.dma_semaphore, #tpu.memory_space<semaphore_mem>>)
    %dma_start3A_91 = arith.constant 5 : i32
    %dma_start3A_92 = arith.constant 5 : i32
    %dma_start3A_93 = arith.constant 5 : i32
    %dma_start3A_94 = arith.constant 0 : i32
    %dma_start3A_95 = arith.constant 0 : i32
    %dma_start3A_96 = tpu.memref_slice %arg9[%dma_start3A_92, %dma_start3A_94, %dma_start3A_95] : memref<6x128x64xf32, #tpu.memory_space<vmem>> -> memref<1x128x64xf32, #tpu.memory_space<vmem>>
    %dma_start3A_97 = tpu.memref_squeeze %dma_start3A_96 : memref<1x128x64xf32, #tpu.memory_space<vmem>> -> memref<128x64xf32, #tpu.memory_space<vmem>>
    %dma_start3A_98 = arith.constant 0 : i32
    %dma_start3A_99 = tpu.memref_slice %arg5[%dma_start3A_91, %dma_start3A_98] : memref<78x128xi32, #tpu.memory_space<vmem>> -> memref<1x128xi32, #tpu.memory_space<vmem>>
    %dma_start3A_100 = tpu.memref_squeeze %dma_start3A_99 : memref<1x128xi32, #tpu.memory_space<vmem>> -> memref<128xi32, #tpu.memory_space<vmem>>
    %dma_start3A_101 = arith.constant 0 : i32
    %dma_start3A_102 = arith.constant 0 : i32
    %dma_start3A_103 = tpu.memref_slice %arg2[%dma_start3A_101, %dma_start3A_102] : memref<10240x64xf32, #tpu.memory_space<hbm>> -> memref<10240x64xf32, #tpu.memory_space<hbm>>
    %dma_start3A_104 = tpu.memref_slice %arg12[%dma_start3A_93] : memref<6x!tpu.dma_semaphore, #tpu.memory_space<semaphore_mem>> -> memref<1x!tpu.dma_semaphore, #tpu.memory_space<semaphore_mem>>
    %dma_start3A_105 = tpu.memref_squeeze %dma_start3A_104 : memref<1x!tpu.dma_semaphore, #tpu.memory_space<semaphore_mem>> -> memref<!tpu.dma_semaphore, #tpu.memory_space<semaphore_mem>>
    tpu.enqueue_indirect_dma source(%dma_start3A_103 : memref<10240x64xf32, #tpu.memory_space<hbm>>) target(%dma_start3A_97 : memref<128x64xf32, #tpu.memory_space<vmem>>) offsets(%dma_start3A_100 : memref<128xi32, #tpu.memory_space<vmem>>) semaphore(%dma_start3A_105 : memref<!tpu.dma_semaphore, #tpu.memory_space<semaphore_mem>>)
    %barrier3A = arith.constant 0 : index
    tpu.barrier barrier_id(%barrier3A)
    %scan3A_106 = arith.constant 0 : i32
    %scan3A_107 = arith.constant 13 : i32
    %scan3A_108 = arith.addi %scan3A_106, %scan3A_107 : i32
    %scan3A_109 = arith.constant 1 : i32
    scf.for %scan3A_122 = %scan3A_106 to %scan3A_108 step %scan3A_109  : i32 {
      %mul3A_123 = arith.constant 6 : i32
      %mul3A_124 = arith.muli %scan3A_122, %mul3A_123 : i32
      %add3A_125 = arith.constant 0 : i32
      %add3A_126 = arith.addi %add3A_125, %mul3A_124 : i32
      %add3A_127 = arith.constant 0 : i32
      %add3A_128 = arith.addi %add3A_126, %add3A_127 : i32
      %dma_wait3A = arith.constant 0 : i32
      %dma_wait3A_129 = arith.constant 0 : i32
      %dma_wait3A_130 = arith.constant 0 : i32
      %dma_wait3A_131 = arith.constant 0 : i32
      %dma_wait3A_132 = tpu.memref_slice %arg9[%dma_wait3A, %dma_wait3A_130, %dma_wait3A_131] : memref<6x128x64xf32, #tpu.memory_space<vmem>> -> memref<1x128x64xf32, #tpu.memory_space<vmem>>
      %dma_wait3A_133 = tpu.memref_squeeze %dma_wait3A_132 : memref<1x128x64xf32, #tpu.memory_space<vmem>> -> memref<128x64xf32, #tpu.memory_space<vmem>>
      %dma_wait3A_134 = arith.constant 0 : i32
      %dma_wait3A_135 = tpu.memref_slice %arg5[%add3A_128, %dma_wait3A_134] : memref<78x128xi32, #tpu.memory_space<vmem>> -> memref<1x128xi32, #tpu.memory_space<vmem>>
      %dma_wait3A_136 = tpu.memref_squeeze %dma_wait3A_135 : memref<1x128xi32, #tpu.memory_space<vmem>> -> memref<128xi32, #tpu.memory_space<vmem>>
      %dma_wait3A_137 = arith.constant 0 : i32
      %dma_wait3A_138 = arith.constant 0 : i32
      %dma_wait3A_139 = tpu.memref_slice %arg2[%dma_wait3A_137, %dma_wait3A_138] : memref<10240x64xf32, #tpu.memory_space<hbm>> -> memref<10240x64xf32, #tpu.memory_space<hbm>>
      %dma_wait3A_140 = tpu.memref_slice %arg12[%dma_wait3A_129] : memref<6x!tpu.dma_semaphore, #tpu.memory_space<semaphore_mem>> -> memref<1x!tpu.dma_semaphore, #tpu.memory_space<semaphore_mem>>
      %dma_wait3A_141 = tpu.memref_squeeze %dma_wait3A_140 : memref<1x!tpu.dma_semaphore, #tpu.memory_space<semaphore_mem>> -> memref<!tpu.dma_semaphore, #tpu.memory_space<semaphore_mem>>
      tpu.wait_indirect_dma semaphore(%dma_wait3A_141 : memref<!tpu.dma_semaphore, #tpu.memory_space<semaphore_mem>>) src(%dma_wait3A_139 : memref<10240x64xf32, #tpu.memory_space<hbm>>) dst(%dma_wait3A_133 : memref<128x64xf32, #tpu.memory_space<vmem>>)
      %run_scoped3A_142 = arith.constant 0 : i32
      "tpu.region"() ({
        %run_scoped3A_270 = tpu.sem_alloc : memref<!tpu.dma_semaphore, #tpu.memory_space<semaphore_mem>>
        %dma_start3A_271 = arith.constant 0 : i32
        %dma_start3A_272 = arith.constant 0 : i32
        %dma_start3A_273 = tpu.memref_slice %arg9[%run_scoped3A_142, %dma_start3A_271, %dma_start3A_272] : memref<6x128x64xf32, #tpu.memory_space<vmem>> -> memref<1x128x64xf32, #tpu.memory_space<vmem>>
        %dma_start3A_274 = tpu.memref_squeeze %dma_start3A_273 : memref<1x128x64xf32, #tpu.memory_space<vmem>> -> memref<128x64xf32, #tpu.memory_space<vmem>>
        %dma_start3A_275 = arith.constant 0 : i32
        %dma_start3A_276 = tpu.memref_slice %arg6[%add3A_128, %dma_start3A_275] : memref<78x128xi32, #tpu.memory_space<vmem>> -> memref<1x128xi32, #tpu.memory_space<vmem>>
        %dma_start3A_277 = tpu.memref_squeeze %dma_start3A_276 : memref<1x128xi32, #tpu.memory_space<vmem>> -> memref<128xi32, #tpu.memory_space<vmem>>
        %dma_start3A_278 = arith.constant 0 : i32
        %dma_start3A_279 = arith.constant 0 : i32
        %dma_start3A_280 = tpu.memref_slice %arg14[%dma_start3A_278, %dma_start3A_279] : memref<10240x64xf32, #tpu.memory_space<vmem_shared>> -> memref<10240x64xf32, #tpu.memory_space<vmem_shared>>
        tpu.enqueue_indirect_dma source(%dma_start3A_274 : memref<128x64xf32, #tpu.memory_space<vmem>>) target(%dma_start3A_280 : memref<10240x64xf32, #tpu.memory_space<vmem_shared>>) offsets(%dma_start3A_277 : memref<128xi32, #tpu.memory_space<vmem>>) semaphore(%run_scoped3A_270 : memref<!tpu.dma_semaphore, #tpu.memory_space<semaphore_mem>>) {add = true}
        %dma_wait3A_281 = arith.constant 0 : i32
        %dma_wait3A_282 = arith.constant 0 : i32
        %dma_wait3A_283 = tpu.memref_slice %arg9[%run_scoped3A_142, %dma_wait3A_281, %dma_wait3A_282] : memref<6x128x64xf32, #tpu.memory_space<vmem>> -> memref<1x128x64xf32, #tpu.memory_space<vmem>>
        %dma_wait3A_284 = tpu.memref_squeeze %dma_wait3A_283 : memref<1x128x64xf32, #tpu.memory_space<vmem>> -> memref<128x64xf32, #tpu.memory_space<vmem>>
        %dma_wait3A_285 = arith.constant 0 : i32
        %dma_wait3A_286 = tpu.memref_slice %arg6[%add3A_128, %dma_wait3A_285] : memref<78x128xi32, #tpu.memory_space<vmem>> -> memref<1x128xi32, #tpu.memory_space<vmem>>
        %dma_wait3A_287 = tpu.memref_squeeze %dma_wait3A_286 : memref<1x128xi32, #tpu.memory_space<vmem>> -> memref<128xi32, #tpu.memory_space<vmem>>
        %dma_wait3A_288 = arith.constant 0 : i32
        %dma_wait3A_289 = arith.constant 0 : i32
        %dma_wait3A_290 = tpu.memref_slice %arg14[%dma_wait3A_288, %dma_wait3A_289] : memref<10240x64xf32, #tpu.memory_space<vmem_shared>> -> memref<10240x64xf32, #tpu.memory_space<vmem_shared>>
        tpu.wait_indirect_dma semaphore(%run_scoped3A_270 : memref<!tpu.dma_semaphore, #tpu.memory_space<semaphore_mem>>) src(%dma_wait3A_284 : memref<128x64xf32, #tpu.memory_space<vmem>>) dst(%dma_wait3A_290 : memref<10240x64xf32, #tpu.memory_space<vmem_shared>>)
        tpu.yield
      }) : () -> ()
      %add3A_143 = arith.constant 6 : i32
      %add3A_144 = arith.addi %add3A_128, %add3A_143 : i32
      %lt3A_145 = arith.constant 78 : i32
      %lt3A_146 = arith.cmpi slt, %add3A_144, %lt3A_145 : i32
      %convert_element_type3A_147 = arith.extui %lt3A_146 : i1 to i32
      %cond3A_148 = arith.constant 0 : i32
      %cond3A_149 = arith.cmpi ne, %convert_element_type3A_147, %cond3A_148 : i32
      scf.if %cond3A_149 {
        %dma_start3A_270 = arith.constant 0 : i32
        %dma_start3A_271 = arith.constant 0 : i32
        %dma_start3A_272 = arith.constant 0 : i32
        %dma_start3A_273 = arith.constant 0 : i32
        %dma_start3A_274 = tpu.memref_slice %arg9[%dma_start3A_270, %dma_start3A_272, %dma_start3A_273] : memref<6x128x64xf32, #tpu.memory_space<vmem>> -> memref<1x128x64xf32, #tpu.memory_space<vmem>>
        %dma_start3A_275 = tpu.memref_squeeze %dma_start3A_274 : memref<1x128x64xf32, #tpu.memory_space<vmem>> -> memref<128x64xf32, #tpu.memory_space<vmem>>
        %dma_start3A_276 = arith.constant 0 : i32
        %dma_start3A_277 = tpu.memref_slice %arg5[%add3A_144, %dma_start3A_276] : memref<78x128xi32, #tpu.memory_space<vmem>> -> memref<1x128xi32, #tpu.memory_space<vmem>>
        %dma_start3A_278 = tpu.memref_squeeze %dma_start3A_277 : memref<1x128xi32, #tpu.memory_space<vmem>> -> memref<128xi32, #tpu.memory_space<vmem>>
        %dma_start3A_279 = arith.constant 0 : i32
        %dma_start3A_280 = arith.constant 0 : i32
        %dma_start3A_281 = tpu.memref_slice %arg2[%dma_start3A_279, %dma_start3A_280] : memref<10240x64xf32, #tpu.memory_space<hbm>> -> memref<10240x64xf32, #tpu.memory_space<hbm>>
        %dma_start3A_282 = tpu.memref_slice %arg12[%dma_start3A_271] : memref<6x!tpu.dma_semaphore, #tpu.memory_space<semaphore_mem>> -> memref<1x!tpu.dma_semaphore, #tpu.memory_space<semaphore_mem>>
        %dma_start3A_283 = tpu.memref_squeeze %dma_start3A_282 : memref<1x!tpu.dma_semaphore, #tpu.memory_space<semaphore_mem>> -> memref<!tpu.dma_semaphore, #tpu.memory_space<semaphore_mem>>
        tpu.enqueue_indirect_dma source(%dma_start3A_281 : memref<10240x64xf32, #tpu.memory_space<hbm>>) target(%dma_start3A_275 : memref<128x64xf32, #tpu.memory_space<vmem>>) offsets(%dma_start3A_278 : memref<128xi32, #tpu.memory_space<vmem>>) semaphore(%dma_start3A_283 : memref<!tpu.dma_semaphore, #tpu.memory_space<semaphore_mem>>)
      } else {
      }
      %add3A_150 = arith.constant 1 : i32
      %add3A_151 = arith.addi %add3A_126, %add3A_150 : i32
      %dma_wait3A_152 = arith.constant 1 : i32
      %dma_wait3A_153 = arith.constant 1 : i32
      %dma_wait3A_154 = arith.constant 0 : i32
      %dma_wait3A_155 = arith.constant 0 : i32
      %dma_wait3A_156 = tpu.memref_slice %arg9[%dma_wait3A_152, %dma_wait3A_154, %dma_wait3A_155] : memref<6x128x64xf32, #tpu.memory_space<vmem>> -> memref<1x128x64xf32, #tpu.memory_space<vmem>>
      %dma_wait3A_157 = tpu.memref_squeeze %dma_wait3A_156 : memref<1x128x64xf32, #tpu.memory_space<vmem>> -> memref<128x64xf32, #tpu.memory_space<vmem>>
      %dma_wait3A_158 = arith.constant 0 : i32
      %dma_wait3A_159 = tpu.memref_slice %arg5[%add3A_151, %dma_wait3A_158] : memref<78x128xi32, #tpu.memory_space<vmem>> -> memref<1x128xi32, #tpu.memory_space<vmem>>
      %dma_wait3A_160 = tpu.memref_squeeze %dma_wait3A_159 : memref<1x128xi32, #tpu.memory_space<vmem>> -> memref<128xi32, #tpu.memory_space<vmem>>
      %dma_wait3A_161 = arith.constant 0 : i32
      %dma_wait3A_162 = arith.constant 0 : i32
      %dma_wait3A_163 = tpu.memref_slice %arg2[%dma_wait3A_161, %dma_wait3A_162] : memref<10240x64xf32, #tpu.memory_space<hbm>> -> memref<10240x64xf32, #tpu.memory_space<hbm>>
      %dma_wait3A_164 = tpu.memref_slice %arg12[%dma_wait3A_153] : memref<6x!tpu.dma_semaphore, #tpu.memory_space<semaphore_mem>> -> memref<1x!tpu.dma_semaphore, #tpu.memory_space<semaphore_mem>>
      %dma_wait3A_165 = tpu.memref_squeeze %dma_wait3A_164 : memref<1x!tpu.dma_semaphore, #tpu.memory_space<semaphore_mem>> -> memref<!tpu.dma_semaphore, #tpu.memory_space<semaphore_mem>>
      tpu.wait_indirect_dma semaphore(%dma_wait3A_165 : memref<!tpu.dma_semaphore, #tpu.memory_space<semaphore_mem>>) src(%dma_wait3A_163 : memref<10240x64xf32, #tpu.memory_space<hbm>>) dst(%dma_wait3A_157 : memref<128x64xf32, #tpu.memory_space<vmem>>)
      %run_scoped3A_166 = arith.constant 1 : i32
      "tpu.region"() ({
        %run_scoped3A_270 = tpu.sem_alloc : memref<!tpu.dma_semaphore, #tpu.memory_space<semaphore_mem>>
        %dma_start3A_271 = arith.constant 0 : i32
        %dma_start3A_272 = arith.constant 0 : i32
        %dma_start3A_273 = tpu.memref_slice %arg9[%run_scoped3A_166, %dma_start3A_271, %dma_start3A_272] : memref<6x128x64xf32, #tpu.memory_space<vmem>> -> memref<1x128x64xf32, #tpu.memory_space<vmem>>
        %dma_start3A_274 = tpu.memref_squeeze %dma_start3A_273 : memref<1x128x64xf32, #tpu.memory_space<vmem>> -> memref<128x64xf32, #tpu.memory_space<vmem>>
        %dma_start3A_275 = arith.constant 0 : i32
        %dma_start3A_276 = tpu.memref_slice %arg6[%add3A_151, %dma_start3A_275] : memref<78x128xi32, #tpu.memory_space<vmem>> -> memref<1x128xi32, #tpu.memory_space<vmem>>
        %dma_start3A_277 = tpu.memref_squeeze %dma_start3A_276 : memref<1x128xi32, #tpu.memory_space<vmem>> -> memref<128xi32, #tpu.memory_space<vmem>>
        %dma_start3A_278 = arith.constant 0 : i32
        %dma_start3A_279 = arith.constant 0 : i32
        %dma_start3A_280 = tpu.memref_slice %arg14[%dma_start3A_278, %dma_start3A_279] : memref<10240x64xf32, #tpu.memory_space<vmem_shared>> -> memref<10240x64xf32, #tpu.memory_space<vmem_shared>>
        tpu.enqueue_indirect_dma source(%dma_start3A_274 : memref<128x64xf32, #tpu.memory_space<vmem>>) target(%dma_start3A_280 : memref<10240x64xf32, #tpu.memory_space<vmem_shared>>) offsets(%dma_start3A_277 : memref<128xi32, #tpu.memory_space<vmem>>) semaphore(%run_scoped3A_270 : memref<!tpu.dma_semaphore, #tpu.memory_space<semaphore_mem>>) {add = true}
        %dma_wait3A_281 = arith.constant 0 : i32
        %dma_wait3A_282 = arith.constant 0 : i32
        %dma_wait3A_283 = tpu.memref_slice %arg9[%run_scoped3A_166, %dma_wait3A_281, %dma_wait3A_282] : memref<6x128x64xf32, #tpu.memory_space<vmem>> -> memref<1x128x64xf32, #tpu.memory_space<vmem>>
        %dma_wait3A_284 = tpu.memref_squeeze %dma_wait3A_283 : memref<1x128x64xf32, #tpu.memory_space<vmem>> -> memref<128x64xf32, #tpu.memory_space<vmem>>
        %dma_wait3A_285 = arith.constant 0 : i32
        %dma_wait3A_286 = tpu.memref_slice %arg6[%add3A_151, %dma_wait3A_285] : memref<78x128xi32, #tpu.memory_space<vmem>> -> memref<1x128xi32, #tpu.memory_space<vmem>>
        %dma_wait3A_287 = tpu.memref_squeeze %dma_wait3A_286 : memref<1x128xi32, #tpu.memory_space<vmem>> -> memref<128xi32, #tpu.memory_space<vmem>>
        %dma_wait3A_288 = arith.constant 0 : i32
        %dma_wait3A_289 = arith.constant 0 : i32
        %dma_wait3A_290 = tpu.memref_slice %arg14[%dma_wait3A_288, %dma_wait3A_289] : memref<10240x64xf32, #tpu.memory_space<vmem_shared>> -> memref<10240x64xf32, #tpu.memory_space<vmem_shared>>
        tpu.wait_indirect_dma semaphore(%run_scoped3A_270 : memref<!tpu.dma_semaphore, #tpu.memory_space<semaphore_mem>>) src(%dma_wait3A_284 : memref<128x64xf32, #tpu.memory_space<vmem>>) dst(%dma_wait3A_290 : memref<10240x64xf32, #tpu.memory_space<vmem_shared>>)
        tpu.yield
      }) : () -> ()
      %add3A_167 = arith.constant 6 : i32
      %add3A_168 = arith.addi %add3A_151, %add3A_167 : i32
      %lt3A_169 = arith.constant 78 : i32
      %lt3A_170 = arith.cmpi slt, %add3A_168, %lt3A_169 : i32
      %convert_element_type3A_171 = arith.extui %lt3A_170 : i1 to i32
      %cond3A_172 = arith.constant 0 : i32
      %cond3A_173 = arith.cmpi ne, %convert_element_type3A_171, %cond3A_172 : i32
      scf.if %cond3A_173 {
        %dma_start3A_270 = arith.constant 1 : i32
        %dma_start3A_271 = arith.constant 1 : i32
        %dma_start3A_272 = arith.constant 0 : i32
        %dma_start3A_273 = arith.constant 0 : i32
        %dma_start3A_274 = tpu.memref_slice %arg9[%dma_start3A_270, %dma_start3A_272, %dma_start3A_273] : memref<6x128x64xf32, #tpu.memory_space<vmem>> -> memref<1x128x64xf32, #tpu.memory_space<vmem>>
        %dma_start3A_275 = tpu.memref_squeeze %dma_start3A_274 : memref<1x128x64xf32, #tpu.memory_space<vmem>> -> memref<128x64xf32, #tpu.memory_space<vmem>>
        %dma_start3A_276 = arith.constant 0 : i32
        %dma_start3A_277 = tpu.memref_slice %arg5[%add3A_168, %dma_start3A_276] : memref<78x128xi32, #tpu.memory_space<vmem>> -> memref<1x128xi32, #tpu.memory_space<vmem>>
        %dma_start3A_278 = tpu.memref_squeeze %dma_start3A_277 : memref<1x128xi32, #tpu.memory_space<vmem>> -> memref<128xi32, #tpu.memory_space<vmem>>
        %dma_start3A_279 = arith.constant 0 : i32
        %dma_start3A_280 = arith.constant 0 : i32
        %dma_start3A_281 = tpu.memref_slice %arg2[%dma_start3A_279, %dma_start3A_280] : memref<10240x64xf32, #tpu.memory_space<hbm>> -> memref<10240x64xf32, #tpu.memory_space<hbm>>
        %dma_start3A_282 = tpu.memref_slice %arg12[%dma_start3A_271] : memref<6x!tpu.dma_semaphore, #tpu.memory_space<semaphore_mem>> -> memref<1x!tpu.dma_semaphore, #tpu.memory_space<semaphore_mem>>
        %dma_start3A_283 = tpu.memref_squeeze %dma_start3A_282 : memref<1x!tpu.dma_semaphore, #tpu.memory_space<semaphore_mem>> -> memref<!tpu.dma_semaphore, #tpu.memory_space<semaphore_mem>>
        tpu.enqueue_indirect_dma source(%dma_start3A_281 : memref<10240x64xf32, #tpu.memory_space<hbm>>) target(%dma_start3A_275 : memref<128x64xf32, #tpu.memory_space<vmem>>) offsets(%dma_start3A_278 : memref<128xi32, #tpu.memory_space<vmem>>) semaphore(%dma_start3A_283 : memref<!tpu.dma_semaphore, #tpu.memory_space<semaphore_mem>>)
      } else {
      }
      %add3A_174 = arith.constant 2 : i32
      %add3A_175 = arith.addi %add3A_126, %add3A_174 : i32
      %dma_wait3A_176 = arith.constant 2 : i32
      %dma_wait3A_177 = arith.constant 2 : i32
      %dma_wait3A_178 = arith.constant 0 : i32
      %dma_wait3A_179 = arith.constant 0 : i32
      %dma_wait3A_180 = tpu.memref_slice %arg9[%dma_wait3A_176, %dma_wait3A_178, %dma_wait3A_179] : memref<6x128x64xf32, #tpu.memory_space<vmem>> -> memref<1x128x64xf32, #tpu.memory_space<vmem>>
      %dma_wait3A_181 = tpu.memref_squeeze %dma_wait3A_180 : memref<1x128x64xf32, #tpu.memory_space<vmem>> -> memref<128x64xf32, #tpu.memory_space<vmem>>
      %dma_wait3A_182 = arith.constant 0 : i32
      %dma_wait3A_183 = tpu.memref_slice %arg5[%add3A_175, %dma_wait3A_182] : memref<78x128xi32, #tpu.memory_space<vmem>> -> memref<1x128xi32, #tpu.memory_space<vmem>>
      %dma_wait3A_184 = tpu.memref_squeeze %dma_wait3A_183 : memref<1x128xi32, #tpu.memory_space<vmem>> -> memref<128xi32, #tpu.memory_space<vmem>>
      %dma_wait3A_185 = arith.constant 0 : i32
      %dma_wait3A_186 = arith.constant 0 : i32
      %dma_wait3A_187 = tpu.memref_slice %arg2[%dma_wait3A_185, %dma_wait3A_186] : memref<10240x64xf32, #tpu.memory_space<hbm>> -> memref<10240x64xf32, #tpu.memory_space<hbm>>
      %dma_wait3A_188 = tpu.memref_slice %arg12[%dma_wait3A_177] : memref<6x!tpu.dma_semaphore, #tpu.memory_space<semaphore_mem>> -> memref<1x!tpu.dma_semaphore, #tpu.memory_space<semaphore_mem>>
      %dma_wait3A_189 = tpu.memref_squeeze %dma_wait3A_188 : memref<1x!tpu.dma_semaphore, #tpu.memory_space<semaphore_mem>> -> memref<!tpu.dma_semaphore, #tpu.memory_space<semaphore_mem>>
      tpu.wait_indirect_dma semaphore(%dma_wait3A_189 : memref<!tpu.dma_semaphore, #tpu.memory_space<semaphore_mem>>) src(%dma_wait3A_187 : memref<10240x64xf32, #tpu.memory_space<hbm>>) dst(%dma_wait3A_181 : memref<128x64xf32, #tpu.memory_space<vmem>>)
      %run_scoped3A_190 = arith.constant 2 : i32
      "tpu.region"() ({
        %run_scoped3A_270 = tpu.sem_alloc : memref<!tpu.dma_semaphore, #tpu.memory_space<semaphore_mem>>
        %dma_start3A_271 = arith.constant 0 : i32
        %dma_start3A_272 = arith.constant 0 : i32
        %dma_start3A_273 = tpu.memref_slice %arg9[%run_scoped3A_190, %dma_start3A_271, %dma_start3A_272] : memref<6x128x64xf32, #tpu.memory_space<vmem>> -> memref<1x128x64xf32, #tpu.memory_space<vmem>>
        %dma_start3A_274 = tpu.memref_squeeze %dma_start3A_273 : memref<1x128x64xf32, #tpu.memory_space<vmem>> -> memref<128x64xf32, #tpu.memory_space<vmem>>
        %dma_start3A_275 = arith.constant 0 : i32
        %dma_start3A_276 = tpu.memref_slice %arg6[%add3A_175, %dma_start3A_275] : memref<78x128xi32, #tpu.memory_space<vmem>> -> memref<1x128xi32, #tpu.memory_space<vmem>>
        %dma_start3A_277 = tpu.memref_squeeze %dma_start3A_276 : memref<1x128xi32, #tpu.memory_space<vmem>> -> memref<128xi32, #tpu.memory_space<vmem>>
        %dma_start3A_278 = arith.constant 0 : i32
        %dma_start3A_279 = arith.constant 0 : i32
        %dma_start3A_280 = tpu.memref_slice %arg14[%dma_start3A_278, %dma_start3A_279] : memref<10240x64xf32, #tpu.memory_space<vmem_shared>> -> memref<10240x64xf32, #tpu.memory_space<vmem_shared>>
        tpu.enqueue_indirect_dma source(%dma_start3A_274 : memref<128x64xf32, #tpu.memory_space<vmem>>) target(%dma_start3A_280 : memref<10240x64xf32, #tpu.memory_space<vmem_shared>>) offsets(%dma_start3A_277 : memref<128xi32, #tpu.memory_space<vmem>>) semaphore(%run_scoped3A_270 : memref<!tpu.dma_semaphore, #tpu.memory_space<semaphore_mem>>) {add = true}
        %dma_wait3A_281 = arith.constant 0 : i32
        %dma_wait3A_282 = arith.constant 0 : i32
        %dma_wait3A_283 = tpu.memref_slice %arg9[%run_scoped3A_190, %dma_wait3A_281, %dma_wait3A_282] : memref<6x128x64xf32, #tpu.memory_space<vmem>> -> memref<1x128x64xf32, #tpu.memory_space<vmem>>
        %dma_wait3A_284 = tpu.memref_squeeze %dma_wait3A_283 : memref<1x128x64xf32, #tpu.memory_space<vmem>> -> memref<128x64xf32, #tpu.memory_space<vmem>>
        %dma_wait3A_285 = arith.constant 0 : i32
        %dma_wait3A_286 = tpu.memref_slice %arg6[%add3A_175, %dma_wait3A_285] : memref<78x128xi32, #tpu.memory_space<vmem>> -> memref<1x128xi32, #tpu.memory_space<vmem>>
        %dma_wait3A_287 = tpu.memref_squeeze %dma_wait3A_286 : memref<1x128xi32, #tpu.memory_space<vmem>> -> memref<128xi32, #tpu.memory_space<vmem>>
        %dma_wait3A_288 = arith.constant 0 : i32
        %dma_wait3A_289 = arith.constant 0 : i32
        %dma_wait3A_290 = tpu.memref_slice %arg14[%dma_wait3A_288, %dma_wait3A_289] : memref<10240x64xf32, #tpu.memory_space<vmem_shared>> -> memref<10240x64xf32, #tpu.memory_space<vmem_shared>>
        tpu.wait_indirect_dma semaphore(%run_scoped3A_270 : memref<!tpu.dma_semaphore, #tpu.memory_space<semaphore_mem>>) src(%dma_wait3A_284 : memref<128x64xf32, #tpu.memory_space<vmem>>) dst(%dma_wait3A_290 : memref<10240x64xf32, #tpu.memory_space<vmem_shared>>)
        tpu.yield
      }) : () -> ()
      %add3A_191 = arith.constant 6 : i32
      %add3A_192 = arith.addi %add3A_175, %add3A_191 : i32
      %lt3A_193 = arith.constant 78 : i32
      %lt3A_194 = arith.cmpi slt, %add3A_192, %lt3A_193 : i32
      %convert_element_type3A_195 = arith.extui %lt3A_194 : i1 to i32
      %cond3A_196 = arith.constant 0 : i32
      %cond3A_197 = arith.cmpi ne, %convert_element_type3A_195, %cond3A_196 : i32
      scf.if %cond3A_197 {
        %dma_start3A_270 = arith.constant 2 : i32
        %dma_start3A_271 = arith.constant 2 : i32
        %dma_start3A_272 = arith.constant 0 : i32
        %dma_start3A_273 = arith.constant 0 : i32
        %dma_start3A_274 = tpu.memref_slice %arg9[%dma_start3A_270, %dma_start3A_272, %dma_start3A_273] : memref<6x128x64xf32, #tpu.memory_space<vmem>> -> memref<1x128x64xf32, #tpu.memory_space<vmem>>
        %dma_start3A_275 = tpu.memref_squeeze %dma_start3A_274 : memref<1x128x64xf32, #tpu.memory_space<vmem>> -> memref<128x64xf32, #tpu.memory_space<vmem>>
        %dma_start3A_276 = arith.constant 0 : i32
        %dma_start3A_277 = tpu.memref_slice %arg5[%add3A_192, %dma_start3A_276] : memref<78x128xi32, #tpu.memory_space<vmem>> -> memref<1x128xi32, #tpu.memory_space<vmem>>
        %dma_start3A_278 = tpu.memref_squeeze %dma_start3A_277 : memref<1x128xi32, #tpu.memory_space<vmem>> -> memref<128xi32, #tpu.memory_space<vmem>>
        %dma_start3A_279 = arith.constant 0 : i32
        %dma_start3A_280 = arith.constant 0 : i32
        %dma_start3A_281 = tpu.memref_slice %arg2[%dma_start3A_279, %dma_start3A_280] : memref<10240x64xf32, #tpu.memory_space<hbm>> -> memref<10240x64xf32, #tpu.memory_space<hbm>>
        %dma_start3A_282 = tpu.memref_slice %arg12[%dma_start3A_271] : memref<6x!tpu.dma_semaphore, #tpu.memory_space<semaphore_mem>> -> memref<1x!tpu.dma_semaphore, #tpu.memory_space<semaphore_mem>>
        %dma_start3A_283 = tpu.memref_squeeze %dma_start3A_282 : memref<1x!tpu.dma_semaphore, #tpu.memory_space<semaphore_mem>> -> memref<!tpu.dma_semaphore, #tpu.memory_space<semaphore_mem>>
        tpu.enqueue_indirect_dma source(%dma_start3A_281 : memref<10240x64xf32, #tpu.memory_space<hbm>>) target(%dma_start3A_275 : memref<128x64xf32, #tpu.memory_space<vmem>>) offsets(%dma_start3A_278 : memref<128xi32, #tpu.memory_space<vmem>>) semaphore(%dma_start3A_283 : memref<!tpu.dma_semaphore, #tpu.memory_space<semaphore_mem>>)
      } else {
      }
      %add3A_198 = arith.constant 3 : i32
      %add3A_199 = arith.addi %add3A_126, %add3A_198 : i32
      %dma_wait3A_200 = arith.constant 3 : i32
      %dma_wait3A_201 = arith.constant 3 : i32
      %dma_wait3A_202 = arith.constant 0 : i32
      %dma_wait3A_203 = arith.constant 0 : i32
      %dma_wait3A_204 = tpu.memref_slice %arg9[%dma_wait3A_200, %dma_wait3A_202, %dma_wait3A_203] : memref<6x128x64xf32, #tpu.memory_space<vmem>> -> memref<1x128x64xf32, #tpu.memory_space<vmem>>
      %dma_wait3A_205 = tpu.memref_squeeze %dma_wait3A_204 : memref<1x128x64xf32, #tpu.memory_space<vmem>> -> memref<128x64xf32, #tpu.memory_space<vmem>>
      %dma_wait3A_206 = arith.constant 0 : i32
      %dma_wait3A_207 = tpu.memref_slice %arg5[%add3A_199, %dma_wait3A_206] : memref<78x128xi32, #tpu.memory_space<vmem>> -> memref<1x128xi32, #tpu.memory_space<vmem>>
      %dma_wait3A_208 = tpu.memref_squeeze %dma_wait3A_207 : memref<1x128xi32, #tpu.memory_space<vmem>> -> memref<128xi32, #tpu.memory_space<vmem>>
      %dma_wait3A_209 = arith.constant 0 : i32
      %dma_wait3A_210 = arith.constant 0 : i32
      %dma_wait3A_211 = tpu.memref_slice %arg2[%dma_wait3A_209, %dma_wait3A_210] : memref<10240x64xf32, #tpu.memory_space<hbm>> -> memref<10240x64xf32, #tpu.memory_space<hbm>>
      %dma_wait3A_212 = tpu.memref_slice %arg12[%dma_wait3A_201] : memref<6x!tpu.dma_semaphore, #tpu.memory_space<semaphore_mem>> -> memref<1x!tpu.dma_semaphore, #tpu.memory_space<semaphore_mem>>
      %dma_wait3A_213 = tpu.memref_squeeze %dma_wait3A_212 : memref<1x!tpu.dma_semaphore, #tpu.memory_space<semaphore_mem>> -> memref<!tpu.dma_semaphore, #tpu.memory_space<semaphore_mem>>
      tpu.wait_indirect_dma semaphore(%dma_wait3A_213 : memref<!tpu.dma_semaphore, #tpu.memory_space<semaphore_mem>>) src(%dma_wait3A_211 : memref<10240x64xf32, #tpu.memory_space<hbm>>) dst(%dma_wait3A_205 : memref<128x64xf32, #tpu.memory_space<vmem>>)
      %run_scoped3A_214 = arith.constant 3 : i32
      "tpu.region"() ({
        %run_scoped3A_270 = tpu.sem_alloc : memref<!tpu.dma_semaphore, #tpu.memory_space<semaphore_mem>>
        %dma_start3A_271 = arith.constant 0 : i32
        %dma_start3A_272 = arith.constant 0 : i32
        %dma_start3A_273 = tpu.memref_slice %arg9[%run_scoped3A_214, %dma_start3A_271, %dma_start3A_272] : memref<6x128x64xf32, #tpu.memory_space<vmem>> -> memref<1x128x64xf32, #tpu.memory_space<vmem>>
        %dma_start3A_274 = tpu.memref_squeeze %dma_start3A_273 : memref<1x128x64xf32, #tpu.memory_space<vmem>> -> memref<128x64xf32, #tpu.memory_space<vmem>>
        %dma_start3A_275 = arith.constant 0 : i32
        %dma_start3A_276 = tpu.memref_slice %arg6[%add3A_199, %dma_start3A_275] : memref<78x128xi32, #tpu.memory_space<vmem>> -> memref<1x128xi32, #tpu.memory_space<vmem>>
        %dma_start3A_277 = tpu.memref_squeeze %dma_start3A_276 : memref<1x128xi32, #tpu.memory_space<vmem>> -> memref<128xi32, #tpu.memory_space<vmem>>
        %dma_start3A_278 = arith.constant 0 : i32
        %dma_start3A_279 = arith.constant 0 : i32
        %dma_start3A_280 = tpu.memref_slice %arg14[%dma_start3A_278, %dma_start3A_279] : memref<10240x64xf32, #tpu.memory_space<vmem_shared>> -> memref<10240x64xf32, #tpu.memory_space<vmem_shared>>
        tpu.enqueue_indirect_dma source(%dma_start3A_274 : memref<128x64xf32, #tpu.memory_space<vmem>>) target(%dma_start3A_280 : memref<10240x64xf32, #tpu.memory_space<vmem_shared>>) offsets(%dma_start3A_277 : memref<128xi32, #tpu.memory_space<vmem>>) semaphore(%run_scoped3A_270 : memref<!tpu.dma_semaphore, #tpu.memory_space<semaphore_mem>>) {add = true}
        %dma_wait3A_281 = arith.constant 0 : i32
        %dma_wait3A_282 = arith.constant 0 : i32
        %dma_wait3A_283 = tpu.memref_slice %arg9[%run_scoped3A_214, %dma_wait3A_281, %dma_wait3A_282] : memref<6x128x64xf32, #tpu.memory_space<vmem>> -> memref<1x128x64xf32, #tpu.memory_space<vmem>>
        %dma_wait3A_284 = tpu.memref_squeeze %dma_wait3A_283 : memref<1x128x64xf32, #tpu.memory_space<vmem>> -> memref<128x64xf32, #tpu.memory_space<vmem>>
        %dma_wait3A_285 = arith.constant 0 : i32
        %dma_wait3A_286 = tpu.memref_slice %arg6[%add3A_199, %dma_wait3A_285] : memref<78x128xi32, #tpu.memory_space<vmem>> -> memref<1x128xi32, #tpu.memory_space<vmem>>
        %dma_wait3A_287 = tpu.memref_squeeze %dma_wait3A_286 : memref<1x128xi32, #tpu.memory_space<vmem>> -> memref<128xi32, #tpu.memory_space<vmem>>
        %dma_wait3A_288 = arith.constant 0 : i32
        %dma_wait3A_289 = arith.constant 0 : i32
        %dma_wait3A_290 = tpu.memref_slice %arg14[%dma_wait3A_288, %dma_wait3A_289] : memref<10240x64xf32, #tpu.memory_space<vmem_shared>> -> memref<10240x64xf32, #tpu.memory_space<vmem_shared>>
        tpu.wait_indirect_dma semaphore(%run_scoped3A_270 : memref<!tpu.dma_semaphore, #tpu.memory_space<semaphore_mem>>) src(%dma_wait3A_284 : memref<128x64xf32, #tpu.memory_space<vmem>>) dst(%dma_wait3A_290 : memref<10240x64xf32, #tpu.memory_space<vmem_shared>>)
        tpu.yield
      }) : () -> ()
      %add3A_215 = arith.constant 6 : i32
      %add3A_216 = arith.addi %add3A_199, %add3A_215 : i32
      %lt3A_217 = arith.constant 78 : i32
      %lt3A_218 = arith.cmpi slt, %add3A_216, %lt3A_217 : i32
      %convert_element_type3A_219 = arith.extui %lt3A_218 : i1 to i32
      %cond3A_220 = arith.constant 0 : i32
      %cond3A_221 = arith.cmpi ne, %convert_element_type3A_219, %cond3A_220 : i32
      scf.if %cond3A_221 {
        %dma_start3A_270 = arith.constant 3 : i32
        %dma_start3A_271 = arith.constant 3 : i32
        %dma_start3A_272 = arith.constant 0 : i32
        %dma_start3A_273 = arith.constant 0 : i32
        %dma_start3A_274 = tpu.memref_slice %arg9[%dma_start3A_270, %dma_start3A_272, %dma_start3A_273] : memref<6x128x64xf32, #tpu.memory_space<vmem>> -> memref<1x128x64xf32, #tpu.memory_space<vmem>>
        %dma_start3A_275 = tpu.memref_squeeze %dma_start3A_274 : memref<1x128x64xf32, #tpu.memory_space<vmem>> -> memref<128x64xf32, #tpu.memory_space<vmem>>
        %dma_start3A_276 = arith.constant 0 : i32
        %dma_start3A_277 = tpu.memref_slice %arg5[%add3A_216, %dma_start3A_276] : memref<78x128xi32, #tpu.memory_space<vmem>> -> memref<1x128xi32, #tpu.memory_space<vmem>>
        %dma_start3A_278 = tpu.memref_squeeze %dma_start3A_277 : memref<1x128xi32, #tpu.memory_space<vmem>> -> memref<128xi32, #tpu.memory_space<vmem>>
        %dma_start3A_279 = arith.constant 0 : i32
        %dma_start3A_280 = arith.constant 0 : i32
        %dma_start3A_281 = tpu.memref_slice %arg2[%dma_start3A_279, %dma_start3A_280] : memref<10240x64xf32, #tpu.memory_space<hbm>> -> memref<10240x64xf32, #tpu.memory_space<hbm>>
        %dma_start3A_282 = tpu.memref_slice %arg12[%dma_start3A_271] : memref<6x!tpu.dma_semaphore, #tpu.memory_space<semaphore_mem>> -> memref<1x!tpu.dma_semaphore, #tpu.memory_space<semaphore_mem>>
        %dma_start3A_283 = tpu.memref_squeeze %dma_start3A_282 : memref<1x!tpu.dma_semaphore, #tpu.memory_space<semaphore_mem>> -> memref<!tpu.dma_semaphore, #tpu.memory_space<semaphore_mem>>
        tpu.enqueue_indirect_dma source(%dma_start3A_281 : memref<10240x64xf32, #tpu.memory_space<hbm>>) target(%dma_start3A_275 : memref<128x64xf32, #tpu.memory_space<vmem>>) offsets(%dma_start3A_278 : memref<128xi32, #tpu.memory_space<vmem>>) semaphore(%dma_start3A_283 : memref<!tpu.dma_semaphore, #tpu.memory_space<semaphore_mem>>)
      } else {
      }
      %add3A_222 = arith.constant 4 : i32
      %add3A_223 = arith.addi %add3A_126, %add3A_222 : i32
      %dma_wait3A_224 = arith.constant 4 : i32
      %dma_wait3A_225 = arith.constant 4 : i32
      %dma_wait3A_226 = arith.constant 0 : i32
      %dma_wait3A_227 = arith.constant 0 : i32
      %dma_wait3A_228 = tpu.memref_slice %arg9[%dma_wait3A_224, %dma_wait3A_226, %dma_wait3A_227] : memref<6x128x64xf32, #tpu.memory_space<vmem>> -> memref<1x128x64xf32, #tpu.memory_space<vmem>>
      %dma_wait3A_229 = tpu.memref_squeeze %dma_wait3A_228 : memref<1x128x64xf32, #tpu.memory_space<vmem>> -> memref<128x64xf32, #tpu.memory_space<vmem>>
      %dma_wait3A_230 = arith.constant 0 : i32
      %dma_wait3A_231 = tpu.memref_slice %arg5[%add3A_223, %dma_wait3A_230] : memref<78x128xi32, #tpu.memory_space<vmem>> -> memref<1x128xi32, #tpu.memory_space<vmem>>
      %dma_wait3A_232 = tpu.memref_squeeze %dma_wait3A_231 : memref<1x128xi32, #tpu.memory_space<vmem>> -> memref<128xi32, #tpu.memory_space<vmem>>
      %dma_wait3A_233 = arith.constant 0 : i32
      %dma_wait3A_234 = arith.constant 0 : i32
      %dma_wait3A_235 = tpu.memref_slice %arg2[%dma_wait3A_233, %dma_wait3A_234] : memref<10240x64xf32, #tpu.memory_space<hbm>> -> memref<10240x64xf32, #tpu.memory_space<hbm>>
      %dma_wait3A_236 = tpu.memref_slice %arg12[%dma_wait3A_225] : memref<6x!tpu.dma_semaphore, #tpu.memory_space<semaphore_mem>> -> memref<1x!tpu.dma_semaphore, #tpu.memory_space<semaphore_mem>>
      %dma_wait3A_237 = tpu.memref_squeeze %dma_wait3A_236 : memref<1x!tpu.dma_semaphore, #tpu.memory_space<semaphore_mem>> -> memref<!tpu.dma_semaphore, #tpu.memory_space<semaphore_mem>>
      tpu.wait_indirect_dma semaphore(%dma_wait3A_237 : memref<!tpu.dma_semaphore, #tpu.memory_space<semaphore_mem>>) src(%dma_wait3A_235 : memref<10240x64xf32, #tpu.memory_space<hbm>>) dst(%dma_wait3A_229 : memref<128x64xf32, #tpu.memory_space<vmem>>)
      %run_scoped3A_238 = arith.constant 4 : i32
      "tpu.region"() ({
        %run_scoped3A_270 = tpu.sem_alloc : memref<!tpu.dma_semaphore, #tpu.memory_space<semaphore_mem>>
        %dma_start3A_271 = arith.constant 0 : i32
        %dma_start3A_272 = arith.constant 0 : i32
        %dma_start3A_273 = tpu.memref_slice %arg9[%run_scoped3A_238, %dma_start3A_271, %dma_start3A_272] : memref<6x128x64xf32, #tpu.memory_space<vmem>> -> memref<1x128x64xf32, #tpu.memory_space<vmem>>
        %dma_start3A_274 = tpu.memref_squeeze %dma_start3A_273 : memref<1x128x64xf32, #tpu.memory_space<vmem>> -> memref<128x64xf32, #tpu.memory_space<vmem>>
        %dma_start3A_275 = arith.constant 0 : i32
        %dma_start3A_276 = tpu.memref_slice %arg6[%add3A_223, %dma_start3A_275] : memref<78x128xi32, #tpu.memory_space<vmem>> -> memref<1x128xi32, #tpu.memory_space<vmem>>
        %dma_start3A_277 = tpu.memref_squeeze %dma_start3A_276 : memref<1x128xi32, #tpu.memory_space<vmem>> -> memref<128xi32, #tpu.memory_space<vmem>>
        %dma_start3A_278 = arith.constant 0 : i32
        %dma_start3A_279 = arith.constant 0 : i32
        %dma_start3A_280 = tpu.memref_slice %arg14[%dma_start3A_278, %dma_start3A_279] : memref<10240x64xf32, #tpu.memory_space<vmem_shared>> -> memref<10240x64xf32, #tpu.memory_space<vmem_shared>>
        tpu.enqueue_indirect_dma source(%dma_start3A_274 : memref<128x64xf32, #tpu.memory_space<vmem>>) target(%dma_start3A_280 : memref<10240x64xf32, #tpu.memory_space<vmem_shared>>) offsets(%dma_start3A_277 : memref<128xi32, #tpu.memory_space<vmem>>) semaphore(%run_scoped3A_270 : memref<!tpu.dma_semaphore, #tpu.memory_space<semaphore_mem>>) {add = true}
        %dma_wait3A_281 = arith.constant 0 : i32
        %dma_wait3A_282 = arith.constant 0 : i32
        %dma_wait3A_283 = tpu.memref_slice %arg9[%run_scoped3A_238, %dma_wait3A_281, %dma_wait3A_282] : memref<6x128x64xf32, #tpu.memory_space<vmem>> -> memref<1x128x64xf32, #tpu.memory_space<vmem>>
        %dma_wait3A_284 = tpu.memref_squeeze %dma_wait3A_283 : memref<1x128x64xf32, #tpu.memory_space<vmem>> -> memref<128x64xf32, #tpu.memory_space<vmem>>
        %dma_wait3A_285 = arith.constant 0 : i32
        %dma_wait3A_286 = tpu.memref_slice %arg6[%add3A_223, %dma_wait3A_285] : memref<78x128xi32, #tpu.memory_space<vmem>> -> memref<1x128xi32, #tpu.memory_space<vmem>>
        %dma_wait3A_287 = tpu.memref_squeeze %dma_wait3A_286 : memref<1x128xi32, #tpu.memory_space<vmem>> -> memref<128xi32, #tpu.memory_space<vmem>>
        %dma_wait3A_288 = arith.constant 0 : i32
        %dma_wait3A_289 = arith.constant 0 : i32
        %dma_wait3A_290 = tpu.memref_slice %arg14[%dma_wait3A_288, %dma_wait3A_289] : memref<10240x64xf32, #tpu.memory_space<vmem_shared>> -> memref<10240x64xf32, #tpu.memory_space<vmem_shared>>
        tpu.wait_indirect_dma semaphore(%run_scoped3A_270 : memref<!tpu.dma_semaphore, #tpu.memory_space<semaphore_mem>>) src(%dma_wait3A_284 : memref<128x64xf32, #tpu.memory_space<vmem>>) dst(%dma_wait3A_290 : memref<10240x64xf32, #tpu.memory_space<vmem_shared>>)
        tpu.yield
      }) : () -> ()
      %add3A_239 = arith.constant 6 : i32
      %add3A_240 = arith.addi %add3A_223, %add3A_239 : i32
      %lt3A_241 = arith.constant 78 : i32
      %lt3A_242 = arith.cmpi slt, %add3A_240, %lt3A_241 : i32
      %convert_element_type3A_243 = arith.extui %lt3A_242 : i1 to i32
      %cond3A_244 = arith.constant 0 : i32
      %cond3A_245 = arith.cmpi ne, %convert_element_type3A_243, %cond3A_244 : i32
      scf.if %cond3A_245 {
        %dma_start3A_270 = arith.constant 4 : i32
        %dma_start3A_271 = arith.constant 4 : i32
        %dma_start3A_272 = arith.constant 0 : i32
        %dma_start3A_273 = arith.constant 0 : i32
        %dma_start3A_274 = tpu.memref_slice %arg9[%dma_start3A_270, %dma_start3A_272, %dma_start3A_273] : memref<6x128x64xf32, #tpu.memory_space<vmem>> -> memref<1x128x64xf32, #tpu.memory_space<vmem>>
        %dma_start3A_275 = tpu.memref_squeeze %dma_start3A_274 : memref<1x128x64xf32, #tpu.memory_space<vmem>> -> memref<128x64xf32, #tpu.memory_space<vmem>>
        %dma_start3A_276 = arith.constant 0 : i32
        %dma_start3A_277 = tpu.memref_slice %arg5[%add3A_240, %dma_start3A_276] : memref<78x128xi32, #tpu.memory_space<vmem>> -> memref<1x128xi32, #tpu.memory_space<vmem>>
        %dma_start3A_278 = tpu.memref_squeeze %dma_start3A_277 : memref<1x128xi32, #tpu.memory_space<vmem>> -> memref<128xi32, #tpu.memory_space<vmem>>
        %dma_start3A_279 = arith.constant 0 : i32
        %dma_start3A_280 = arith.constant 0 : i32
        %dma_start3A_281 = tpu.memref_slice %arg2[%dma_start3A_279, %dma_start3A_280] : memref<10240x64xf32, #tpu.memory_space<hbm>> -> memref<10240x64xf32, #tpu.memory_space<hbm>>
        %dma_start3A_282 = tpu.memref_slice %arg12[%dma_start3A_271] : memref<6x!tpu.dma_semaphore, #tpu.memory_space<semaphore_mem>> -> memref<1x!tpu.dma_semaphore, #tpu.memory_space<semaphore_mem>>
        %dma_start3A_283 = tpu.memref_squeeze %dma_start3A_282 : memref<1x!tpu.dma_semaphore, #tpu.memory_space<semaphore_mem>> -> memref<!tpu.dma_semaphore, #tpu.memory_space<semaphore_mem>>
        tpu.enqueue_indirect_dma source(%dma_start3A_281 : memref<10240x64xf32, #tpu.memory_space<hbm>>) target(%dma_start3A_275 : memref<128x64xf32, #tpu.memory_space<vmem>>) offsets(%dma_start3A_278 : memref<128xi32, #tpu.memory_space<vmem>>) semaphore(%dma_start3A_283 : memref<!tpu.dma_semaphore, #tpu.memory_space<semaphore_mem>>)
      } else {
      }
      %add3A_246 = arith.constant 5 : i32
      %add3A_247 = arith.addi %add3A_126, %add3A_246 : i32
      %dma_wait3A_248 = arith.constant 5 : i32
      %dma_wait3A_249 = arith.constant 5 : i32
      %dma_wait3A_250 = arith.constant 0 : i32
      %dma_wait3A_251 = arith.constant 0 : i32
      %dma_wait3A_252 = tpu.memref_slice %arg9[%dma_wait3A_248, %dma_wait3A_250, %dma_wait3A_251] : memref<6x128x64xf32, #tpu.memory_space<vmem>> -> memref<1x128x64xf32, #tpu.memory_space<vmem>>
      %dma_wait3A_253 = tpu.memref_squeeze %dma_wait3A_252 : memref<1x128x64xf32, #tpu.memory_space<vmem>> -> memref<128x64xf32, #tpu.memory_space<vmem>>
      %dma_wait3A_254 = arith.constant 0 : i32
      %dma_wait3A_255 = tpu.memref_slice %arg5[%add3A_247, %dma_wait3A_254] : memref<78x128xi32, #tpu.memory_space<vmem>> -> memref<1x128xi32, #tpu.memory_space<vmem>>
      %dma_wait3A_256 = tpu.memref_squeeze %dma_wait3A_255 : memref<1x128xi32, #tpu.memory_space<vmem>> -> memref<128xi32, #tpu.memory_space<vmem>>
      %dma_wait3A_257 = arith.constant 0 : i32
      %dma_wait3A_258 = arith.constant 0 : i32
      %dma_wait3A_259 = tpu.memref_slice %arg2[%dma_wait3A_257, %dma_wait3A_258] : memref<10240x64xf32, #tpu.memory_space<hbm>> -> memref<10240x64xf32, #tpu.memory_space<hbm>>
      %dma_wait3A_260 = tpu.memref_slice %arg12[%dma_wait3A_249] : memref<6x!tpu.dma_semaphore, #tpu.memory_space<semaphore_mem>> -> memref<1x!tpu.dma_semaphore, #tpu.memory_space<semaphore_mem>>
      %dma_wait3A_261 = tpu.memref_squeeze %dma_wait3A_260 : memref<1x!tpu.dma_semaphore, #tpu.memory_space<semaphore_mem>> -> memref<!tpu.dma_semaphore, #tpu.memory_space<semaphore_mem>>
      tpu.wait_indirect_dma semaphore(%dma_wait3A_261 : memref<!tpu.dma_semaphore, #tpu.memory_space<semaphore_mem>>) src(%dma_wait3A_259 : memref<10240x64xf32, #tpu.memory_space<hbm>>) dst(%dma_wait3A_253 : memref<128x64xf32, #tpu.memory_space<vmem>>)
      %run_scoped3A_262 = arith.constant 5 : i32
      "tpu.region"() ({
        %run_scoped3A_270 = tpu.sem_alloc : memref<!tpu.dma_semaphore, #tpu.memory_space<semaphore_mem>>
        %dma_start3A_271 = arith.constant 0 : i32
        %dma_start3A_272 = arith.constant 0 : i32
        %dma_start3A_273 = tpu.memref_slice %arg9[%run_scoped3A_262, %dma_start3A_271, %dma_start3A_272] : memref<6x128x64xf32, #tpu.memory_space<vmem>> -> memref<1x128x64xf32, #tpu.memory_space<vmem>>
        %dma_start3A_274 = tpu.memref_squeeze %dma_start3A_273 : memref<1x128x64xf32, #tpu.memory_space<vmem>> -> memref<128x64xf32, #tpu.memory_space<vmem>>
        %dma_start3A_275 = arith.constant 0 : i32
        %dma_start3A_276 = tpu.memref_slice %arg6[%add3A_247, %dma_start3A_275] : memref<78x128xi32, #tpu.memory_space<vmem>> -> memref<1x128xi32, #tpu.memory_space<vmem>>
        %dma_start3A_277 = tpu.memref_squeeze %dma_start3A_276 : memref<1x128xi32, #tpu.memory_space<vmem>> -> memref<128xi32, #tpu.memory_space<vmem>>
        %dma_start3A_278 = arith.constant 0 : i32
        %dma_start3A_279 = arith.constant 0 : i32
        %dma_start3A_280 = tpu.memref_slice %arg14[%dma_start3A_278, %dma_start3A_279] : memref<10240x64xf32, #tpu.memory_space<vmem_shared>> -> memref<10240x64xf32, #tpu.memory_space<vmem_shared>>
        tpu.enqueue_indirect_dma source(%dma_start3A_274 : memref<128x64xf32, #tpu.memory_space<vmem>>) target(%dma_start3A_280 : memref<10240x64xf32, #tpu.memory_space<vmem_shared>>) offsets(%dma_start3A_277 : memref<128xi32, #tpu.memory_space<vmem>>) semaphore(%run_scoped3A_270 : memref<!tpu.dma_semaphore, #tpu.memory_space<semaphore_mem>>) {add = true}
        %dma_wait3A_281 = arith.constant 0 : i32
        %dma_wait3A_282 = arith.constant 0 : i32
        %dma_wait3A_283 = tpu.memref_slice %arg9[%run_scoped3A_262, %dma_wait3A_281, %dma_wait3A_282] : memref<6x128x64xf32, #tpu.memory_space<vmem>> -> memref<1x128x64xf32, #tpu.memory_space<vmem>>
        %dma_wait3A_284 = tpu.memref_squeeze %dma_wait3A_283 : memref<1x128x64xf32, #tpu.memory_space<vmem>> -> memref<128x64xf32, #tpu.memory_space<vmem>>
        %dma_wait3A_285 = arith.constant 0 : i32
        %dma_wait3A_286 = tpu.memref_slice %arg6[%add3A_247, %dma_wait3A_285] : memref<78x128xi32, #tpu.memory_space<vmem>> -> memref<1x128xi32, #tpu.memory_space<vmem>>
        %dma_wait3A_287 = tpu.memref_squeeze %dma_wait3A_286 : memref<1x128xi32, #tpu.memory_space<vmem>> -> memref<128xi32, #tpu.memory_space<vmem>>
        %dma_wait3A_288 = arith.constant 0 : i32
        %dma_wait3A_289 = arith.constant 0 : i32
        %dma_wait3A_290 = tpu.memref_slice %arg14[%dma_wait3A_288, %dma_wait3A_289] : memref<10240x64xf32, #tpu.memory_space<vmem_shared>> -> memref<10240x64xf32, #tpu.memory_space<vmem_shared>>
        tpu.wait_indirect_dma semaphore(%run_scoped3A_270 : memref<!tpu.dma_semaphore, #tpu.memory_space<semaphore_mem>>) src(%dma_wait3A_284 : memref<128x64xf32, #tpu.memory_space<vmem>>) dst(%dma_wait3A_290 : memref<10240x64xf32, #tpu.memory_space<vmem_shared>>)
        tpu.yield
      }) : () -> ()
      %add3A_263 = arith.constant 6 : i32
      %add3A_264 = arith.addi %add3A_247, %add3A_263 : i32
      %lt3A_265 = arith.constant 78 : i32
      %lt3A_266 = arith.cmpi slt, %add3A_264, %lt3A_265 : i32
      %convert_element_type3A_267 = arith.extui %lt3A_266 : i1 to i32
      %cond3A_268 = arith.constant 0 : i32
      %cond3A_269 = arith.cmpi ne, %convert_element_type3A_267, %cond3A_268 : i32
      scf.if %cond3A_269 {
        %dma_start3A_270 = arith.constant 5 : i32
        %dma_start3A_271 = arith.constant 5 : i32
        %dma_start3A_272 = arith.constant 0 : i32
        %dma_start3A_273 = arith.constant 0 : i32
        %dma_start3A_274 = tpu.memref_slice %arg9[%dma_start3A_270, %dma_start3A_272, %dma_start3A_273] : memref<6x128x64xf32, #tpu.memory_space<vmem>> -> memref<1x128x64xf32, #tpu.memory_space<vmem>>
        %dma_start3A_275 = tpu.memref_squeeze %dma_start3A_274 : memref<1x128x64xf32, #tpu.memory_space<vmem>> -> memref<128x64xf32, #tpu.memory_space<vmem>>
        %dma_start3A_276 = arith.constant 0 : i32
        %dma_start3A_277 = tpu.memref_slice %arg5[%add3A_264, %dma_start3A_276] : memref<78x128xi32, #tpu.memory_space<vmem>> -> memref<1x128xi32, #tpu.memory_space<vmem>>
        %dma_start3A_278 = tpu.memref_squeeze %dma_start3A_277 : memref<1x128xi32, #tpu.memory_space<vmem>> -> memref<128xi32, #tpu.memory_space<vmem>>
        %dma_start3A_279 = arith.constant 0 : i32
        %dma_start3A_280 = arith.constant 0 : i32
        %dma_start3A_281 = tpu.memref_slice %arg2[%dma_start3A_279, %dma_start3A_280] : memref<10240x64xf32, #tpu.memory_space<hbm>> -> memref<10240x64xf32, #tpu.memory_space<hbm>>
        %dma_start3A_282 = tpu.memref_slice %arg12[%dma_start3A_271] : memref<6x!tpu.dma_semaphore, #tpu.memory_space<semaphore_mem>> -> memref<1x!tpu.dma_semaphore, #tpu.memory_space<semaphore_mem>>
        %dma_start3A_283 = tpu.memref_squeeze %dma_start3A_282 : memref<1x!tpu.dma_semaphore, #tpu.memory_space<semaphore_mem>> -> memref<!tpu.dma_semaphore, #tpu.memory_space<semaphore_mem>>
        tpu.enqueue_indirect_dma source(%dma_start3A_281 : memref<10240x64xf32, #tpu.memory_space<hbm>>) target(%dma_start3A_275 : memref<128x64xf32, #tpu.memory_space<vmem>>) offsets(%dma_start3A_278 : memref<128xi32, #tpu.memory_space<vmem>>) semaphore(%dma_start3A_283 : memref<!tpu.dma_semaphore, #tpu.memory_space<semaphore_mem>>)
      } else {
      }
    }
    %scan3A_110 = arith.constant 13 : i32
    %lt3A_111 = arith.constant 4 : i32
    %lt3A_112 = arith.cmpi slt, %add3A, %lt3A_111 : i32
    %convert_element_type3A_113 = arith.extui %lt3A_112 : i1 to i32
    %cond3A_114 = arith.constant 0 : i32
    %cond3A_115 = arith.cmpi ne, %convert_element_type3A_113, %cond3A_114 : i32
    scf.if %cond3A_115 {
      %dma_wait3A = arith.constant 0 : i32
      %dma_wait3A_122 = arith.constant 0 : i32
      %dma_wait3A_123 = tpu.memref_slice %arg7[%dma_wait3A, %dma_wait3A_122] : memref<1x128xi32, #tpu.memory_space<vmem>> -> memref<1x128xi32, #tpu.memory_space<vmem>>
      %dma_wait3A_124 = tpu.memref_squeeze %dma_wait3A_123 : memref<1x128xi32, #tpu.memory_space<vmem>> -> memref<128xi32, #tpu.memory_space<vmem>>
      %dma_wait3A_125 = arith.constant 0 : i32
      %dma_wait3A_126 = arith.constant 0 : i32
      %dma_wait3A_127 = tpu.memref_slice %arg2[%dma_wait3A_125, %dma_wait3A_126] : memref<10240x64xf32, #tpu.memory_space<hbm>> -> memref<10240x64xf32, #tpu.memory_space<hbm>>
      tpu.wait_indirect_dma semaphore(%arg13 : memref<!tpu.dma_semaphore, #tpu.memory_space<semaphore_mem>>) src(%dma_wait3A_127 : memref<10240x64xf32, #tpu.memory_space<hbm>>) dst(%arg10 : memref<128x64xf32, #tpu.memory_space<vmem>>)
      %run_scoped3A_128 = arith.constant 0 : i32
      "tpu.region"() ({
        %run_scoped3A_129 = tpu.sem_alloc : memref<!tpu.dma_semaphore, #tpu.memory_space<semaphore_mem>>
        %dma_start3A_130 = arith.constant 0 : i32
        %dma_start3A_131 = tpu.memref_slice %arg8[%run_scoped3A_128, %dma_start3A_130] : memref<1x128xi32, #tpu.memory_space<vmem>> -> memref<1x128xi32, #tpu.memory_space<vmem>>
        %dma_start3A_132 = tpu.memref_squeeze %dma_start3A_131 : memref<1x128xi32, #tpu.memory_space<vmem>> -> memref<128xi32, #tpu.memory_space<vmem>>
        %dma_start3A_133 = arith.constant 0 : i32
        %dma_start3A_134 = arith.constant 0 : i32
        %dma_start3A_135 = tpu.memref_slice %arg14[%dma_start3A_133, %dma_start3A_134] : memref<10240x64xf32, #tpu.memory_space<vmem_shared>> -> memref<10240x64xf32, #tpu.memory_space<vmem_shared>>
        tpu.enqueue_indirect_dma source(%arg10 : memref<128x64xf32, #tpu.memory_space<vmem>>) target(%dma_start3A_135 : memref<10240x64xf32, #tpu.memory_space<vmem_shared>>) offsets(%dma_start3A_132 : memref<128xi32, #tpu.memory_space<vmem>>) semaphore(%run_scoped3A_129 : memref<!tpu.dma_semaphore, #tpu.memory_space<semaphore_mem>>) {add = true}
        %dma_wait3A_136 = arith.constant 0 : i32
        %dma_wait3A_137 = tpu.memref_slice %arg8[%run_scoped3A_128, %dma_wait3A_136] : memref<1x128xi32, #tpu.memory_space<vmem>> -> memref<1x128xi32, #tpu.memory_space<vmem>>
        %dma_wait3A_138 = tpu.memref_squeeze %dma_wait3A_137 : memref<1x128xi32, #tpu.memory_space<vmem>> -> memref<128xi32, #tpu.memory_space<vmem>>
        %dma_wait3A_139 = arith.constant 0 : i32
        %dma_wait3A_140 = arith.constant 0 : i32
        %dma_wait3A_141 = tpu.memref_slice %arg14[%dma_wait3A_139, %dma_wait3A_140] : memref<10240x64xf32, #tpu.memory_space<vmem_shared>> -> memref<10240x64xf32, #tpu.memory_space<vmem_shared>>
        tpu.wait_indirect_dma semaphore(%run_scoped3A_129 : memref<!tpu.dma_semaphore, #tpu.memory_space<semaphore_mem>>) src(%arg10 : memref<128x64xf32, #tpu.memory_space<vmem>>) dst(%dma_wait3A_141 : memref<10240x64xf32, #tpu.memory_space<vmem_shared>>)
        tpu.yield
      }) : () -> ()
    } else {
    }
    %barrier3A_116 = arith.constant 0 : index
    tpu.barrier barrier_id(%barrier3A_116)
    %scan3A_117 = arith.constant 0 : i32
    %scan3A_118 = arith.constant 5 : i32
    %scan3A_119 = arith.addi %scan3A_117, %scan3A_118 : i32
    %scan3A_120 = arith.constant 1 : i32
    scf.for %scan3A_122 = %scan3A_117 to %scan3A_119 step %scan3A_120  : i32 {
      %mul3A_123 = arith.constant 1 : i32
      %mul3A_124 = arith.muli %scan3A_122, %mul3A_123 : i32
      %add3A_125 = arith.constant 0 : i32
      %add3A_126 = arith.addi %add3A_125, %mul3A_124 : i32
      %mul3A_127 = arith.constant 640 : i32
      %mul3A_128 = arith.muli %arg1, %mul3A_127 : i32
      %mul3A_129 = arith.constant 128 : i32
      %mul3A_130 = arith.muli %add3A_126, %mul3A_129 : i32
      %add3A_131 = arith.addi %mul3A_128, %mul3A_130 : i32
      "tpu.region"() ({
        %run_scoped3A_137 = tpu.sem_alloc : memref<!tpu.dma_semaphore, #tpu.memory_space<semaphore_mem>>
        %dma_start3A_138 = arith.constant 0 : i32
        %dma_start3A_139 = tpu.memref_slice %arg14[%add3A_131, %dma_start3A_138] : memref<10240x64xf32, #tpu.memory_space<vmem_shared>> -> memref<128x64xf32, #tpu.memory_space<vmem_shared>>
        %dma_start3A_140 = arith.constant 0 : i32
        %dma_start3A_141 = tpu.memref_slice %arg14[%add3A_131, %dma_start3A_140] : memref<10240x64xf32, #tpu.memory_space<vmem_shared>> -> memref<128x64xf32, #tpu.memory_space<vmem_shared>>
        tpu.enqueue_dma source(%dma_start3A_141 : memref<128x64xf32, #tpu.memory_space<vmem_shared>>) target(%arg11 : memref<128x64xf32, #tpu.memory_space<vmem>>) target_semaphore(%run_scoped3A_137 : memref<!tpu.dma_semaphore, #tpu.memory_space<semaphore_mem>>)
        %dma_wait3A = arith.constant 0 : i32
        %dma_wait3A_142 = tpu.memref_slice %arg14[%add3A_131, %dma_wait3A] : memref<10240x64xf32, #tpu.memory_space<vmem_shared>> -> memref<128x64xf32, #tpu.memory_space<vmem_shared>>
        %dma_wait3A_143 = arith.constant 0 : i32
        %dma_wait3A_144 = tpu.memref_slice %arg14[%add3A_131, %dma_wait3A_143] : memref<10240x64xf32, #tpu.memory_space<vmem_shared>> -> memref<128x64xf32, #tpu.memory_space<vmem_shared>>
        tpu.wait_dma2 semaphore(%run_scoped3A_137 : memref<!tpu.dma_semaphore, #tpu.memory_space<semaphore_mem>>) src(%dma_wait3A_144 : memref<128x64xf32, #tpu.memory_space<vmem_shared>>) dst(%arg11 : memref<128x64xf32, #tpu.memory_space<vmem>>)
        tpu.yield
      }) : () -> ()
      %mul3A_132 = arith.constant 640 : i32
      %mul3A_133 = arith.muli %arg1, %mul3A_132 : i32
      %mul3A_134 = arith.constant 128 : i32
      %mul3A_135 = arith.muli %add3A_126, %mul3A_134 : i32
      %add3A_136 = arith.addi %mul3A_133, %mul3A_135 : i32
      "tpu.region"() ({
        %run_scoped3A_137 = tpu.sem_alloc : memref<!tpu.dma_semaphore, #tpu.memory_space<semaphore_mem>>
        %dma_start3A_138 = arith.constant 0 : i32
        %dma_start3A_139 = tpu.memref_slice %arg4[%arg0, %add3A_136, %dma_start3A_138] : memref<2x10240x64xf32, #tpu.memory_space<hbm>> -> memref<1x128x64xf32, #tpu.memory_space<hbm>>
        %dma_start3A_140 = tpu.memref_squeeze %dma_start3A_139 : memref<1x128x64xf32, #tpu.memory_space<hbm>> -> memref<128x64xf32, #tpu.memory_space<hbm>>
        %dma_start3A_141 = arith.constant 0 : i32
        %dma_start3A_142 = tpu.memref_slice %arg4[%arg0, %add3A_136, %dma_start3A_141] : memref<2x10240x64xf32, #tpu.memory_space<hbm>> -> memref<1x128x64xf32, #tpu.memory_space<hbm>>
        %dma_start3A_143 = tpu.memref_squeeze %dma_start3A_142 : memref<1x128x64xf32, #tpu.memory_space<hbm>> -> memref<128x64xf32, #tpu.memory_space<hbm>>
        tpu.enqueue_dma source(%arg11 : memref<128x64xf32, #tpu.memory_space<vmem>>) target(%dma_start3A_143 : memref<128x64xf32, #tpu.memory_space<hbm>>) target_semaphore(%run_scoped3A_137 : memref<!tpu.dma_semaphore, #tpu.memory_space<semaphore_mem>>)
        %dma_wait3A = arith.constant 0 : i32
        %dma_wait3A_144 = tpu.memref_slice %arg4[%arg0, %add3A_136, %dma_wait3A] : memref<2x10240x64xf32, #tpu.memory_space<hbm>> -> memref<1x128x64xf32, #tpu.memory_space<hbm>>
        %dma_wait3A_145 = tpu.memref_squeeze %dma_wait3A_144 : memref<1x128x64xf32, #tpu.memory_space<hbm>> -> memref<128x64xf32, #tpu.memory_space<hbm>>
        %dma_wait3A_146 = arith.constant 0 : i32
        %dma_wait3A_147 = tpu.memref_slice %arg4[%arg0, %add3A_136, %dma_wait3A_146] : memref<2x10240x64xf32, #tpu.memory_space<hbm>> -> memref<1x128x64xf32, #tpu.memory_space<hbm>>
        %dma_wait3A_148 = tpu.memref_squeeze %dma_wait3A_147 : memref<1x128x64xf32, #tpu.memory_space<hbm>> -> memref<128x64xf32, #tpu.memory_space<hbm>>
        tpu.wait_dma2 semaphore(%run_scoped3A_137 : memref<!tpu.dma_semaphore, #tpu.memory_space<semaphore_mem>>) src(%arg11 : memref<128x64xf32, #tpu.memory_space<vmem>>) dst(%dma_wait3A_148 : memref<128x64xf32, #tpu.memory_space<hbm>>)
        tpu.yield
      }) : () -> ()
    }
    %scan3A_121 = arith.constant 5 : i32
    return
  }
}

module attributes {stable_mosaic.version = 14 : i64} {
  func.func @_tc1a_body(%arg0: i32, %arg1: memref<512x256xf32, #tpu.memory_space<vmem>>, %arg2: memref<256x128xf32, #tpu.memory_space<vmem>>, %arg3: memref<512x128xf32, #tpu.memory_space<vmem>>) attributes {dimension_semantics = [#tpu.dimension_semantics<arbitrary>], iteration_bounds = array<i64: 10>, scalar_prefetch = 0 : i64, scratch_operands = 0 : i64, tpu.core_type = #tpu.core_type<tc>, window_params = [{transform_indices = @transform_0, window_bounds = array<i64: 512, 256>}, {pipeline_mode = #tpu.pipeline_mode<synchronous>, transform_indices = @transform_1, window_bounds = array<i64: 256, 128>}, {transform_indices = @transform_2, window_bounds = array<i64: 512, 128>}]} {
    %get3A = arith.constant 0 : index
    %get3A_0 = arith.constant 0 : index
    %get3A_1 = vector.load %arg1[%get3A, %get3A_0] : memref<512x256xf32, #tpu.memory_space<vmem>>, vector<512x256xf32>
    %get3A_2 = arith.constant 0 : index
    %get3A_3 = arith.constant 0 : index
    %get3A_4 = vector.load %arg2[%get3A_2, %get3A_3] : memref<256x128xf32, #tpu.memory_space<vmem>>, vector<256x128xf32>
    %dot_general3A = arith.constant dense<0.000000e+00> : vector<512x128xf32>
    %dot_general3A_5 = tpu.matmul %get3A_1, %get3A_4, %dot_general3A {dimension_numbers = #tpu.dot_dimension_numbers<[1], [0], [0], [1], [0, 0, 1, 1], [], []>, transpose_lhs_hint = false} : vector<512x256xf32>, vector<256x128xf32>, vector<512x128xf32> -> vector<512x128xf32>
    %swap3A = arith.constant 0 : index
    %swap3A_6 = arith.constant 0 : index
    %swap3A_7 = vector.load %arg3[%swap3A, %swap3A_6] : memref<512x128xf32, #tpu.memory_space<vmem>>, vector<512x128xf32>
    tpu.vector_store %arg3[%swap3A, %swap3A_6], %dot_general3A_5 {strides = array<i32>} : memref<512x128xf32, #tpu.memory_space<vmem>>, vector<512x128xf32>,
    return
  }
  func.func @transform_0(%arg0: i32) -> (i32, i32) {
    %c0_i32 = arith.constant 0 : i32
    %c0_i32_0 = arith.constant 0 : i32
    return %arg0, %c0_i32 : i32, i32
  }
  func.func @transform_1(%arg0: i32) -> (i32, i32) {
    %c0_i32 = arith.constant 0 : i32
    %c0_i32_0 = arith.constant 0 : i32
    %c0_i32_1 = arith.constant 0 : i32
    return %c0_i32, %c0_i32_0 : i32, i32
  }
  func.func @transform_2(%arg0: i32) -> (i32, i32) {
    %c0_i32 = arith.constant 0 : i32
    %c0_i32_0 = arith.constant 0 : i32
    return %arg0, %c0_i32 : i32, i32
  }
}

module attributes {stable_mosaic.version = 14 : i64} {
  func.func @_tc1b_body(%arg0: i32, %arg1: memref<2x512xf32, #tpu.memory_space<vmem>>, %arg2: memref<2x512xf32, #tpu.memory_space<vmem>>, %arg3: memref<512x128xf32, #tpu.memory_space<vmem>>, %arg4: memref<512x128xf32, #tpu.memory_space<vmem>>, %arg5: memref<512x128xf32, #tpu.memory_space<vmem>>) attributes {dimension_semantics = [#tpu.dimension_semantics<arbitrary>], iteration_bounds = array<i64: 10>, scalar_prefetch = 0 : i64, scratch_operands = 0 : i64, tpu.core_type = #tpu.core_type<tc>, window_params = [{transform_indices = @transform_0, window_bounds = array<i64: 2, 512>}, {transform_indices = @transform_1, window_bounds = array<i64: 2, 512>}, {transform_indices = @transform_2, window_bounds = array<i64: 512, 128>}, {transform_indices = @transform_3, window_bounds = array<i64: 512, 128>}, {transform_indices = @transform_4, window_bounds = array<i64: 512, 128>}]} {
    %get3A = arith.constant 0 : index
    %get3A_0 = arith.constant 0 : index
    %get3A_1 = vector.load %arg1[%get3A, %get3A_0] : memref<2x512xf32, #tpu.memory_space<vmem>>, vector<1x512xf32>
    %get3A_2 = vector.shape_cast %get3A_1 : vector<1x512xf32> to vector<512xf32>
    %get3A_3 = arith.constant 1 : index
    %get3A_4 = arith.constant 0 : index
    %get3A_5 = vector.load %arg1[%get3A_3, %get3A_4] : memref<2x512xf32, #tpu.memory_space<vmem>>, vector<1x512xf32>
    %get3A_6 = vector.shape_cast %get3A_5 : vector<1x512xf32> to vector<512xf32>
    %add3A = arith.addf %get3A_2, %get3A_6 : vector<512xf32>
    %add3A_7 = arith.constant 1.000000e+00 : f32
    %add3A_8 = vector.broadcast %add3A_7 : f32 to vector<512xf32>
    %add3A_9 = arith.addf %add3A, %add3A_8 : vector<512xf32>
    %rsqrt3A = math.rsqrt %add3A_9 : vector<512xf32>
    %broadcast_in_dim3A = vector.shape_cast %rsqrt3A : vector<512xf32> to vector<512x1xf32>
    %get3A_10 = arith.constant 0 : index
    %get3A_11 = arith.constant 0 : index
    %get3A_12 = vector.load %arg2[%get3A_10, %get3A_11] : memref<2x512xf32, #tpu.memory_space<vmem>>, vector<1x512xf32>
    %get3A_13 = vector.shape_cast %get3A_12 : vector<1x512xf32> to vector<512xf32>
    %get3A_14 = arith.constant 1 : index
    %get3A_15 = arith.constant 0 : index
    %get3A_16 = vector.load %arg2[%get3A_14, %get3A_15] : memref<2x512xf32, #tpu.memory_space<vmem>>, vector<1x512xf32>
    %get3A_17 = vector.shape_cast %get3A_16 : vector<1x512xf32> to vector<512xf32>
    %add3A_18 = arith.addf %get3A_13, %get3A_17 : vector<512xf32>
    %add3A_19 = arith.constant 1.000000e+00 : f32
    %add3A_20 = vector.broadcast %add3A_19 : f32 to vector<512xf32>
    %add3A_21 = arith.addf %add3A_18, %add3A_20 : vector<512xf32>
    %rsqrt3A_22 = math.rsqrt %add3A_21 : vector<512xf32>
    %broadcast_in_dim3A_23 = vector.shape_cast %rsqrt3A_22 : vector<512xf32> to vector<512x1xf32>
    %broadcast_in_dim3A_24 = vector.shape_cast %broadcast_in_dim3A : vector<512x1xf32> to vector<512x1xf32>
    %broadcast_in_dim3A_25 = vector.broadcast %broadcast_in_dim3A_24 : vector<512x1xf32> to vector<512x64xf32>
    %broadcast_in_dim3A_26 = vector.shape_cast %broadcast_in_dim3A_23 : vector<512x1xf32> to vector<512x1xf32>
    %broadcast_in_dim3A_27 = vector.broadcast %broadcast_in_dim3A_26 : vector<512x1xf32> to vector<512x64xf32>
    %concatenate3A = tpu.concatenate %broadcast_in_dim3A_25, %broadcast_in_dim3A_27 in 1 : vector<512x64xf32>, vector<512x64xf32> -> vector<512x128xf32>
    %swap3A = arith.constant 0 : index
    %swap3A_28 = arith.constant 0 : index
    %swap3A_29 = vector.load %arg4[%swap3A, %swap3A_28] : memref<512x128xf32, #tpu.memory_space<vmem>>, vector<512x128xf32>
    tpu.vector_store %arg4[%swap3A, %swap3A_28], %concatenate3A {strides = array<i32>} : memref<512x128xf32, #tpu.memory_space<vmem>>, vector<512x128xf32>,
    %get3A_30 = arith.constant 0 : index
    %get3A_31 = arith.constant 0 : index
    %get3A_32 = vector.load %arg3[%get3A_30, %get3A_31] : memref<512x128xf32, #tpu.memory_space<vmem>>, vector<512x128xf32>
    %mul3A = arith.mulf %get3A_32, %concatenate3A : vector<512x128xf32>
    %swap3A_33 = arith.constant 0 : index
    %swap3A_34 = arith.constant 0 : index
    %swap3A_35 = vector.load %arg5[%swap3A_33, %swap3A_34] : memref<512x128xf32, #tpu.memory_space<vmem>>, vector<512x128xf32>
    tpu.vector_store %arg5[%swap3A_33, %swap3A_34], %mul3A {strides = array<i32>} : memref<512x128xf32, #tpu.memory_space<vmem>>, vector<512x128xf32>,
    return
  }
  func.func @transform_0(%arg0: i32) -> (i32, i32) {
    %c0_i32 = arith.constant 0 : i32
    %c0_i32_0 = arith.constant 0 : i32
    return %c0_i32, %arg0 : i32, i32
  }
  func.func @transform_1(%arg0: i32) -> (i32, i32) {
    %c0_i32 = arith.constant 0 : i32
    %c0_i32_0 = arith.constant 0 : i32
    return %c0_i32, %arg0 : i32, i32
  }
  func.func @transform_2(%arg0: i32) -> (i32, i32) {
    %c0_i32 = arith.constant 0 : i32
    %c0_i32_0 = arith.constant 0 : i32
    return %arg0, %c0_i32 : i32, i32
  }
  func.func @transform_3(%arg0: i32) -> (i32, i32) {
    %c0_i32 = arith.constant 0 : i32
    %c0_i32_0 = arith.constant 0 : i32
    return %arg0, %c0_i32 : i32, i32
  }
  func.func @transform_4(%arg0: i32) -> (i32, i32) {
    %c0_i32 = arith.constant 0 : i32
    %c0_i32_0 = arith.constant 0 : i32
    return %arg0, %c0_i32 : i32, i32
  }
}

module attributes {stable_mosaic.version = 14 : i64} {
  func.func @_tc2_body(%arg0: memref<2x5120x128xf32, #tpu.memory_space<vmem>>, %arg1: memref<5120x128xf32, #tpu.memory_space<vmem>>, %arg2: memref<5120x128xf32, #tpu.memory_space<vmem>>, %arg3: memref<1x128xf32, #tpu.memory_space<vmem>>, %arg4: memref<128x128xf32, #tpu.memory_space<vmem>>, %arg5: memref<5120x128xf32, #tpu.memory_space<vmem>>) attributes {dimension_semantics = [], scalar_prefetch = 0 : i64, scratch_operands = 0 : i64, tpu.core_type = #tpu.core_type<tc>} {
    %get3A = arith.constant 0 : index
    %get3A_0 = arith.constant 0 : index
    %get3A_1 = vector.load %arg2[%get3A, %get3A_0] : memref<5120x128xf32, #tpu.memory_space<vmem>>, vector<5120x128xf32>
    %get3A_2 = arith.constant 0 : index
    %get3A_3 = arith.constant 0 : index
    %get3A_4 = arith.constant 0 : index
    %get3A_5 = vector.load %arg0[%get3A_2, %get3A_3, %get3A_4] : memref<2x5120x128xf32, #tpu.memory_space<vmem>>, vector<1x5120x128xf32>
    %get3A_6 = vector.shape_cast %get3A_5 : vector<1x5120x128xf32> to vector<5120x128xf32>
    %get3A_7 = arith.constant 1 : index
    %get3A_8 = arith.constant 0 : index
    %get3A_9 = arith.constant 0 : index
    %get3A_10 = vector.load %arg0[%get3A_7, %get3A_8, %get3A_9] : memref<2x5120x128xf32, #tpu.memory_space<vmem>>, vector<1x5120x128xf32>
    %get3A_11 = vector.shape_cast %get3A_10 : vector<1x5120x128xf32> to vector<5120x128xf32>
    %add3A = arith.addf %get3A_6, %get3A_11 : vector<5120x128xf32>
    %get3A_12 = arith.constant 0 : index
    %get3A_13 = arith.constant 0 : index
    %get3A_14 = vector.load %arg1[%get3A_12, %get3A_13] : memref<5120x128xf32, #tpu.memory_space<vmem>>, vector<5120x128xf32>
    %add3A_15 = arith.addf %add3A, %get3A_14 : vector<5120x128xf32>
    %mul3A = arith.mulf %get3A_1, %add3A_15 : vector<5120x128xf32>
    %get3A_16 = arith.constant 0 : index
    %get3A_17 = arith.constant 0 : index
    %get3A_18 = vector.load %arg3[%get3A_16, %get3A_17] : memref<1x128xf32, #tpu.memory_space<vmem>>, vector<1x128xf32>
    %add3A_19 = vector.broadcast %get3A_18 : vector<1x128xf32> to vector<5120x128xf32>
    %add3A_20 = arith.addf %mul3A, %add3A_19 : vector<5120x128xf32>
    %max3A = arith.constant 0.000000e+00 : f32
    %max3A_21 = vector.broadcast %max3A : f32 to vector<5120x128xf32>
    %max3A_22 = arith.maximumf %add3A_20, %max3A_21 : vector<5120x128xf32>
    %get3A_23 = arith.constant 0 : index
    %get3A_24 = arith.constant 0 : index
    %get3A_25 = vector.load %arg4[%get3A_23, %get3A_24] : memref<128x128xf32, #tpu.memory_space<vmem>>, vector<128x128xf32>
    %dot_general3A = arith.constant dense<0.000000e+00> : vector<5120x128xf32>
    %dot_general3A_26 = tpu.matmul %max3A_22, %get3A_25, %dot_general3A {dimension_numbers = #tpu.dot_dimension_numbers<[1], [0], [0], [1], [0, 0, 1, 1], [], []>, transpose_lhs_hint = false} : vector<5120x128xf32>, vector<128x128xf32>, vector<5120x128xf32> -> vector<5120x128xf32>
    %mul3A_27 = arith.mulf %get3A_1, %dot_general3A_26 : vector<5120x128xf32>
    %swap3A = arith.constant 0 : index
    %swap3A_28 = arith.constant 0 : index
    %swap3A_29 = vector.load %arg5[%swap3A, %swap3A_28] : memref<5120x128xf32, #tpu.memory_space<vmem>>, vector<5120x128xf32>
    tpu.vector_store %arg5[%swap3A, %swap3A_28], %mul3A_27 {strides = array<i32>} : memref<5120x128xf32, #tpu.memory_space<vmem>>, vector<5120x128xf32>,
    return
  }
}

module attributes {stable_mosaic.version = 14 : i64} {
  func.func @_tc3_body(%arg0: memref<2x5120x128xf32, #tpu.memory_space<vmem>>, %arg1: memref<5120x128xf32, #tpu.memory_space<vmem>>, %arg2: memref<5120x128xf32, #tpu.memory_space<vmem>>, %arg3: memref<1x128xf32, #tpu.memory_space<vmem>>, %arg4: memref<1x5120xi32, #tpu.memory_space<vmem>>, %arg5: memref<1x5120xi32, #tpu.memory_space<vmem>>, %arg6: memref<64x2xf32, #tpu.memory_space<vmem>>, %arg7: memref<1x2xf32, #tpu.memory_space<vmem>>, %arg8: memref<64x2xf32, #tpu.memory_space<vmem>>) attributes {dimension_semantics = [], scalar_prefetch = 0 : i64, scratch_operands = 0 : i64, tpu.core_type = #tpu.core_type<tc>} {
    %get3A = arith.constant 0 : index
    %get3A_0 = arith.constant 0 : index
    %get3A_1 = vector.load %arg2[%get3A, %get3A_0] : memref<5120x128xf32, #tpu.memory_space<vmem>>, vector<5120x128xf32>
    %get3A_2 = arith.constant 0 : index
    %get3A_3 = arith.constant 0 : index
    %get3A_4 = arith.constant 0 : index
    %get3A_5 = vector.load %arg0[%get3A_2, %get3A_3, %get3A_4] : memref<2x5120x128xf32, #tpu.memory_space<vmem>>, vector<1x5120x128xf32>
    %get3A_6 = vector.shape_cast %get3A_5 : vector<1x5120x128xf32> to vector<5120x128xf32>
    %get3A_7 = arith.constant 1 : index
    %get3A_8 = arith.constant 0 : index
    %get3A_9 = arith.constant 0 : index
    %get3A_10 = vector.load %arg0[%get3A_7, %get3A_8, %get3A_9] : memref<2x5120x128xf32, #tpu.memory_space<vmem>>, vector<1x5120x128xf32>
    %get3A_11 = vector.shape_cast %get3A_10 : vector<1x5120x128xf32> to vector<5120x128xf32>
    %add3A = arith.addf %get3A_6, %get3A_11 : vector<5120x128xf32>
    %get3A_12 = arith.constant 0 : index
    %get3A_13 = arith.constant 0 : index
    %get3A_14 = vector.load %arg1[%get3A_12, %get3A_13] : memref<5120x128xf32, #tpu.memory_space<vmem>>, vector<5120x128xf32>
    %add3A_15 = arith.addf %add3A, %get3A_14 : vector<5120x128xf32>
    %mul3A = arith.mulf %get3A_1, %add3A_15 : vector<5120x128xf32>
    %get3A_16 = arith.constant 0 : index
    %get3A_17 = arith.constant 0 : index
    %get3A_18 = vector.load %arg3[%get3A_16, %get3A_17] : memref<1x128xf32, #tpu.memory_space<vmem>>, vector<1x128xf32>
    %add3A_19 = vector.broadcast %get3A_18 : vector<1x128xf32> to vector<5120x128xf32>
    %add3A_20 = arith.addf %mul3A, %add3A_19 : vector<5120x128xf32>
    %max3A = arith.constant 0.000000e+00 : f32
    %max3A_21 = vector.broadcast %max3A : f32 to vector<5120x128xf32>
    %max3A_22 = arith.maximumf %add3A_20, %max3A_21 : vector<5120x128xf32>
    %iota3A = tpu.iota {dimensions = array<i32: 0>} : vector<64x5120xi32>
    %get3A_23 = arith.constant 0 : index
    %get3A_24 = arith.constant 0 : index
    %get3A_25 = vector.load %arg4[%get3A_23, %get3A_24] : memref<1x5120xi32, #tpu.memory_space<vmem>>, vector<1x5120xi32>
    %eq3A = vector.broadcast %get3A_25 : vector<1x5120xi32> to vector<64x5120xi32>
    %eq3A_26 = arith.cmpi eq, %eq3A, %iota3A : vector<64x5120xi32>
    %convert_element_type3A = arith.extui %eq3A_26 : vector<64x5120xi1> to vector<64x5120xi32>
    %convert_element_type3A_27 = arith.sitofp %convert_element_type3A : vector<64x5120xi32> to vector<64x5120xf32>
    %get3A_28 = arith.constant 0 : index
    %get3A_29 = arith.constant 0 : index
    %get3A_30 = vector.load %arg5[%get3A_28, %get3A_29] : memref<1x5120xi32, #tpu.memory_space<vmem>>, vector<1x5120xi32>
    %eq3A_31 = vector.broadcast %get3A_30 : vector<1x5120xi32> to vector<64x5120xi32>
    %eq3A_32 = arith.cmpi eq, %eq3A_31, %iota3A : vector<64x5120xi32>
    %convert_element_type3A_33 = arith.extui %eq3A_32 : vector<64x5120xi1> to vector<64x5120xi32>
    %convert_element_type3A_34 = arith.sitofp %convert_element_type3A_33 : vector<64x5120xi32> to vector<64x5120xf32>
    %dot_general3A = arith.constant dense<0.000000e+00> : vector<64x128xf32>
    %dot_general3A_35 = tpu.matmul %convert_element_type3A_27, %max3A_22, %dot_general3A {dimension_numbers = #tpu.dot_dimension_numbers<[1], [0], [0], [1], [0, 0, 1, 1], [], []>, transpose_lhs_hint = false} : vector<64x5120xf32>, vector<5120x128xf32>, vector<64x128xf32> -> vector<64x128xf32>
    %dot_general3A_36 = arith.constant dense<0.000000e+00> : vector<64x128xf32>
    %dot_general3A_37 = tpu.matmul %convert_element_type3A_34, %max3A_22, %dot_general3A_36 {dimension_numbers = #tpu.dot_dimension_numbers<[1], [0], [0], [1], [0, 0, 1, 1], [], []>, transpose_lhs_hint = false} : vector<64x5120xf32>, vector<5120x128xf32>, vector<64x128xf32> -> vector<64x128xf32>
    %slice3A = vector.extract_strided_slice %dot_general3A_35 {offsets = [0, 0], sizes = [64, 64], strides = [1, 1]} : vector<64x128xf32> to vector<64x64xf32>
    %slice3A_38 = vector.extract_strided_slice %dot_general3A_37 {offsets = [0, 64], sizes = [64, 64], strides = [1, 1]} : vector<64x128xf32> to vector<64x64xf32>
    %add3A_39 = arith.addf %slice3A, %slice3A_38 : vector<64x64xf32>
    %reduce_sum3A = arith.constant dense<0.000000e+00> : vector<64xf32>
    %reduce_sum3A_40 = vector.multi_reduction <add>, %convert_element_type3A_27, %reduce_sum3A [1] : vector<64x5120xf32> to vector<64xf32>
    %broadcast_in_dim3A = vector.shape_cast %reduce_sum3A_40 : vector<64xf32> to vector<64x1xf32>
    %reduce_sum3A_41 = arith.constant dense<0.000000e+00> : vector<64xf32>
    %reduce_sum3A_42 = vector.multi_reduction <add>, %convert_element_type3A_34, %reduce_sum3A_41 [1] : vector<64x5120xf32> to vector<64xf32>
    %broadcast_in_dim3A_43 = vector.shape_cast %reduce_sum3A_42 : vector<64xf32> to vector<64x1xf32>
    %add3A_44 = arith.addf %broadcast_in_dim3A, %broadcast_in_dim3A_43 : vector<64x1xf32>
    %max3A_45 = arith.constant 1.000000e+00 : f32
    %max3A_46 = vector.broadcast %max3A_45 : f32 to vector<64x1xf32>
    %max3A_47 = arith.maximumf %add3A_44, %max3A_46 : vector<64x1xf32>
    %div3A = vector.broadcast %max3A_47 : vector<64x1xf32> to vector<64x64xf32>
    %div3A_48 = arith.divf %add3A_39, %div3A : vector<64x64xf32>
    %get3A_49 = arith.constant 0 : index
    %get3A_50 = arith.constant 0 : index
    %get3A_51 = vector.load %arg6[%get3A_49, %get3A_50] : memref<64x2xf32, #tpu.memory_space<vmem>>, vector<64x2xf32>
    %dot_general3A_52 = arith.constant dense<0.000000e+00> : vector<64x2xf32>
    %dot_general3A_53 = tpu.matmul %div3A_48, %get3A_51, %dot_general3A_52 {dimension_numbers = #tpu.dot_dimension_numbers<[1], [0], [0], [1], [0, 0, 1, 1], [], []>, transpose_lhs_hint = false} : vector<64x64xf32>, vector<64x2xf32>, vector<64x2xf32> -> vector<64x2xf32>
    %get3A_54 = arith.constant 0 : index
    %get3A_55 = arith.constant 0 : index
    %get3A_56 = vector.load %arg7[%get3A_54, %get3A_55] : memref<1x2xf32, #tpu.memory_space<vmem>>, vector<1x2xf32>
    %add3A_57 = vector.broadcast %get3A_56 : vector<1x2xf32> to vector<64x2xf32>
    %add3A_58 = arith.addf %dot_general3A_53, %add3A_57 : vector<64x2xf32>
    %swap3A = arith.constant 0 : index
    %swap3A_59 = arith.constant 0 : index
    %swap3A_60 = vector.load %arg8[%swap3A, %swap3A_59] : memref<64x2xf32, #tpu.memory_space<vmem>>, vector<64x2xf32>
    tpu.vector_store %arg8[%swap3A, %swap3A_59], %add3A_58 {strides = array<i32>} : memref<64x2xf32, #tpu.memory_space<vmem>>, vector<64x2xf32>,
    return
  }
}

</mosaic_0001>

<sc_bundles>
// kernel: kernel.12.cloned.1.call-start
scs
__scs_entry_jumppad:
0x0: {  	(pc) =	sbr.rel $0x88, $3  }
0x1: {  	(tag) =	ssettag $0x0;
	lr =	simm.s32 $0x1  }
0x2: {  	[smem:$0x3F98] =	sst lr;
	_ =	strace $0xD0000000  }
0x3: {  	_ = 	snop  }
0x4: {  	_ = 	snop  }
0x5: {  	_ = 	snop  }
0x6: {  	_ = 	snop  }
0x7: {  	_ = 	snop  }
__scs_overlays_trampoline_lowered:
0x8: {  	[smem:$0x3FA7] =	sst s0  }
0x9: {  	[smem:$0x3FA8] =	sst s1  }
0xa: {  	[smem:$0x3FA9] =	sst s2  }
0xb: {  	[smem:$0x3FAA] =	sst s3  }
0xc: {  	[smem:$0x3FAB] =	sst s4  }
0xd: {  	[smem:$0x3FAC] =	sst s5  }
0xe: {  	[smem:$0x3FAD] =	sst s6  }
0xf: {  	[smem:$0x3FAE] =	sst s7  }
0x10: {  	[smem:$0x3FAF] =	sst s8  }
0x11: {  	[smem:$0x3FB0] =	sst s9;
	s0 =	simm.s32 @!p0 $0x0  }
0x12: {  	s1 =	sld [smem:$0x3F96];
	s0 =	simm.s32 @p0 $0x1  }
0x13: {  	[smem:$0x3FB1] =	sst s0;
	s0 =	simm.s32 @!p1 $0x0  }
0x14: {  	s2 =	sld [smem:$0x3F95];
	s0 =	simm.s32 @p1 $0x1  }
0x15: {  	[smem:$0x3FB2] =	sst s0;
	s0 =	simm.s32 @!p2 $0x0  }
0x16: {  	s3 =	sld [smem:$0x3FDB];
	s0 =	simm.s32 @p2 $0x1  }
0x17: {  	s4 =	simm.s32 $0x1BF5;
	[smem:$0x3FB4] =	sst s0  }
0x18: {  	s0 =	sld [smem:$0x3F97];
	_ =	swait.ge [sflag:s4], $0x0  }
0x19: {  	s7 =	sld [smem:$0x3F98]  }
0x1a: {  	s8 =	sadd.s32 $0xFFFFE003, lr  }
0x1b: {  	s9 =	sadd.s32 $0xFFFFFEF7, lr;
	s5 =	simm.s32 $0xFFFFFFFF;
	p2 =	slt.u32 s8, $0xFFFFF086  }
0x1c: {  	p1 =	slt.u32 s9, $0xF7A;
	s5 =	simm.s32 @!p2 $0x0  }
0x1d: {  	s5 =	simm.s32 @p1 $0x1;
	p0 =	seq.s32 s7, s2  }
0x1e: {  	s7 =	smul.u32 @!p0 $0xF7A, s2;
	p2 =	seq.s32 @!p0 s5, $0x0  }
0x1f: {  	s9 =	smul.u32 $0xF7A, s1;
	s8 =	simm.s32 @!p0 $0x1BF5;
	p2 =	por !p2, p0  }
0x20: {  	[sflag:s8] =	ssyncset.s32 @!p0 $0xFFFFF086;
	s6 =	sadd.s32 @!p0 s3, s7;
	s7 =	simm.s32 @!p0 $0x108  }
0x21: {  	s3 =	sadd.s32 s3, s9;
	s6 =	sadd.s32 @!p0 $0x88, s6;
	s7 =	simm.s32 @p2 $0x1082  }
0x22: {  	[simem:s7], [sflag:s8] =	dma.local @!p0 [hbm:s6], $0xF7A  }
0x23: {  	s9 =	sor.u32 $0xD0000000, s2;
	s6 =	simm.s32 $0x108;
	_ =	swait.ge @!p0 [sflag:s8], $0x0  }
0x24: {  	s3 =	sadd.s32 $0x88, s3;
	s6 =	simm.s32 @!p1 $0x1082;
	[sflag:s4] =	ssyncset.s32 $0xFFFFF086  }
0x25: {  	[simem:s6], [sflag:s4] =	dma.local [hbm:s3], $0xF7A  }
0x26: {  	[smem:$0x3F98] =	sst s1;
	(tag) =	ssettag s2;
	_ =	strace s9  }
0x27: {  	s1 =	sld [smem:$0x3FA8]  }
0x28: {  	s2 =	sld [smem:$0x3FA9]  }
0x29: {  	s4 =	sld [smem:$0x3FAB]  }
0x2a: {  	p0 =	seq.s32 s5, $0x0;
	s5 =	sld [smem:$0x3FAC]  }
0x2b: {  	s6 =	sld [smem:$0x3FAD]  }
0x2c: {  	s7 =	sld [smem:$0x3FAE]  }
0x2d: {  	s3 =	simm.s32 $0x108;
	s8 =	sld [smem:$0x3FAF]  }
0x2e: {  	s3 =	simm.s32 @!p0 $0x1082;
	s9 =	sld [smem:$0x3FB0]  }
0x2f: {  	lr =	sadd.s32 s0, s3;
	s0 =	sld [smem:$0x3FA7]  }
0x30: {  	s3 =	sld [smem:$0x3FAA]  }
0x31: {  	[smem:$0x3FB3] =	sst s10  }
0x32: {  	s10 =	sld [smem:$0x3FB1];
	_ =	sdelay $0x3  }
0x33: {  	p0 =	seq.s32 s10, $0x1;
	s10 =	sld [smem:$0x3FB3];
	_ =	sdelay $0x3  }
0x34: {  	[smem:$0x3FB3] =	sst s10  }
0x35: {  	s10 =	sld [smem:$0x3FB2];
	_ =	sdelay $0x3  }
0x36: {  	p1 =	seq.s32 s10, $0x1;
	s10 =	sld [smem:$0x3FB3];
	_ =	sdelay $0x3  }
0x37: {  	[smem:$0x3FB3] =	sst s10  }
0x38: {  	s10 =	sld [smem:$0x3FB4]  }
0x39: {  	_ = 	snop;
	(pc) =	sbr.ind lr, $3  }
0x3a: {  	_ = 	snop  }
0x3b: {  	_ = 	snop  }
0x3c: {  	p2 =	seq.s32 s10, $0x1;
	s10 =	sld [smem:$0x3FB3]  }
0x3d: {  	_ =	shalt  }
0x3e: {  	_ =	shalt  }
0x3f: {  	_ =	shalt  }
0x40: {  	_ =	shalt  }
0x41: {  	_ =	shalt  }
0x42: {  	_ =	shalt  }
0x43: {  	_ =	shalt  }
0x44: {  	_ =	shalt  }
0x45: {  	_ =	shalt  }
0x46: {  	_ =	shalt  }
0x47: {  	_ =	shalt  }
0x48: {  	_ =	shalt  }
0x49: {  	_ =	shalt  }
0x4a: {  	_ =	shalt  }
0x4b: {  	_ =	shalt  }
0x4c: {  	_ =	shalt  }
0x4d: {  	_ =	shalt  }
0x4e: {  	_ =	shalt  }
0x4f: {  	_ =	shalt  }
0x50: {  	_ =	shalt  }
0x51: {  	_ =	shalt  }
0x52: {  	_ =	shalt  }
0x53: {  	_ =	shalt  }
0x54: {  	_ =	shalt  }
0x55: {  	_ =	shalt  }
0x56: {  	_ =	shalt  }
0x57: {  	_ =	shalt  }
0x58: {  	_ =	shalt  }
0x59: {  	_ =	shalt  }
0x5a: {  	_ =	shalt  }
0x5b: {  	_ =	shalt  }
0x5c: {  	_ =	shalt  }
0x5d: {  	_ =	shalt  }
0x5e: {  	_ =	shalt  }
0x5f: {  	_ =	shalt  }
0x60: {  	_ =	shalt  }
0x61: {  	_ =	shalt  }
0x62: {  	_ =	shalt  }
0x63: {  	_ =	shalt  }
0x64: {  	_ =	shalt  }
0x65: {  	_ =	shalt  }
0x66: {  	_ =	shalt  }
0x67: {  	_ =	shalt  }
0x68: {  	_ =	shalt  }
0x69: {  	_ =	shalt  }
0x6a: {  	_ =	shalt  }
0x6b: {  	_ =	shalt  }
0x6c: {  	_ =	shalt  }
0x6d: {  	_ =	shalt  }
0x6e: {  	_ =	shalt  }
0x6f: {  	_ =	shalt  }
0x70: {  	_ =	shalt  }
0x71: {  	_ =	shalt  }
0x72: {  	_ =	shalt  }
0x73: {  	_ =	shalt  }
0x74: {  	_ =	shalt  }
0x75: {  	_ =	shalt  }
0x76: {  	_ =	shalt  }
0x77: {  	_ =	shalt  }
0x78: {  	_ =	shalt  }
0x79: {  	_ =	shalt  }
0x7a: {  	_ =	shalt  }
0x7b: {  	_ =	shalt  }
0x7c: {  	_ =	shalt  }
0x7d: {  	_ =	shalt  }
0x7e: {  	_ =	shalt  }
0x7f: {  	_ =	shalt  }
0x80: {  	_ =	shalt  }
0x81: {  	_ =	shalt  }
0x82: {  	_ =	shalt  }
0x83: {  	_ =	shalt  }
0x84: {  	_ =	shalt  }
0x85: {  	_ =	shalt  }
0x86: {  	_ =	shalt  }
0x87: {  	_ =	shalt  }
.Lfunc_end0:
.L_simem_size_0:
called_computation.1_lowered:
.L_overlay_start_0:
0x88: {  	s2 =	sld [smem:$0x3FD9]  }
0x89: {  	s3 =	sld [smem:$0x3FFE];
	_ =	sdelay $0x1  }
0x8a: {  	s1 =	srdreg.scid  }
0x8b: {  	s0 =	sand.u32 $0x1, s1  }
0x8c: {  	s16 =	sshll.u32 s0, $0xA;
	s2 =	sadd.s32 s3, s2  }
0x8d: {  	s2 =	sadd.s32 s2, s16  }
0x8e: {  	[smem:$0x3FBF] =	sst s2  }
0x8f: {  	_ = 	snop  }
0x90: {  	(tm) =	ssettm $0x1  }
0x91: {  	s17 =	sld [smem:$0x3FFB];
	_ =	sdelay $0x3  }
0x92: {  	_ =	strace s17  }
0x93: {  	s2 =	sld [smem:$0x3FFC];
	_ =	sdelay $0x3  }
0x94: {  	_ =	strace s2  }
0x95: {  	s2 =	sld [smem:$0x3FFD];
	_ =	sdelay $0x3  }
0x96: {  	_ =	strace s2  }
0x97: {  	_ =	strace $0x8FFFFFFF  }
0x98: {  	s18 =	sld [smem:$0x3FDB];
	_ =	sdelay $0x1  }
0x99: {  	s19 =	simm.s32 $_scs_section_size  }
0x9a: {  	s4 =	simm.s32 $_size__tile_overlayer_lowered;
	s5 =	simm.s32 $_tile_overlayer_lowered  }
0x9b: {  	s22 =	simm.s32 $0x1BFF;
	s21 =	sshll.u32 s5, $0x1;
	s2 =	sadd.s32 s19, s18  }
0x9c: {  	s6 =	simm.s32 $0x0;
	s20 =	sshll.u32 s4, $0x1;
	s4 =	sadd.s32 s21, s2  }
0x9d: {  	[timem:s6], [sflag:s22] =	dma.local [hbm:s4], s20  }
0x9e: {  	_ =	swait.ge [sflag:s22], s20  }
0x9f: {  	s3 =	ssub.s32 $0x0, s20;
	[sflag:s22] =	ssyncset.done $0x0  }
0xa0: {  	[sflag:s22] =	ssyncadd.s32 s3;
	_ =	sdelay $0x1  }
0xa1: {  	s23 =	simm.s32 $0x1B8B  }
0xa2: {  	_ =	swait.ge [sflag:s23], $0x1  }
0xa3: {  	[sflag:s23] =	ssyncset.done $0x0  }
0xa4: {  	s25 =	simm.s32 $0x1B8E;
	s24 =	sld [smem:$0x3FFE];
	[sflag:s23] =	ssyncadd.s32 $0xFFFFFFFF  }
0xa5: {  	s26 =	simm.s32 $execute0_lowered;
	[smem:$0x3FD2] =	sst s25  }
0xa6: {  	s4 =	sshll.u32 s26, $0x1;
	_ =	strace $0x80000049;
	[dreg:$0x1] =	wrdreg $0xFFFFFFFF  }
0xa7: {  	s28 =	simm.s32 $_size_execute0_lowered;
	s2 =	sadd.s32 s2, s4;
	[dreg:$0x0] =	wrdreg $0x0  }
0xa8: {  	s4 =	sshll.u32 s28, $0x1;
	[dreg:$0x2] =	wrdreg s2  }
0xa9: {  	[dreg:$0x3] =	wrdreg s4  }
0xaa: {  	[dreg:$0x4] =	wrdreg $0xC0  }
0xab: {  	_ =	task [dreg:s6], $0x5FFFF  }
0xac: {  	[dreg:$0x1] =	wrdreg $0xFFFFFFFF  }
0xad: {  	[dreg:$0x0] =	wrdreg $0x60  }
0xae: {  	[dreg:$0x2] =	wrdreg s24  }
0xaf: {  	[dreg:$0x3] =	wrdreg $0x14F000  }
0xb0: {  	[dreg:$0x4] =	wrdreg $0x9  }
0xb1: {  	_ =	task.clear_ibuf [dreg:s6], $0x5FFFF;
	_ =	strace $0x90000049  }
0xb2: {  	s29 =	simm.s32 $0x9;
	_ =	strace $0x8000004B  }
0xb3: {  	_ =	swait.ge [sflag:s29], $0x1  }
0xb4: {  	[sflag:s29] =	ssyncadd.s32 $0xFFFFFFFF  }
0xb5: {  	_ =	strace $0x9000004B  }
0xb6: {  	_ =	sfence  }
0xb7: {  	s30 =	sld [smem:$0x0];
	_ =	sdelay $0x2  }
0xb8: {  	s31 =	sshll.u32 s1, $0xD;
	s1 =	sshrl.u32 s1, $0x2  }
0xb9: {  	s3 =	sand.u32 $0x4000, s31;
	s1 =	sadd.s32 s1, s30  }
0xba: {  	s0 =	sor.u32 s3, s0;
	s1 =	sshll.u32 s1, $0x11  }
0xbb: {  	s0 =	sor.u32 s1, s0  }
0xbc: {  	s0 =	sadd.s32 $0x8F2B, s0  }
0xbd: {  	[sflag:s0] =	ssyncadd.remote.s32 $0x1  }
0xbe: {  	_ =	sfence.sel $0xFFFF  }
0xbf: {  	[dreg:$0x0] =	wrdreg $0xFFFFFFFF;
	(pc) =	sbr.abs _section_cstart, $3  }
0xc0: {  	[dreg:$0x1] =	wrdreg $0xFFFFFFFF  }
0xc1: {  	_ =	task.clear_ibuf [dreg:s6], $0x2FFFF;
	_ =	strace $0x9FFFFFFF  }
0xc2: {  	(tm) =	ssettm $0x7FFFFFFF  }
0xc3: {  	_ =	shalt  }
tec
execute0_lowered:
.L_overlay_start_1:
0x0: {  	(tag) =	ssettag $0x1  }
0x1: {  	s0 =	rddreg [dreg:$0x0]  }
0x2: {  	s1 =	rddreg [dreg:$0x1]  }
0x3: {  	s2 =	simm.s32 $0x0;
	s3 =	srdreg.scid;
	s11 =	stileid.u32  }
0x4: {  	s29 =	simm.s32 $0x80;
	s30 =	simm.s32 $0x4F00;
	s28 =	simm.s32 $0xCF00  }
0x5: {  	s31 =	simm.s32 $0x1;
	[smem:$0x7FF] =	sst s2;
	s3 =	sand.u32 $0x1, s3  }
0x6: {  	s6 =	smul.u32 $0x28000, s11;
	s10 =	sadd.s32 $0x3000, s0;
	s24 =	sshll.u32 s11, $0x4  }
0x7: {  	s26 =	smul.u32 $0xA000, s11;
	_ =	strace $0x8000004A;
	s4 =	sshll.u32 s3, $0x4  }
0x8: {  	s5 =	ssub.s32 $0x2, s3;
	s25 =	sadd.s32 s24, s10;
	s3 =	smul.u32 $0xA0000, s3  }
0x9: {  	s7 =	sor.u32 s11, s4;
	s4 =	sadd.s32 $0x16A00, s0;
	s8 =	sshrl.u32 s5, $0x1  }
0xa: {  	s0 =	sadd.s32 $0x2AA00, s0;
	s6 =	sshrl.u32 s6, $0x2;
	s13 =	sadd.s32 $0x9C00, s25  }
0xb: {  	s14 =	sadd.s32 s26, s1;
	s16 =	sadd.s32 $0x2000, s26;
	s22 =	sadd.s32 $0x4000, s26  }
0xc: {  	s24 =	sadd.s32 $0x6000, s26;
	s9 =	smul.u32 $0x2700, s7;
	s5 =	ssub.s32 s5, s8  }
0xd: {  	s6 =	sadd.s32 s6, s1;
	[dreg:$0x5] =	wrdreg s13;
	s8 =	sadd.s32 $0x13840, s25  }
0xe: {  	[dreg:$0x7] =	wrdreg s14;
	s18 =	sadd.s32 s3, s26;
	s19 =	sadd.s32 s3, s16  }
0xf: {  	s25 =	sadd.s32 s3, s24;
	[dreg:$0x6] =	wrdreg s8;
	s5 =	smax.u32 s5, $0x1  }
0x10: {  	p0 =	sgt.u32 s7, $0x3;
	s15 =	sadd.s32 $0x2000, s6;
	[dreg:$0x8] =	wrdreg s5  }
0x11: {  	s7 =	simm.s32 $0x3;
	s17 =	sadd.s32 $0x4000, s6;
	[dreg:$0x9] =	wrdreg s15  }
0x12: {  	s20 =	sadd.s32 $0x6000, s6;
	s8 =	sshrl.u32 s18, $0x3;
	[dreg:$0xa] =	wrdreg s17  }
0x13: {  	s23 =	sshrl.u32 s9, $0x3;
	[dreg:$0xb] =	wrdreg s20;
	s8 =	sadd.s32 s0, s8  }
0x14: {  	s9 =	sadd.s32 $0x8000, s26;
	s26 =	sshrl.u32 s25, $0x3;
	s20 =	sadd.s32 $0x8000, s6  }
0x15: {  	s25 =	simm.s32 $0x12F00;
	s12 =	sadd.s32 s10, s23;
	s10 =	sshrl.u32 s19, $0x3  }
0x16: {  	[dreg:$0xc] =	wrdreg s8;
	s23 =	sadd.s32 s3, s22;
	s3 =	sadd.s32 s3, s9  }
0x17: {  	s22 =	sadd.s32 s22, s1;
	s8 =	simm.s32 $0x5;
	[dreg:$0x3] =	wrdreg s12  }
0x18: {  	s12 =	sadd.s32 $0x9C40, s12;
	s21 =	sadd.s32 s0, s10;
	s10 =	sshrl.u32 s23, $0x3  }
0x19: {  	s3 =	sshrl.u32 s3, $0x3;
	s23 =	sadd.s32 s24, s1;
	s24 =	sadd.s32 s9, s1  }
.Ltmp0:
0x1a: {  	s9 =	simm.s32 $0x6;
	[dreg:$0x4] =	wrdreg s12;
	(pc) =	sbr.rel .LBB2_1-.Ltmp0, $4  }
0x1b: {  	[dreg:$0xd] =	wrdreg s21;
	s10 =	sadd.s32 s0, s10;
	s21 =	sadd.s32 s16, s1  }
0x1c: {  	[dreg:$0xe] =	wrdreg s10;
	s10 =	sadd.s32 s0, s26;
	s0 =	sadd.s32 s0, s3  }
0x1d: {  	s26 =	simm.s32 $0x8;
	s3 =	simm.s32 $0x8F00;
	[dreg:$0xf] =	wrdreg s10  }
0x1e: {  	v0 =	vimm.f32 $0.0e+00;
	[dreg:$0x10] =	wrdreg s0;
	s0 =	simm.s32 $0xEF00;
	s10 =	simm.s32 $0x0  }
.LBB2_6:
0x1f: {  	_ =	swait.ge [sflag:s9], $0x2000  }
0x20: {  	[sflag:s9] =	ssyncset.done $0x0  }
0x21: {  	[sflag:s9] =	ssyncadd.s32 $0xFFFFE000  }
0x22: {  	[spmem:s1] =	stream.indirect.scatter.add.f32 [tilespmem:s0], [sflag:$0x8], $0x40, s12, s29, $0xb8;
	[tilespmem:$0x1EF00] =	vst v63  }
0x23: {  	_ =	swait.ge [sflag:s26], $0x2000  }
0x24: {  	[sflag:s26] =	ssyncset.done $0x0  }
0x25: {  	s5 =	simm.s32 @!p0 $0x7;
	[sflag:s26] =	ssyncadd.s32 $0xFFFFE000  }
0x26: {  	_ =	swait.ge @!p0 [sflag:s5], $0x2000  }
0x27: {  	s11 =	simm.s32 @!p0 $0x4E80;
	[sflag:s5] =	ssyncset.done @!p0 $0x0  }
0x28: {  	s12 =	simm.s32 @!p0 $0x10F00;
	[sflag:s5] =	ssyncadd.s32 @!p0 $0xFFFFE000;
	s5 =	simm.s32 @!p0 $0x80  }
0x29: {  	[spmem:s1] =	stream.indirect.scatter.add.f32 @!p0 [tilespmem:s12], [sflag:$0x8], $0x40, s11, s5, $0xb8;
	[tilespmem:$0x1EF00] =	vst v63  }
0x2a: {  	s5 =	simm.s32 @!p0 $0x8  }
0x2b: {  	_ =	swait.ge @!p0 [sflag:s5], $0x2000  }
0x2c: {  	[sflag:s5] =	ssyncset.done @!p0 $0x0  }
0x2d: {  	[sflag:s5] =	ssyncadd.s32 @!p0 $0xFFFFE000  }
0x2e: {  	[bflag:$0x0] =	sbarrier.arrive $0xFFFF  }
0x2f: {  	s13 =	rddreg [dreg:$0x7]  }
0x30: {  	[tilespmem:s25], [sflag:$0x8] =	stream.linear.gather [spmem:s13], $0x2000, $0x38;
	[tilespmem:$0x1EF00] =	vst v63  }
0x31: {  	_ =	swait.ge [sflag:s26], $0x2000  }
0x32: {  	[sflag:s26] =	ssyncset.done $0x0  }
0x33: {  	s14 =	rddreg [dreg:$0xc];
	[sflag:s26] =	ssyncadd.s32 $0xFFFFE000  }
0x34: {  	[hbm4b:s14+s2] =	stream.linear.scatter [tilespmem:s25], [sflag:$0x8], $0x2000, $0x38;
	[tilespmem:$0x1EF00] =	vst v63  }
0x35: {  	_ =	swait.ge [sflag:s26], $0x2000  }
0x36: {  	[sflag:s26] =	ssyncset.done $0x0  }
0x37: {  	[sflag:s26] =	ssyncadd.s32 $0xFFFFE000  }
0x38: {  	[tilespmem:s25], [sflag:$0x8] =	stream.linear.gather [spmem:s21], $0x2000, $0x38;
	[tilespmem:$0x1EF00] =	vst v63  }
0x39: {  	_ =	swait.ge [sflag:s26], $0x2000  }
0x3a: {  	[sflag:s26] =	ssyncset.done $0x0  }
0x3b: {  	s15 =	rddreg [dreg:$0xd];
	[sflag:s26] =	ssyncadd.s32 $0xFFFFE000  }
0x3c: {  	[hbm4b:s15+s2] =	stream.linear.scatter [tilespmem:s25], [sflag:$0x8], $0x2000, $0x38;
	[tilespmem:$0x1EF00] =	vst v63  }
0x3d: {  	_ =	swait.ge [sflag:s26], $0x2000  }
0x3e: {  	[sflag:s26] =	ssyncset.done $0x0  }
0x3f: {  	[sflag:s26] =	ssyncadd.s32 $0xFFFFE000  }
0x40: {  	[tilespmem:s25], [sflag:$0x8] =	stream.linear.gather [spmem:s22], $0x2000, $0x38;
	[tilespmem:$0x1EF00] =	vst v63  }
0x41: {  	_ =	swait.ge [sflag:s26], $0x2000  }
0x42: {  	[sflag:s26] =	ssyncset.done $0x0  }
0x43: {  	s16 =	rddreg [dreg:$0xe];
	[sflag:s26] =	ssyncadd.s32 $0xFFFFE000  }
0x44: {  	[hbm4b:s16+s2] =	stream.linear.scatter [tilespmem:s25], [sflag:$0x8], $0x2000, $0x38;
	[tilespmem:$0x1EF00] =	vst v63  }
0x45: {  	_ =	swait.ge [sflag:s26], $0x2000  }
0x46: {  	[sflag:s26] =	ssyncset.done $0x0  }
0x47: {  	[sflag:s26] =	ssyncadd.s32 $0xFFFFE000  }
0x48: {  	[tilespmem:s25], [sflag:$0x8] =	stream.linear.gather [spmem:s23], $0x2000, $0x38;
	[tilespmem:$0x1EF00] =	vst v63  }
0x49: {  	_ =	swait.ge [sflag:s26], $0x2000  }
0x4a: {  	[sflag:s26] =	ssyncset.done $0x0  }
0x4b: {  	s17 =	rddreg [dreg:$0xf];
	[sflag:s26] =	ssyncadd.s32 $0xFFFFE000  }
0x4c: {  	[hbm4b:s17+s2] =	stream.linear.scatter [tilespmem:s25], [sflag:$0x8], $0x2000, $0x38;
	[tilespmem:$0x1EF00] =	vst v63  }
0x4d: {  	_ =	swait.ge [sflag:s26], $0x2000  }
0x4e: {  	[sflag:s26] =	ssyncset.done $0x0  }
0x4f: {  	[sflag:s26] =	ssyncadd.s32 $0xFFFFE000  }
0x50: {  	[tilespmem:s25], [sflag:$0x8] =	stream.linear.gather [spmem:s24], $0x2000, $0x38;
	[tilespmem:$0x1EF00] =	vst v63  }
0x51: {  	_ =	swait.ge [sflag:s26], $0x2000  }
0x52: {  	[sflag:s26] =	ssyncset.done $0x0  }
0x53: {  	s18 =	rddreg [dreg:$0x10];
	[sflag:s26] =	ssyncadd.s32 $0xFFFFE000  }
0x54: {  	[hbm4b:s18+s2] =	stream.linear.scatter [tilespmem:s25], [sflag:$0x8], $0x2000, $0x38;
	[tilespmem:$0x1EF00] =	vst v63  }
0x55: {  	_ =	swait.ge [sflag:s26], $0x2000  }
0x56: {  	s10 =	sadd.s32 $0x1, s10;
	s19 =	rddreg [dreg:$0x8]  }
0x57: {  	p1 =	sne.s32 s10, s19  }
.Ltmp1:
0x58: {  	_ = 	snop;
	(pc) =	sbr.rel @!p1 .LBB2_7-.Ltmp1, $3  }
0x59: {  	_ =	sdelay $0x1  }
0x5a: {  	[sflag:s26] =	ssyncset.done $0x0  }
0x5b: {  	[sflag:s26] =	ssyncadd.s32 $0xFFFFE000  }
.LBB2_1:
0x5c: {  	s11 =	simm.s32 $0x100;
	s5 =	simm.s32 $0x0  }
.LBB2_2:
0x5d: {  	p1 =	sne.s32 s11, $0x7F00;
	[tilespmem:s5+$0x12F30] =	vst v0;
	s12 =	smov.u32 s11;
	s11 =	sadd.s32 $0x100, s11  }
.Ltmp2:
0x5e: {  	[tilespmem:s5+$0x12F20] =	vst v0;
	(pc) =	sbr.rel @p1 .LBB2_2-.Ltmp2, $3  }
0x5f: {  	[tilespmem:s5+$0x12F00] =	vst v0  }
0x60: {  	[tilespmem:s5+$0x12F10] =	vst v0;
	_ =	sdelay $0x1  }
0x61: {  	s5 =	sshra.s32 s12, $0x2  }
0x62: {  	[tilespmem:s5+$0x12F30] =	vst v0  }
0x63: {  	[tilespmem:s5+$0x12F20] =	vst v0  }
0x64: {  	[tilespmem:s5+$0x12F00] =	vst v0  }
0x65: {  	[tilespmem:s5+$0x12F10] =	vst v0  }
0x66: {  	[spmem:s6] =	stream.linear.scatter [tilespmem:s25], [sflag:$0x8], $0x2000, $0x38;
	[tilespmem:$0x1EF00] =	vst v63  }
0x67: {  	_ =	swait.ge [sflag:s26], $0x2000  }
0x68: {  	[sflag:s26] =	ssyncset.done $0x0  }
0x69: {  	s18 =	rddreg [dreg:$0x9];
	[sflag:s26] =	ssyncadd.s32 $0xFFFFE000  }
0x6a: {  	[spmem:s18] =	stream.linear.scatter [tilespmem:s25], [sflag:$0x8], $0x2000, $0x38;
	[tilespmem:$0x1EF00] =	vst v63  }
0x6b: {  	_ =	swait.ge [sflag:s26], $0x2000  }
0x6c: {  	[sflag:s26] =	ssyncset.done $0x0  }
0x6d: {  	s19 =	rddreg [dreg:$0xa];
	[sflag:s26] =	ssyncadd.s32 $0xFFFFE000  }
0x6e: {  	[spmem:s19] =	stream.linear.scatter [tilespmem:s25], [sflag:$0x8], $0x2000, $0x38;
	[tilespmem:$0x1EF00] =	vst v63  }
0x6f: {  	_ =	swait.ge [sflag:s26], $0x2000  }
0x70: {  	[sflag:s26] =	ssyncset.done $0x0  }
0x71: {  	s11 =	rddreg [dreg:$0xb];
	[sflag:s26] =	ssyncadd.s32 $0xFFFFE000  }
0x72: {  	[spmem:s11] =	stream.linear.scatter [tilespmem:s25], [sflag:$0x8], $0x2000, $0x38;
	[tilespmem:$0x1EF00] =	vst v63  }
0x73: {  	_ =	swait.ge [sflag:s26], $0x2000  }
0x74: {  	[sflag:s26] =	ssyncset.done $0x0  }
0x75: {  	[sflag:s26] =	ssyncadd.s32 $0xFFFFE000  }
0x76: {  	[spmem:s20] =	stream.linear.scatter [tilespmem:s25], [sflag:$0x8], $0x2000, $0x38;
	[tilespmem:$0x1EF00] =	vst v63  }
0x77: {  	_ =	swait.ge [sflag:s26], $0x2000  }
0x78: {  	[sflag:s26] =	ssyncset.done $0x0  }
0x79: {  	s12 =	rddreg [dreg:$0x3];
	[sflag:s26] =	ssyncadd.s32 $0xFFFFE000  }
0x7a: {  	[tilespmem:s2], [sflag:$0x8] =	stream.linear.gather [hbm4b:s12+s2], $0x2700, $0x38;
	[tilespmem:$0x1EF00] =	vst v63  }
0x7b: {  	_ =	swait.ge [sflag:s26], $0x2700  }
0x7c: {  	[sflag:s26] =	ssyncset.done $0x0  }
0x7d: {  	s11 =	simm.s32 $0x2700;
	s13 =	rddreg [dreg:$0x4];
	[sflag:s26] =	ssyncadd.s32 $0xFFFFD900  }
0x7e: {  	[tilespmem:s11], [sflag:$0x8] =	stream.linear.gather [hbm4b:s13+s2], $0x2700, $0x38;
	[tilespmem:$0x1EF00] =	vst v63  }
0x7f: {  	_ =	swait.ge [sflag:s26], $0x2700  }
0x80: {  	s5 =	simm.s32 @!p0 $0x0;
	[sflag:s26] =	ssyncset.done $0x0  }
0x81: {  	s11 =	simm.s32 @!p0 $0x4E00;
	s12 =	rddreg [dreg:$0x5];
	[sflag:s26] =	ssyncadd.s32 $0xFFFFD900  }
0x82: {  	[tilespmem:s11], [sflag:$0x8] =	stream.linear.gather @!p0 [hbm4b:s12+s5], $0x80, $0x38;
	[tilespmem:$0x1EF00] =	vst v63  }
0x83: {  	s12 =	simm.s32 @!p0 $0x8  }
0x84: {  	_ =	swait.ge @!p0 [sflag:s12], $0x80  }
0x85: {  	[sflag:s12] =	ssyncset.done @!p0 $0x0  }
0x86: {  	s13 =	simm.s32 @!p0 $0x4E80;
	s14 =	rddreg [dreg:$0x6];
	[sflag:s12] =	ssyncadd.s32 @!p0 $0xFFFFFF80  }
0x87: {  	[tilespmem:s13], [sflag:$0x8] =	stream.linear.gather @!p0 [hbm4b:s14+s5], $0x80, $0x38;
	[tilespmem:$0x1EF00] =	vst v63  }
0x88: {  	_ =	swait.ge @!p0 [sflag:s12], $0x80  }
0x89: {  	[sflag:s12] =	ssyncset.done @!p0 $0x0  }
0x8a: {  	s5 =	simm.s32 @!p0 $0x80;
	[sflag:s12] =	ssyncadd.s32 @!p0 $0xFFFFFF80;
	s12 =	simm.s32 @!p0 $0x10F00  }
0x8b: {  	[tilespmem:s12], [sflag:$0x7] =	stream.indirect.gather @!p0 [hbm4b:s4+s5], $0x40, s11, s5, $0xb8;
	[tilespmem:$0x1EF00] =	vst v63  }
0x8c: {  	s11 =	simm.s32 $0x0  }
0x8d: {  	[tilespmem:s30], [sflag:$0x1] =	stream.indirect.gather [hbm4b:s4+s29], $0x40, s11, s29, $0xb8;
	[tilespmem:$0x1EF00] =	vst v63  }
0x8e: {  	s14 =	simm.s32 $0x6F00  }
0x8f: {  	[tilespmem:s14], [sflag:$0x2] =	stream.indirect.gather [hbm4b:s4+s29], $0x40, s29, s29, $0xb8;
	[tilespmem:$0x1EF00] =	vst v63  }
0x90: {  	s15 =	simm.s32 $0x100  }
0x91: {  	[tilespmem:s3], [sflag:$0x3] =	stream.indirect.gather [hbm4b:s4+s29], $0x40, s15, s29, $0xb8;
	[tilespmem:$0x1EF00] =	vst v63  }
0x92: {  	s16 =	simm.s32 $0x180;
	s17 =	simm.s32 $0xAF00  }
0x93: {  	[tilespmem:s17], [sflag:$0x4] =	stream.indirect.gather [hbm4b:s4+s29], $0x40, s16, s29, $0xb8;
	[tilespmem:$0x1EF00] =	vst v63  }
0x94: {  	s18 =	simm.s32 $0x200  }
0x95: {  	[tilespmem:s28], [sflag:$0x5] =	stream.indirect.gather [hbm4b:s4+s29], $0x40, s18, s29, $0xb8;
	[tilespmem:$0x1EF00] =	vst v63  }
0x96: {  	s19 =	simm.s32 $0x280  }
0x97: {  	[tilespmem:s0], [sflag:$0x6] =	stream.indirect.gather [hbm4b:s4+s29], $0x40, s19, s29, $0xb8;
	[tilespmem:$0x1EF00] =	vst v63  }
0x98: {  	[bflag:$0x0] =	sbarrier.arrive $0xFFFF  }
.LBB2_4:
0x99: {  	_ =	swait.ge [sflag:s31], $0x2000  }
0x9a: {  	s5 =	sshra.s32 s11, $0x2;
	[sflag:s31] =	ssyncset.done $0x0  }
0x9b: {  	s12 =	sadd.s32 $0x2700, s5;
	[sflag:s31] =	ssyncadd.s32 $0xFFFFE000  }
0x9c: {  	[spmem:s1] =	stream.indirect.scatter.add.f32 [tilespmem:s30], [sflag:$0x8], $0x40, s12, s29, $0xb8;
	[tilespmem:$0x1EF00] =	vst v63  }
0x9d: {  	_ =	swait.ge [sflag:s26], $0x2000  }
0x9e: {  	p1 =	seq.s32 s11, $0x9000;
	[sflag:s26] =	ssyncset.done $0x0  }
0x9f: {  	s12 =	simm.s32 @p1 $0x2;
	[sflag:s26] =	ssyncadd.s32 $0xFFFFE000  }
0xa0: {  	_ =	swait.ge @p1 [sflag:s12], $0x2000  }
0xa1: {  	[sflag:s12] =	ssyncset.done @p1 $0x0  }
0xa2: {  	[sflag:s12] =	ssyncadd.s32 @p1 $0xFFFFE000;
	s12 =	sshra.s32 @p1 s11, $0x2  }
0xa3: {  	s14 =	simm.s32 @p1 $0x80;
	s15 =	simm.s32 @p1 $0x6F00;
	s13 =	sadd.s32 @p1 $0x2780, s12  }
0xa4: {  	[spmem:s1] =	stream.indirect.scatter.add.f32 @p1 [tilespmem:s15], [sflag:$0x8], $0x40, s13, s14, $0xb8;
	[tilespmem:$0x1EF00] =	vst v63  }
0xa5: {  	s13 =	simm.s32 @p1 $0x8  }
0xa6: {  	_ =	swait.ge @p1 [sflag:s13], $0x2000  }
0xa7: {  	s17 =	simm.s32 @!p1 $0x80;
	s15 =	sshra.s32 @!p1 s11, $0x2;
	[sflag:s13] =	ssyncset.done @p1 $0x0  }
0xa8: {  	s18 =	simm.s32 @!p1 $0x4F00;
	s16 =	sadd.s32 @!p1 $0x300, s15;
	[sflag:s13] =	ssyncadd.s32 @p1 $0xFFFFE000  }
0xa9: {  	[tilespmem:s18], [sflag:$0x1] =	stream.indirect.gather @!p1 [hbm4b:s4+s17], $0x40, s16, s17, $0xb8;
	[tilespmem:$0x1EF00] =	vst v63  }
0xaa: {  	s16 =	simm.s32 @!p1 $0x2  }
0xab: {  	_ =	swait.ge @!p1 [sflag:s16], $0x2000  }
0xac: {  	[sflag:s16] =	ssyncset.done @!p1 $0x0  }
0xad: {  	s18 =	simm.s32 @!p1 $0x6F00;
	[sflag:s16] =	ssyncadd.s32 @!p1 $0xFFFFE000;
	s16 =	sadd.s32 @!p1 $0x2780, s15  }
0xae: {  	[spmem:s1] =	stream.indirect.scatter.add.f32 @!p1 [tilespmem:s18], [sflag:$0x8], $0x40, s16, s17, $0xb8;
	[tilespmem:$0x1EF00] =	vst v63  }
0xaf: {  	s16 =	simm.s32 @!p1 $0x8  }
0xb0: {  	_ =	swait.ge @!p1 [sflag:s16], $0x2000  }
0xb1: {  	[sflag:s16] =	ssyncset.done @!p1 $0x0  }
0xb2: {  	s19 =	sadd.s32 @!p1 $0x380, s15;
	[sflag:s16] =	ssyncadd.s32 @!p1 $0xFFFFE000  }
0xb3: {  	[tilespmem:s18], [sflag:$0x2] =	stream.indirect.gather @!p1 [hbm4b:s4+s17], $0x40, s19, s17, $0xb8;
	[tilespmem:$0x1EF00] =	vst v63  }
0xb4: {  	_ =	swait.ge [sflag:s7], $0x2000  }
0xb5: {  	[sflag:s7] =	ssyncset.done $0x0  }
0xb6: {  	s19 =	sadd.s32 $0x2800, s5;
	[sflag:s7] =	ssyncadd.s32 $0xFFFFE000  }
0xb7: {  	[spmem:s1] =	stream.indirect.scatter.add.f32 [tilespmem:s3], [sflag:$0x8], $0x40, s19, s29, $0xb8;
	[tilespmem:$0x1EF00] =	vst v63  }
0xb8: {  	_ =	swait.ge [sflag:s26], $0x2000  }
0xb9: {  	[sflag:s26] =	ssyncset.done $0x0  }
0xba: {  	s18 =	simm.s32 @p1 $0x4;
	[sflag:s26] =	ssyncadd.s32 $0xFFFFE000  }
0xbb: {  	_ =	swait.ge @p1 [sflag:s18], $0x2000  }
0xbc: {  	[sflag:s18] =	ssyncset.done @p1 $0x0  }
0xbd: {  	s12 =	sadd.s32 @p1 $0x2880, s12;
	[sflag:s18] =	ssyncadd.s32 @p1 $0xFFFFE000;
	s18 =	simm.s32 @p1 $0xAF00  }
0xbe: {  	[spmem:s1] =	stream.indirect.scatter.add.f32 @p1 [tilespmem:s18], [sflag:$0x8], $0x40, s12, s14, $0xb8;
	[tilespmem:$0x1EF00] =	vst v63  }
0xbf: {  	_ =	swait.ge @p1 [sflag:s13], $0x2000  }
0xc0: {  	[sflag:s13] =	ssyncset.done @p1 $0x0  }
0xc1: {  	s12 =	sadd.s32 @!p1 $0x400, s15;
	[sflag:s13] =	ssyncadd.s32 @p1 $0xFFFFE000;
	s13 =	simm.s32 @!p1 $0x8F00  }
0xc2: {  	[tilespmem:s13], [sflag:$0x3] =	stream.indirect.gather @!p1 [hbm4b:s4+s17], $0x40, s12, s17, $0xb8;
	[tilespmem:$0x1EF00] =	vst v63  }
0xc3: {  	s12 =	simm.s32 @!p1 $0x4  }
0xc4: {  	_ =	swait.ge @!p1 [sflag:s12], $0x2000  }
0xc5: {  	[sflag:s12] =	ssyncset.done @!p1 $0x0  }
0xc6: {  	s13 =	simm.s32 @!p1 $0xAF00;
	[sflag:s12] =	ssyncadd.s32 @!p1 $0xFFFFE000;
	s12 =	sadd.s32 @!p1 $0x2880, s15  }
0xc7: {  	[spmem:s1] =	stream.indirect.scatter.add.f32 @!p1 [tilespmem:s13], [sflag:$0x8], $0x40, s12, s17, $0xb8;
	[tilespmem:$0x1EF00] =	vst v63  }
0xc8: {  	_ =	swait.ge @!p1 [sflag:s16], $0x2000  }
0xc9: {  	[sflag:s16] =	ssyncset.done @!p1 $0x0  }
0xca: {  	s12 =	sadd.s32 @!p1 $0x480, s15;
	[sflag:s16] =	ssyncadd.s32 @!p1 $0xFFFFE000  }
0xcb: {  	[tilespmem:s13], [sflag:$0x4] =	stream.indirect.gather @!p1 [hbm4b:s4+s17], $0x40, s12, s17, $0xb8;
	[tilespmem:$0x1EF00] =	vst v63  }
0xcc: {  	_ =	swait.ge [sflag:s8], $0x2000  }
0xcd: {  	[sflag:s8] =	ssyncset.done $0x0  }
.Ltmp3:
0xce: {  	s19 =	sadd.s32 $0x2900, s5;
	[sflag:s8] =	ssyncadd.s32 $0xFFFFE000;
	(pc) =	sbr.rel @p1 .LBB2_6-.Ltmp3, $4  }
0xcf: {  	[spmem:s1] =	stream.indirect.scatter.add.f32 [tilespmem:s28], [sflag:$0x8], $0x40, s19, s29, $0xb8;
	[tilespmem:$0x1EF00] =	vst v63  }
0xd0: {  	_ =	swait.ge [sflag:s26], $0x2000  }
0xd1: {  	[sflag:s26] =	ssyncset.done $0x0  }
0xd2: {  	s12 =	sadd.s32 $0x2980, s5;
	[sflag:s26] =	ssyncadd.s32 $0xFFFFE000  }
0xd3: {  	s13 =	sadd.s32 $0x500, s5  }
0xd4: {  	[tilespmem:s28], [sflag:$0x5] =	stream.indirect.gather [hbm4b:s4+s29], $0x40, s13, s29, $0xb8;
	[tilespmem:$0x1EF00] =	vst v63  }
0xd5: {  	_ =	swait.ge [sflag:s9], $0x2000  }
0xd6: {  	[sflag:s9] =	ssyncset.done $0x0  }
0xd7: {  	[sflag:s9] =	ssyncadd.s32 $0xFFFFE000  }
0xd8: {  	[spmem:s1] =	stream.indirect.scatter.add.f32 [tilespmem:s0], [sflag:$0x8], $0x40, s12, s29, $0xb8;
	[tilespmem:$0x1EF00] =	vst v63  }
.Ltmp4:
0xd9: {  	_ = 	snop;
	(pc) =	sbr.rel .LBB2_4-.Ltmp4, $4  }
0xda: {  	_ =	swait.ge [sflag:s26], $0x2000  }
0xdb: {  	[sflag:s26] =	ssyncset.done $0x0  }
0xdc: {  	s19 =	sadd.s32 $0x580, s5;
	s11 =	sadd.s32 $0xC00, s11;
	[sflag:s26] =	ssyncadd.s32 $0xFFFFE000  }
0xdd: {  	[tilespmem:s0], [sflag:$0x6] =	stream.indirect.gather [hbm4b:s4+s29], $0x40, s19, s29, $0xb8;
	[tilespmem:$0x1EF00] =	vst v63  }
.LBB2_7:
0xde: {  	_ =	sfence.sel $0x180000  }
0xdf: {  	[bflag:$0x0] =	sbarrier.arrive $0xFFFF  }
0xe0: {  	_ =	strace $0x9000004A  }
0xe1: {  	s0 =	stileid.u32;
	[bflag:$0x2] =	sbarrier.arrive $0xFFFF  }
0xe2: {  	p0 =	sne.s32 s0, $0x0;
	s0 =	rddreg [dreg:$0x2]  }
0xe3: {  	s0 =	sadd.s32 @!p0 $0x100000, s0  }
0xe4: {  	[sflag:s0] =	ssyncadd.tile.s32 @!p0 $0x1;
	_ =	shalt  }
.Lfunc_end2:
_tile_overlayer_lowered:
.L_overlay_start_2:
0xe5: {  	(tag) =	ssettag $0x2  }
0xe6: {  	s0 =	rddreg [dreg:$0x0];
	s2 =	stileid.u32  }
0xe7: {  	s1 =	rddreg [dreg:$0x1];
	p0 =	sne.s32 s2, $0x0  }
0xe8: {  	s3 =	rddreg [dreg:$0x2];
	[bflag:$0x3] =	sbarrier.arrive $0xFFFF;
	s2 =	simm.s32 @!p0 $0x1C08  }
0xe9: {  	[timem:s3], [sflag:s2] =	dma.local @!p0 [hbm:s0], s1  }
0xea: {  	s0 =	simm.s32 @!p0 $0x8  }
0xeb: {  	_ =	swait.ge @!p0 [sflag:s0], s1  }
0xec: {  	s1 =	ssub.s32 @!p0 $0x0, s1;
	[sflag:s0] =	ssyncset.done @!p0 $0x0  }
0xed: {  	[sflag:s0] =	ssyncadd.s32 @!p0 s1  }
0xee: {  	[bflag:$0x3] =	sbarrier.arrive $0xFFFF  }
0xef: {  	_ =	shalt  }

// kernel: kernel.15.cloned.1.call-start
scs
__scs_entry_jumppad:
0x0: {  	(pc) =	sbr.rel $0x88, $3  }
0x1: {  	(tag) =	ssettag $0x0;
	lr =	simm.s32 $0x1  }
0x2: {  	[smem:$0x3F98] =	sst lr;
	_ =	strace $0xD0000000  }
0x3: {  	_ = 	snop  }
0x4: {  	_ = 	snop  }
0x5: {  	_ = 	snop  }
0x6: {  	_ = 	snop  }
0x7: {  	_ = 	snop  }
__scs_overlays_trampoline_lowered:
0x8: {  	[smem:$0x3FA7] =	sst s0  }
0x9: {  	[smem:$0x3FA8] =	sst s1  }
0xa: {  	[smem:$0x3FA9] =	sst s2  }
0xb: {  	[smem:$0x3FAA] =	sst s3  }
0xc: {  	[smem:$0x3FAB] =	sst s4  }
0xd: {  	[smem:$0x3FAC] =	sst s5  }
0xe: {  	[smem:$0x3FAD] =	sst s6  }
0xf: {  	[smem:$0x3FAE] =	sst s7  }
0x10: {  	[smem:$0x3FAF] =	sst s8  }
0x11: {  	[smem:$0x3FB0] =	sst s9;
	s0 =	simm.s32 @!p0 $0x0  }
0x12: {  	s1 =	sld [smem:$0x3F96];
	s0 =	simm.s32 @p0 $0x1  }
0x13: {  	[smem:$0x3FB1] =	sst s0;
	s0 =	simm.s32 @!p1 $0x0  }
0x14: {  	s2 =	sld [smem:$0x3F95];
	s0 =	simm.s32 @p1 $0x1  }
0x15: {  	[smem:$0x3FB2] =	sst s0;
	s0 =	simm.s32 @!p2 $0x0  }
0x16: {  	s3 =	sld [smem:$0x3FDB];
	s0 =	simm.s32 @p2 $0x1  }
0x17: {  	s4 =	simm.s32 $0x1BF5;
	[smem:$0x3FB4] =	sst s0  }
0x18: {  	s0 =	sld [smem:$0x3F97];
	_ =	swait.ge [sflag:s4], $0x0  }
0x19: {  	s7 =	sld [smem:$0x3F98]  }
0x1a: {  	s8 =	sadd.s32 $0xFFFFE003, lr  }
0x1b: {  	s9 =	sadd.s32 $0xFFFFFEF7, lr;
	s5 =	simm.s32 $0xFFFFFFFF;
	p2 =	slt.u32 s8, $0xFFFFF086  }
0x1c: {  	p1 =	slt.u32 s9, $0xF7A;
	s5 =	simm.s32 @!p2 $0x0  }
0x1d: {  	s5 =	simm.s32 @p1 $0x1;
	p0 =	seq.s32 s7, s2  }
0x1e: {  	s7 =	smul.u32 @!p0 $0xF7A, s2;
	p2 =	seq.s32 @!p0 s5, $0x0  }
0x1f: {  	s9 =	smul.u32 $0xF7A, s1;
	s8 =	simm.s32 @!p0 $0x1BF5;
	p2 =	por !p2, p0  }
0x20: {  	[sflag:s8] =	ssyncset.s32 @!p0 $0xFFFFF086;
	s6 =	sadd.s32 @!p0 s3, s7;
	s7 =	simm.s32 @!p0 $0x108  }
0x21: {  	s3 =	sadd.s32 s3, s9;
	s6 =	sadd.s32 @!p0 $0x88, s6;
	s7 =	simm.s32 @p2 $0x1082  }
0x22: {  	[simem:s7], [sflag:s8] =	dma.local @!p0 [hbm:s6], $0xF7A  }
0x23: {  	s9 =	sor.u32 $0xD0000000, s2;
	s6 =	simm.s32 $0x108;
	_ =	swait.ge @!p0 [sflag:s8], $0x0  }
0x24: {  	s3 =	sadd.s32 $0x88, s3;
	s6 =	simm.s32 @!p1 $0x1082;
	[sflag:s4] =	ssyncset.s32 $0xFFFFF086  }
0x25: {  	[simem:s6], [sflag:s4] =	dma.local [hbm:s3], $0xF7A  }
0x26: {  	[smem:$0x3F98] =	sst s1;
	(tag) =	ssettag s2;
	_ =	strace s9  }
0x27: {  	s1 =	sld [smem:$0x3FA8]  }
0x28: {  	s2 =	sld [smem:$0x3FA9]  }
0x29: {  	s4 =	sld [smem:$0x3FAB]  }
0x2a: {  	p0 =	seq.s32 s5, $0x0;
	s5 =	sld [smem:$0x3FAC]  }
0x2b: {  	s6 =	sld [smem:$0x3FAD]  }
0x2c: {  	s7 =	sld [smem:$0x3FAE]  }
0x2d: {  	s3 =	simm.s32 $0x108;
	s8 =	sld [smem:$0x3FAF]  }
0x2e: {  	s3 =	simm.s32 @!p0 $0x1082;
	s9 =	sld [smem:$0x3FB0]  }
0x2f: {  	lr =	sadd.s32 s0, s3;
	s0 =	sld [smem:$0x3FA7]  }
0x30: {  	s3 =	sld [smem:$0x3FAA]  }
0x31: {  	[smem:$0x3FB3] =	sst s10  }
0x32: {  	s10 =	sld [smem:$0x3FB1];
	_ =	sdelay $0x3  }
0x33: {  	p0 =	seq.s32 s10, $0x1;
	s10 =	sld [smem:$0x3FB3];
	_ =	sdelay $0x3  }
0x34: {  	[smem:$0x3FB3] =	sst s10  }
0x35: {  	s10 =	sld [smem:$0x3FB2];
	_ =	sdelay $0x3  }
0x36: {  	p1 =	seq.s32 s10, $0x1;
	s10 =	sld [smem:$0x3FB3];
	_ =	sdelay $0x3  }
0x37: {  	[smem:$0x3FB3] =	sst s10  }
0x38: {  	s10 =	sld [smem:$0x3FB4]  }
0x39: {  	_ = 	snop;
	(pc) =	sbr.ind lr, $3  }
0x3a: {  	_ = 	snop  }
0x3b: {  	_ = 	snop  }
0x3c: {  	p2 =	seq.s32 s10, $0x1;
	s10 =	sld [smem:$0x3FB3]  }
0x3d: {  	_ =	shalt  }
0x3e: {  	_ =	shalt  }
0x3f: {  	_ =	shalt  }
0x40: {  	_ =	shalt  }
0x41: {  	_ =	shalt  }
0x42: {  	_ =	shalt  }
0x43: {  	_ =	shalt  }
0x44: {  	_ =	shalt  }
0x45: {  	_ =	shalt  }
0x46: {  	_ =	shalt  }
0x47: {  	_ =	shalt  }
0x48: {  	_ =	shalt  }
0x49: {  	_ =	shalt  }
0x4a: {  	_ =	shalt  }
0x4b: {  	_ =	shalt  }
0x4c: {  	_ =	shalt  }
0x4d: {  	_ =	shalt  }
0x4e: {  	_ =	shalt  }
0x4f: {  	_ =	shalt  }
0x50: {  	_ =	shalt  }
0x51: {  	_ =	shalt  }
0x52: {  	_ =	shalt  }
0x53: {  	_ =	shalt  }
0x54: {  	_ =	shalt  }
0x55: {  	_ =	shalt  }
0x56: {  	_ =	shalt  }
0x57: {  	_ =	shalt  }
0x58: {  	_ =	shalt  }
0x59: {  	_ =	shalt  }
0x5a: {  	_ =	shalt  }
0x5b: {  	_ =	shalt  }
0x5c: {  	_ =	shalt  }
0x5d: {  	_ =	shalt  }
0x5e: {  	_ =	shalt  }
0x5f: {  	_ =	shalt  }
0x60: {  	_ =	shalt  }
0x61: {  	_ =	shalt  }
0x62: {  	_ =	shalt  }
0x63: {  	_ =	shalt  }
0x64: {  	_ =	shalt  }
0x65: {  	_ =	shalt  }
0x66: {  	_ =	shalt  }
0x67: {  	_ =	shalt  }
0x68: {  	_ =	shalt  }
0x69: {  	_ =	shalt  }
0x6a: {  	_ =	shalt  }
0x6b: {  	_ =	shalt  }
0x6c: {  	_ =	shalt  }
0x6d: {  	_ =	shalt  }
0x6e: {  	_ =	shalt  }
0x6f: {  	_ =	shalt  }
0x70: {  	_ =	shalt  }
0x71: {  	_ =	shalt  }
0x72: {  	_ =	shalt  }
0x73: {  	_ =	shalt  }
0x74: {  	_ =	shalt  }
0x75: {  	_ =	shalt  }
0x76: {  	_ =	shalt  }
0x77: {  	_ =	shalt  }
0x78: {  	_ =	shalt  }
0x79: {  	_ =	shalt  }
0x7a: {  	_ =	shalt  }
0x7b: {  	_ =	shalt  }
0x7c: {  	_ =	shalt  }
0x7d: {  	_ =	shalt  }
0x7e: {  	_ =	shalt  }
0x7f: {  	_ =	shalt  }
0x80: {  	_ =	shalt  }
0x81: {  	_ =	shalt  }
0x82: {  	_ =	shalt  }
0x83: {  	_ =	shalt  }
0x84: {  	_ =	shalt  }
0x85: {  	_ =	shalt  }
0x86: {  	_ =	shalt  }
0x87: {  	_ =	shalt  }
.Lfunc_end0:
.L_simem_size_0:
called_computation.2_lowered:
.L_overlay_start_0:
0x88: {  	s2 =	sld [smem:$0x3FD9]  }
0x89: {  	s3 =	sld [smem:$0x3FFE];
	_ =	sdelay $0x1  }
0x8a: {  	s1 =	srdreg.scid  }
0x8b: {  	s0 =	sand.u32 $0x1, s1  }
0x8c: {  	s16 =	sshll.u32 s0, $0xA;
	s2 =	sadd.s32 s3, s2  }
0x8d: {  	s2 =	sadd.s32 s2, s16  }
0x8e: {  	[smem:$0x3FBF] =	sst s2  }
0x8f: {  	_ = 	snop  }
0x90: {  	(tm) =	ssettm $0x1  }
0x91: {  	s17 =	sld [smem:$0x3FFB];
	_ =	sdelay $0x3  }
0x92: {  	_ =	strace s17  }
0x93: {  	s2 =	sld [smem:$0x3FFC];
	_ =	sdelay $0x3  }
0x94: {  	_ =	strace s2  }
0x95: {  	s2 =	sld [smem:$0x3FFD];
	_ =	sdelay $0x3  }
0x96: {  	_ =	strace s2  }
0x97: {  	_ =	strace $0x8FFFFFFF  }
0x98: {  	s18 =	sld [smem:$0x3FDB];
	_ =	sdelay $0x1  }
0x99: {  	s19 =	simm.s32 $_scs_section_size  }
0x9a: {  	s4 =	simm.s32 $_size__tile_overlayer_lowered;
	s5 =	simm.s32 $_tile_overlayer_lowered  }
0x9b: {  	s22 =	simm.s32 $0x1BFF;
	s21 =	sshll.u32 s5, $0x1;
	s2 =	sadd.s32 s19, s18  }
0x9c: {  	s6 =	simm.s32 $0x0;
	s20 =	sshll.u32 s4, $0x1;
	s4 =	sadd.s32 s21, s2  }
0x9d: {  	[timem:s6], [sflag:s22] =	dma.local [hbm:s4], s20  }
0x9e: {  	_ =	swait.ge [sflag:s22], s20  }
0x9f: {  	s3 =	ssub.s32 $0x0, s20;
	[sflag:s22] =	ssyncset.done $0x0  }
0xa0: {  	[sflag:s22] =	ssyncadd.s32 s3;
	_ =	sdelay $0x1  }
0xa1: {  	s23 =	simm.s32 $0x1B8B  }
0xa2: {  	_ =	swait.ge [sflag:s23], $0x1  }
0xa3: {  	[sflag:s23] =	ssyncset.done $0x0  }
0xa4: {  	s25 =	simm.s32 $0x1B8E;
	s24 =	sld [smem:$0x3FFE];
	[sflag:s23] =	ssyncadd.s32 $0xFFFFFFFF  }
0xa5: {  	s26 =	simm.s32 $execute0_lowered;
	[smem:$0x3FD2] =	sst s25  }
0xa6: {  	s4 =	sshll.u32 s26, $0x1;
	_ =	strace $0x8000004C;
	[dreg:$0x1] =	wrdreg $0xFFFFFFFF  }
0xa7: {  	s28 =	simm.s32 $_size_execute0_lowered;
	s2 =	sadd.s32 s2, s4;
	[dreg:$0x0] =	wrdreg $0x0  }
0xa8: {  	s4 =	sshll.u32 s28, $0x1;
	[dreg:$0x2] =	wrdreg s2  }
0xa9: {  	[dreg:$0x3] =	wrdreg s4  }
0xaa: {  	[dreg:$0x4] =	wrdreg $0xC0  }
0xab: {  	_ =	task [dreg:s6], $0x5FFFF  }
0xac: {  	[dreg:$0x1] =	wrdreg $0xFFFFFFFF  }
0xad: {  	[dreg:$0x0] =	wrdreg $0x60  }
0xae: {  	[dreg:$0x2] =	wrdreg s24  }
0xaf: {  	[dreg:$0x3] =	wrdreg $0x14F000  }
0xb0: {  	[dreg:$0x4] =	wrdreg $0x9  }
0xb1: {  	_ =	task.clear_ibuf [dreg:s6], $0x5FFFF;
	_ =	strace $0x9000004C  }
0xb2: {  	s29 =	simm.s32 $0x9;
	_ =	strace $0x8000004E  }
0xb3: {  	_ =	swait.ge [sflag:s29], $0x1  }
0xb4: {  	[sflag:s29] =	ssyncadd.s32 $0xFFFFFFFF  }
0xb5: {  	_ =	strace $0x9000004E  }
0xb6: {  	_ =	sfence  }
0xb7: {  	s30 =	sld [smem:$0x0];
	_ =	sdelay $0x2  }
0xb8: {  	s31 =	sshll.u32 s1, $0xD;
	s1 =	sshrl.u32 s1, $0x2  }
0xb9: {  	s3 =	sand.u32 $0x4000, s31;
	s1 =	sadd.s32 s1, s30  }
0xba: {  	s0 =	sor.u32 s3, s0;
	s1 =	sshll.u32 s1, $0x11  }
0xbb: {  	s0 =	sor.u32 s1, s0  }
0xbc: {  	s0 =	sadd.s32 $0x8F2B, s0  }
0xbd: {  	[sflag:s0] =	ssyncadd.remote.s32 $0x1  }
0xbe: {  	_ =	sfence.sel $0xFFFF  }
0xbf: {  	[dreg:$0x0] =	wrdreg $0xFFFFFFFF;
	(pc) =	sbr.abs _section_cstart, $3  }
0xc0: {  	[dreg:$0x1] =	wrdreg $0xFFFFFFFF  }
0xc1: {  	_ =	task.clear_ibuf [dreg:s6], $0x2FFFF;
	_ =	strace $0x9FFFFFFF  }
0xc2: {  	(tm) =	ssettm $0x7FFFFFFF  }
0xc3: {  	_ =	shalt  }
tec
execute0_lowered:
.L_overlay_start_1:
0x0: {  	(tag) =	ssettag $0x1  }
0x1: {  	s0 =	rddreg [dreg:$0x0]  }
0x2: {  	s1 =	rddreg [dreg:$0x1]  }
0x3: {  	s2 =	simm.s32 $0x0;
	s3 =	srdreg.scid;
	s11 =	stileid.u32  }
0x4: {  	s29 =	simm.s32 $0x80;
	s30 =	simm.s32 $0x4F00;
	s28 =	simm.s32 $0xCF00  }
0x5: {  	s31 =	simm.s32 $0x1;
	[smem:$0x7FF] =	sst s2;
	s3 =	sand.u32 $0x1, s3  }
0x6: {  	s6 =	smul.u32 $0x28000, s11;
	s10 =	sadd.s32 $0x3000, s0;
	s24 =	sshll.u32 s11, $0x4  }
0x7: {  	s26 =	smul.u32 $0xA000, s11;
	_ =	strace $0x8000004D;
	s4 =	sshll.u32 s3, $0x4  }
0x8: {  	s5 =	ssub.s32 $0x2, s3;
	s25 =	sadd.s32 s24, s10;
	s3 =	smul.u32 $0xA0000, s3  }
0x9: {  	s7 =	sor.u32 s11, s4;
	s4 =	sadd.s32 $0x16A00, s0;
	s8 =	sshrl.u32 s5, $0x1  }
0xa: {  	s0 =	sadd.s32 $0x2AA00, s0;
	s6 =	sshrl.u32 s6, $0x2;
	s13 =	sadd.s32 $0x9C00, s25  }
0xb: {  	s14 =	sadd.s32 s26, s1;
	s16 =	sadd.s32 $0x2000, s26;
	s22 =	sadd.s32 $0x4000, s26  }
0xc: {  	s24 =	sadd.s32 $0x6000, s26;
	s9 =	smul.u32 $0x2700, s7;
	s5 =	ssub.s32 s5, s8  }
0xd: {  	s6 =	sadd.s32 s6, s1;
	[dreg:$0x5] =	wrdreg s13;
	s8 =	sadd.s32 $0x13840, s25  }
0xe: {  	[dreg:$0x7] =	wrdreg s14;
	s18 =	sadd.s32 s3, s26;
	s19 =	sadd.s32 s3, s16  }
0xf: {  	s25 =	sadd.s32 s3, s24;
	[dreg:$0x6] =	wrdreg s8;
	s5 =	smax.u32 s5, $0x1  }
0x10: {  	p0 =	sgt.u32 s7, $0x3;
	s15 =	sadd.s32 $0x2000, s6;
	[dreg:$0x8] =	wrdreg s5  }
0x11: {  	s7 =	simm.s32 $0x3;
	s17 =	sadd.s32 $0x4000, s6;
	[dreg:$0x9] =	wrdreg s15  }
0x12: {  	s20 =	sadd.s32 $0x6000, s6;
	s8 =	sshrl.u32 s18, $0x3;
	[dreg:$0xa] =	wrdreg s17  }
0x13: {  	s23 =	sshrl.u32 s9, $0x3;
	[dreg:$0xb] =	wrdreg s20;
	s8 =	sadd.s32 s0, s8  }
0x14: {  	s9 =	sadd.s32 $0x8000, s26;
	s26 =	sshrl.u32 s25, $0x3;
	s20 =	sadd.s32 $0x8000, s6  }
0x15: {  	s25 =	simm.s32 $0x12F00;
	s12 =	sadd.s32 s10, s23;
	s10 =	sshrl.u32 s19, $0x3  }
0x16: {  	[dreg:$0xc] =	wrdreg s8;
	s23 =	sadd.s32 s3, s22;
	s3 =	sadd.s32 s3, s9  }
0x17: {  	s22 =	sadd.s32 s22, s1;
	s8 =	simm.s32 $0x5;
	[dreg:$0x3] =	wrdreg s12  }
0x18: {  	s12 =	sadd.s32 $0x9C40, s12;
	s21 =	sadd.s32 s0, s10;
	s10 =	sshrl.u32 s23, $0x3  }
0x19: {  	s3 =	sshrl.u32 s3, $0x3;
	s23 =	sadd.s32 s24, s1;
	s24 =	sadd.s32 s9, s1  }
.Ltmp0:
0x1a: {  	s9 =	simm.s32 $0x6;
	[dreg:$0x4] =	wrdreg s12;
	(pc) =	sbr.rel .LBB2_1-.Ltmp0, $4  }
0x1b: {  	[dreg:$0xd] =	wrdreg s21;
	s10 =	sadd.s32 s0, s10;
	s21 =	sadd.s32 s16, s1  }
0x1c: {  	[dreg:$0xe] =	wrdreg s10;
	s10 =	sadd.s32 s0, s26;
	s0 =	sadd.s32 s0, s3  }
0x1d: {  	s26 =	simm.s32 $0x8;
	s3 =	simm.s32 $0x8F00;
	[dreg:$0xf] =	wrdreg s10  }
0x1e: {  	v0 =	vimm.f32 $0.0e+00;
	[dreg:$0x10] =	wrdreg s0;
	s0 =	simm.s32 $0xEF00;
	s10 =	simm.s32 $0x0  }
.LBB2_6:
0x1f: {  	_ =	swait.ge [sflag:s9], $0x2000  }
0x20: {  	[sflag:s9] =	ssyncset.done $0x0  }
0x21: {  	[sflag:s9] =	ssyncadd.s32 $0xFFFFE000  }
0x22: {  	[spmem:s1] =	stream.indirect.scatter.add.f32 [tilespmem:s0], [sflag:$0x8], $0x40, s12, s29, $0xb8;
	[tilespmem:$0x1EF00] =	vst v63  }
0x23: {  	_ =	swait.ge [sflag:s26], $0x2000  }
0x24: {  	[sflag:s26] =	ssyncset.done $0x0  }
0x25: {  	s5 =	simm.s32 @!p0 $0x7;
	[sflag:s26] =	ssyncadd.s32 $0xFFFFE000  }
0x26: {  	_ =	swait.ge @!p0 [sflag:s5], $0x2000  }
0x27: {  	s11 =	simm.s32 @!p0 $0x4E80;
	[sflag:s5] =	ssyncset.done @!p0 $0x0  }
0x28: {  	s12 =	simm.s32 @!p0 $0x10F00;
	[sflag:s5] =	ssyncadd.s32 @!p0 $0xFFFFE000;
	s5 =	simm.s32 @!p0 $0x80  }
0x29: {  	[spmem:s1] =	stream.indirect.scatter.add.f32 @!p0 [tilespmem:s12], [sflag:$0x8], $0x40, s11, s5, $0xb8;
	[tilespmem:$0x1EF00] =	vst v63  }
0x2a: {  	s5 =	simm.s32 @!p0 $0x8  }
0x2b: {  	_ =	swait.ge @!p0 [sflag:s5], $0x2000  }
0x2c: {  	[sflag:s5] =	ssyncset.done @!p0 $0x0  }
0x2d: {  	[sflag:s5] =	ssyncadd.s32 @!p0 $0xFFFFE000  }
0x2e: {  	[bflag:$0x0] =	sbarrier.arrive $0xFFFF  }
0x2f: {  	s13 =	rddreg [dreg:$0x7]  }
0x30: {  	[tilespmem:s25], [sflag:$0x8] =	stream.linear.gather [spmem:s13], $0x2000, $0x38;
	[tilespmem:$0x1EF00] =	vst v63  }
0x31: {  	_ =	swait.ge [sflag:s26], $0x2000  }
0x32: {  	[sflag:s26] =	ssyncset.done $0x0  }
0x33: {  	s14 =	rddreg [dreg:$0xc];
	[sflag:s26] =	ssyncadd.s32 $0xFFFFE000  }
0x34: {  	[hbm4b:s14+s2] =	stream.linear.scatter [tilespmem:s25], [sflag:$0x8], $0x2000, $0x38;
	[tilespmem:$0x1EF00] =	vst v63  }
0x35: {  	_ =	swait.ge [sflag:s26], $0x2000  }
0x36: {  	[sflag:s26] =	ssyncset.done $0x0  }
0x37: {  	[sflag:s26] =	ssyncadd.s32 $0xFFFFE000  }
0x38: {  	[tilespmem:s25], [sflag:$0x8] =	stream.linear.gather [spmem:s21], $0x2000, $0x38;
	[tilespmem:$0x1EF00] =	vst v63  }
0x39: {  	_ =	swait.ge [sflag:s26], $0x2000  }
0x3a: {  	[sflag:s26] =	ssyncset.done $0x0  }
0x3b: {  	s15 =	rddreg [dreg:$0xd];
	[sflag:s26] =	ssyncadd.s32 $0xFFFFE000  }
0x3c: {  	[hbm4b:s15+s2] =	stream.linear.scatter [tilespmem:s25], [sflag:$0x8], $0x2000, $0x38;
	[tilespmem:$0x1EF00] =	vst v63  }
0x3d: {  	_ =	swait.ge [sflag:s26], $0x2000  }
0x3e: {  	[sflag:s26] =	ssyncset.done $0x0  }
0x3f: {  	[sflag:s26] =	ssyncadd.s32 $0xFFFFE000  }
0x40: {  	[tilespmem:s25], [sflag:$0x8] =	stream.linear.gather [spmem:s22], $0x2000, $0x38;
	[tilespmem:$0x1EF00] =	vst v63  }
0x41: {  	_ =	swait.ge [sflag:s26], $0x2000  }
0x42: {  	[sflag:s26] =	ssyncset.done $0x0  }
0x43: {  	s16 =	rddreg [dreg:$0xe];
	[sflag:s26] =	ssyncadd.s32 $0xFFFFE000  }
0x44: {  	[hbm4b:s16+s2] =	stream.linear.scatter [tilespmem:s25], [sflag:$0x8], $0x2000, $0x38;
	[tilespmem:$0x1EF00] =	vst v63  }
0x45: {  	_ =	swait.ge [sflag:s26], $0x2000  }
0x46: {  	[sflag:s26] =	ssyncset.done $0x0  }
0x47: {  	[sflag:s26] =	ssyncadd.s32 $0xFFFFE000  }
0x48: {  	[tilespmem:s25], [sflag:$0x8] =	stream.linear.gather [spmem:s23], $0x2000, $0x38;
	[tilespmem:$0x1EF00] =	vst v63  }
0x49: {  	_ =	swait.ge [sflag:s26], $0x2000  }
0x4a: {  	[sflag:s26] =	ssyncset.done $0x0  }
0x4b: {  	s17 =	rddreg [dreg:$0xf];
	[sflag:s26] =	ssyncadd.s32 $0xFFFFE000  }
0x4c: {  	[hbm4b:s17+s2] =	stream.linear.scatter [tilespmem:s25], [sflag:$0x8], $0x2000, $0x38;
	[tilespmem:$0x1EF00] =	vst v63  }
0x4d: {  	_ =	swait.ge [sflag:s26], $0x2000  }
0x4e: {  	[sflag:s26] =	ssyncset.done $0x0  }
0x4f: {  	[sflag:s26] =	ssyncadd.s32 $0xFFFFE000  }
0x50: {  	[tilespmem:s25], [sflag:$0x8] =	stream.linear.gather [spmem:s24], $0x2000, $0x38;
	[tilespmem:$0x1EF00] =	vst v63  }
0x51: {  	_ =	swait.ge [sflag:s26], $0x2000  }
0x52: {  	[sflag:s26] =	ssyncset.done $0x0  }
0x53: {  	s18 =	rddreg [dreg:$0x10];
	[sflag:s26] =	ssyncadd.s32 $0xFFFFE000  }
0x54: {  	[hbm4b:s18+s2] =	stream.linear.scatter [tilespmem:s25], [sflag:$0x8], $0x2000, $0x38;
	[tilespmem:$0x1EF00] =	vst v63  }
0x55: {  	_ =	swait.ge [sflag:s26], $0x2000  }
0x56: {  	s10 =	sadd.s32 $0x1, s10;
	s19 =	rddreg [dreg:$0x8]  }
0x57: {  	p1 =	sne.s32 s10, s19  }
.Ltmp1:
0x58: {  	_ = 	snop;
	(pc) =	sbr.rel @!p1 .LBB2_7-.Ltmp1, $3  }
0x59: {  	_ =	sdelay $0x1  }
0x5a: {  	[sflag:s26] =	ssyncset.done $0x0  }
0x5b: {  	[sflag:s26] =	ssyncadd.s32 $0xFFFFE000  }
.LBB2_1:
0x5c: {  	s11 =	simm.s32 $0x100;
	s5 =	simm.s32 $0x0  }
.LBB2_2:
0x5d: {  	p1 =	sne.s32 s11, $0x7F00;
	[tilespmem:s5+$0x12F30] =	vst v0;
	s12 =	smov.u32 s11;
	s11 =	sadd.s32 $0x100, s11  }
.Ltmp2:
0x5e: {  	[tilespmem:s5+$0x12F20] =	vst v0;
	(pc) =	sbr.rel @p1 .LBB2_2-.Ltmp2, $3  }
0x5f: {  	[tilespmem:s5+$0x12F00] =	vst v0  }
0x60: {  	[tilespmem:s5+$0x12F10] =	vst v0;
	_ =	sdelay $0x1  }
0x61: {  	s5 =	sshra.s32 s12, $0x2  }
0x62: {  	[tilespmem:s5+$0x12F30] =	vst v0  }
0x63: {  	[tilespmem:s5+$0x12F20] =	vst v0  }
0x64: {  	[tilespmem:s5+$0x12F00] =	vst v0  }
0x65: {  	[tilespmem:s5+$0x12F10] =	vst v0  }
0x66: {  	[spmem:s6] =	stream.linear.scatter [tilespmem:s25], [sflag:$0x8], $0x2000, $0x38;
	[tilespmem:$0x1EF00] =	vst v63  }
0x67: {  	_ =	swait.ge [sflag:s26], $0x2000  }
0x68: {  	[sflag:s26] =	ssyncset.done $0x0  }
0x69: {  	s18 =	rddreg [dreg:$0x9];
	[sflag:s26] =	ssyncadd.s32 $0xFFFFE000  }
0x6a: {  	[spmem:s18] =	stream.linear.scatter [tilespmem:s25], [sflag:$0x8], $0x2000, $0x38;
	[tilespmem:$0x1EF00] =	vst v63  }
0x6b: {  	_ =	swait.ge [sflag:s26], $0x2000  }
0x6c: {  	[sflag:s26] =	ssyncset.done $0x0  }
0x6d: {  	s19 =	rddreg [dreg:$0xa];
	[sflag:s26] =	ssyncadd.s32 $0xFFFFE000  }
0x6e: {  	[spmem:s19] =	stream.linear.scatter [tilespmem:s25], [sflag:$0x8], $0x2000, $0x38;
	[tilespmem:$0x1EF00] =	vst v63  }
0x6f: {  	_ =	swait.ge [sflag:s26], $0x2000  }
0x70: {  	[sflag:s26] =	ssyncset.done $0x0  }
0x71: {  	s11 =	rddreg [dreg:$0xb];
	[sflag:s26] =	ssyncadd.s32 $0xFFFFE000  }
0x72: {  	[spmem:s11] =	stream.linear.scatter [tilespmem:s25], [sflag:$0x8], $0x2000, $0x38;
	[tilespmem:$0x1EF00] =	vst v63  }
0x73: {  	_ =	swait.ge [sflag:s26], $0x2000  }
0x74: {  	[sflag:s26] =	ssyncset.done $0x0  }
0x75: {  	[sflag:s26] =	ssyncadd.s32 $0xFFFFE000  }
0x76: {  	[spmem:s20] =	stream.linear.scatter [tilespmem:s25], [sflag:$0x8], $0x2000, $0x38;
	[tilespmem:$0x1EF00] =	vst v63  }
0x77: {  	_ =	swait.ge [sflag:s26], $0x2000  }
0x78: {  	[sflag:s26] =	ssyncset.done $0x0  }
0x79: {  	s12 =	rddreg [dreg:$0x3];
	[sflag:s26] =	ssyncadd.s32 $0xFFFFE000  }
0x7a: {  	[tilespmem:s2], [sflag:$0x8] =	stream.linear.gather [hbm4b:s12+s2], $0x2700, $0x38;
	[tilespmem:$0x1EF00] =	vst v63  }
0x7b: {  	_ =	swait.ge [sflag:s26], $0x2700  }
0x7c: {  	[sflag:s26] =	ssyncset.done $0x0  }
0x7d: {  	s11 =	simm.s32 $0x2700;
	s13 =	rddreg [dreg:$0x4];
	[sflag:s26] =	ssyncadd.s32 $0xFFFFD900  }
0x7e: {  	[tilespmem:s11], [sflag:$0x8] =	stream.linear.gather [hbm4b:s13+s2], $0x2700, $0x38;
	[tilespmem:$0x1EF00] =	vst v63  }
0x7f: {  	_ =	swait.ge [sflag:s26], $0x2700  }
0x80: {  	s5 =	simm.s32 @!p0 $0x0;
	[sflag:s26] =	ssyncset.done $0x0  }
0x81: {  	s11 =	simm.s32 @!p0 $0x4E00;
	s12 =	rddreg [dreg:$0x5];
	[sflag:s26] =	ssyncadd.s32 $0xFFFFD900  }
0x82: {  	[tilespmem:s11], [sflag:$0x8] =	stream.linear.gather @!p0 [hbm4b:s12+s5], $0x80, $0x38;
	[tilespmem:$0x1EF00] =	vst v63  }
0x83: {  	s12 =	simm.s32 @!p0 $0x8  }
0x84: {  	_ =	swait.ge @!p0 [sflag:s12], $0x80  }
0x85: {  	[sflag:s12] =	ssyncset.done @!p0 $0x0  }
0x86: {  	s13 =	simm.s32 @!p0 $0x4E80;
	s14 =	rddreg [dreg:$0x6];
	[sflag:s12] =	ssyncadd.s32 @!p0 $0xFFFFFF80  }
0x87: {  	[tilespmem:s13], [sflag:$0x8] =	stream.linear.gather @!p0 [hbm4b:s14+s5], $0x80, $0x38;
	[tilespmem:$0x1EF00] =	vst v63  }
0x88: {  	_ =	swait.ge @!p0 [sflag:s12], $0x80  }
0x89: {  	[sflag:s12] =	ssyncset.done @!p0 $0x0  }
0x8a: {  	s5 =	simm.s32 @!p0 $0x80;
	[sflag:s12] =	ssyncadd.s32 @!p0 $0xFFFFFF80;
	s12 =	simm.s32 @!p0 $0x10F00  }
0x8b: {  	[tilespmem:s12], [sflag:$0x7] =	stream.indirect.gather @!p0 [hbm4b:s4+s5], $0x40, s11, s5, $0xb8;
	[tilespmem:$0x1EF00] =	vst v63  }
0x8c: {  	s11 =	simm.s32 $0x0  }
0x8d: {  	[tilespmem:s30], [sflag:$0x1] =	stream.indirect.gather [hbm4b:s4+s29], $0x40, s11, s29, $0xb8;
	[tilespmem:$0x1EF00] =	vst v63  }
0x8e: {  	s14 =	simm.s32 $0x6F00  }
0x8f: {  	[tilespmem:s14], [sflag:$0x2] =	stream.indirect.gather [hbm4b:s4+s29], $0x40, s29, s29, $0xb8;
	[tilespmem:$0x1EF00] =	vst v63  }
0x90: {  	s15 =	simm.s32 $0x100  }
0x91: {  	[tilespmem:s3], [sflag:$0x3] =	stream.indirect.gather [hbm4b:s4+s29], $0x40, s15, s29, $0xb8;
	[tilespmem:$0x1EF00] =	vst v63  }
0x92: {  	s16 =	simm.s32 $0x180;
	s17 =	simm.s32 $0xAF00  }
0x93: {  	[tilespmem:s17], [sflag:$0x4] =	stream.indirect.gather [hbm4b:s4+s29], $0x40, s16, s29, $0xb8;
	[tilespmem:$0x1EF00] =	vst v63  }
0x94: {  	s18 =	simm.s32 $0x200  }
0x95: {  	[tilespmem:s28], [sflag:$0x5] =	stream.indirect.gather [hbm4b:s4+s29], $0x40, s18, s29, $0xb8;
	[tilespmem:$0x1EF00] =	vst v63  }
0x96: {  	s19 =	simm.s32 $0x280  }
0x97: {  	[tilespmem:s0], [sflag:$0x6] =	stream.indirect.gather [hbm4b:s4+s29], $0x40, s19, s29, $0xb8;
	[tilespmem:$0x1EF00] =	vst v63  }
0x98: {  	[bflag:$0x0] =	sbarrier.arrive $0xFFFF  }
.LBB2_4:
0x99: {  	_ =	swait.ge [sflag:s31], $0x2000  }
0x9a: {  	s5 =	sshra.s32 s11, $0x2;
	[sflag:s31] =	ssyncset.done $0x0  }
0x9b: {  	s12 =	sadd.s32 $0x2700, s5;
	[sflag:s31] =	ssyncadd.s32 $0xFFFFE000  }
0x9c: {  	[spmem:s1] =	stream.indirect.scatter.add.f32 [tilespmem:s30], [sflag:$0x8], $0x40, s12, s29, $0xb8;
	[tilespmem:$0x1EF00] =	vst v63  }
0x9d: {  	_ =	swait.ge [sflag:s26], $0x2000  }
0x9e: {  	p1 =	seq.s32 s11, $0x9000;
	[sflag:s26] =	ssyncset.done $0x0  }
0x9f: {  	s12 =	simm.s32 @p1 $0x2;
	[sflag:s26] =	ssyncadd.s32 $0xFFFFE000  }
0xa0: {  	_ =	swait.ge @p1 [sflag:s12], $0x2000  }
0xa1: {  	[sflag:s12] =	ssyncset.done @p1 $0x0  }
0xa2: {  	[sflag:s12] =	ssyncadd.s32 @p1 $0xFFFFE000;
	s12 =	sshra.s32 @p1 s11, $0x2  }
0xa3: {  	s14 =	simm.s32 @p1 $0x80;
	s15 =	simm.s32 @p1 $0x6F00;
	s13 =	sadd.s32 @p1 $0x2780, s12  }
0xa4: {  	[spmem:s1] =	stream.indirect.scatter.add.f32 @p1 [tilespmem:s15], [sflag:$0x8], $0x40, s13, s14, $0xb8;
	[tilespmem:$0x1EF00] =	vst v63  }
0xa5: {  	s13 =	simm.s32 @p1 $0x8  }
0xa6: {  	_ =	swait.ge @p1 [sflag:s13], $0x2000  }
0xa7: {  	s17 =	simm.s32 @!p1 $0x80;
	s15 =	sshra.s32 @!p1 s11, $0x2;
	[sflag:s13] =	ssyncset.done @p1 $0x0  }
0xa8: {  	s18 =	simm.s32 @!p1 $0x4F00;
	s16 =	sadd.s32 @!p1 $0x300, s15;
	[sflag:s13] =	ssyncadd.s32 @p1 $0xFFFFE000  }
0xa9: {  	[tilespmem:s18], [sflag:$0x1] =	stream.indirect.gather @!p1 [hbm4b:s4+s17], $0x40, s16, s17, $0xb8;
	[tilespmem:$0x1EF00] =	vst v63  }
0xaa: {  	s16 =	simm.s32 @!p1 $0x2  }
0xab: {  	_ =	swait.ge @!p1 [sflag:s16], $0x2000  }
0xac: {  	[sflag:s16] =	ssyncset.done @!p1 $0x0  }
0xad: {  	s18 =	simm.s32 @!p1 $0x6F00;
	[sflag:s16] =	ssyncadd.s32 @!p1 $0xFFFFE000;
	s16 =	sadd.s32 @!p1 $0x2780, s15  }
0xae: {  	[spmem:s1] =	stream.indirect.scatter.add.f32 @!p1 [tilespmem:s18], [sflag:$0x8], $0x40, s16, s17, $0xb8;
	[tilespmem:$0x1EF00] =	vst v63  }
0xaf: {  	s16 =	simm.s32 @!p1 $0x8  }
0xb0: {  	_ =	swait.ge @!p1 [sflag:s16], $0x2000  }
0xb1: {  	[sflag:s16] =	ssyncset.done @!p1 $0x0  }
0xb2: {  	s19 =	sadd.s32 @!p1 $0x380, s15;
	[sflag:s16] =	ssyncadd.s32 @!p1 $0xFFFFE000  }
0xb3: {  	[tilespmem:s18], [sflag:$0x2] =	stream.indirect.gather @!p1 [hbm4b:s4+s17], $0x40, s19, s17, $0xb8;
	[tilespmem:$0x1EF00] =	vst v63  }
0xb4: {  	_ =	swait.ge [sflag:s7], $0x2000  }
0xb5: {  	[sflag:s7] =	ssyncset.done $0x0  }
0xb6: {  	s19 =	sadd.s32 $0x2800, s5;
	[sflag:s7] =	ssyncadd.s32 $0xFFFFE000  }
0xb7: {  	[spmem:s1] =	stream.indirect.scatter.add.f32 [tilespmem:s3], [sflag:$0x8], $0x40, s19, s29, $0xb8;
	[tilespmem:$0x1EF00] =	vst v63  }
0xb8: {  	_ =	swait.ge [sflag:s26], $0x2000  }
0xb9: {  	[sflag:s26] =	ssyncset.done $0x0  }
0xba: {  	s18 =	simm.s32 @p1 $0x4;
	[sflag:s26] =	ssyncadd.s32 $0xFFFFE000  }
0xbb: {  	_ =	swait.ge @p1 [sflag:s18], $0x2000  }
0xbc: {  	[sflag:s18] =	ssyncset.done @p1 $0x0  }
0xbd: {  	s12 =	sadd.s32 @p1 $0x2880, s12;
	[sflag:s18] =	ssyncadd.s32 @p1 $0xFFFFE000;
	s18 =	simm.s32 @p1 $0xAF00  }
0xbe: {  	[spmem:s1] =	stream.indirect.scatter.add.f32 @p1 [tilespmem:s18], [sflag:$0x8], $0x40, s12, s14, $0xb8;
	[tilespmem:$0x1EF00] =	vst v63  }
0xbf: {  	_ =	swait.ge @p1 [sflag:s13], $0x2000  }
0xc0: {  	[sflag:s13] =	ssyncset.done @p1 $0x0  }
0xc1: {  	s12 =	sadd.s32 @!p1 $0x400, s15;
	[sflag:s13] =	ssyncadd.s32 @p1 $0xFFFFE000;
	s13 =	simm.s32 @!p1 $0x8F00  }
0xc2: {  	[tilespmem:s13], [sflag:$0x3] =	stream.indirect.gather @!p1 [hbm4b:s4+s17], $0x40, s12, s17, $0xb8;
	[tilespmem:$0x1EF00] =	vst v63  }
0xc3: {  	s12 =	simm.s32 @!p1 $0x4  }
0xc4: {  	_ =	swait.ge @!p1 [sflag:s12], $0x2000  }
0xc5: {  	[sflag:s12] =	ssyncset.done @!p1 $0x0  }
0xc6: {  	s13 =	simm.s32 @!p1 $0xAF00;
	[sflag:s12] =	ssyncadd.s32 @!p1 $0xFFFFE000;
	s12 =	sadd.s32 @!p1 $0x2880, s15  }
0xc7: {  	[spmem:s1] =	stream.indirect.scatter.add.f32 @!p1 [tilespmem:s13], [sflag:$0x8], $0x40, s12, s17, $0xb8;
	[tilespmem:$0x1EF00] =	vst v63  }
0xc8: {  	_ =	swait.ge @!p1 [sflag:s16], $0x2000  }
0xc9: {  	[sflag:s16] =	ssyncset.done @!p1 $0x0  }
0xca: {  	s12 =	sadd.s32 @!p1 $0x480, s15;
	[sflag:s16] =	ssyncadd.s32 @!p1 $0xFFFFE000  }
0xcb: {  	[tilespmem:s13], [sflag:$0x4] =	stream.indirect.gather @!p1 [hbm4b:s4+s17], $0x40, s12, s17, $0xb8;
	[tilespmem:$0x1EF00] =	vst v63  }
0xcc: {  	_ =	swait.ge [sflag:s8], $0x2000  }
0xcd: {  	[sflag:s8] =	ssyncset.done $0x0  }
.Ltmp3:
0xce: {  	s19 =	sadd.s32 $0x2900, s5;
	[sflag:s8] =	ssyncadd.s32 $0xFFFFE000;
	(pc) =	sbr.rel @p1 .LBB2_6-.Ltmp3, $4  }
0xcf: {  	[spmem:s1] =	stream.indirect.scatter.add.f32 [tilespmem:s28], [sflag:$0x8], $0x40, s19, s29, $0xb8;
	[tilespmem:$0x1EF00] =	vst v63  }
0xd0: {  	_ =	swait.ge [sflag:s26], $0x2000  }
0xd1: {  	[sflag:s26] =	ssyncset.done $0x0  }
0xd2: {  	s12 =	sadd.s32 $0x2980, s5;
	[sflag:s26] =	ssyncadd.s32 $0xFFFFE000  }
0xd3: {  	s13 =	sadd.s32 $0x500, s5  }
0xd4: {  	[tilespmem:s28], [sflag:$0x5] =	stream.indirect.gather [hbm4b:s4+s29], $0x40, s13, s29, $0xb8;
	[tilespmem:$0x1EF00] =	vst v63  }
0xd5: {  	_ =	swait.ge [sflag:s9], $0x2000  }
0xd6: {  	[sflag:s9] =	ssyncset.done $0x0  }
0xd7: {  	[sflag:s9] =	ssyncadd.s32 $0xFFFFE000  }
0xd8: {  	[spmem:s1] =	stream.indirect.scatter.add.f32 [tilespmem:s0], [sflag:$0x8], $0x40, s12, s29, $0xb8;
	[tilespmem:$0x1EF00] =	vst v63  }
.Ltmp4:
0xd9: {  	_ = 	snop;
	(pc) =	sbr.rel .LBB2_4-.Ltmp4, $4  }
0xda: {  	_ =	swait.ge [sflag:s26], $0x2000  }
0xdb: {  	[sflag:s26] =	ssyncset.done $0x0  }
0xdc: {  	s19 =	sadd.s32 $0x580, s5;
	s11 =	sadd.s32 $0xC00, s11;
	[sflag:s26] =	ssyncadd.s32 $0xFFFFE000  }
0xdd: {  	[tilespmem:s0], [sflag:$0x6] =	stream.indirect.gather [hbm4b:s4+s29], $0x40, s19, s29, $0xb8;
	[tilespmem:$0x1EF00] =	vst v63  }
.LBB2_7:
0xde: {  	_ =	sfence.sel $0x180000  }
0xdf: {  	[bflag:$0x0] =	sbarrier.arrive $0xFFFF  }
0xe0: {  	_ =	strace $0x9000004D  }
0xe1: {  	s0 =	stileid.u32;
	[bflag:$0x2] =	sbarrier.arrive $0xFFFF  }
0xe2: {  	p0 =	sne.s32 s0, $0x0;
	s0 =	rddreg [dreg:$0x2]  }
0xe3: {  	s0 =	sadd.s32 @!p0 $0x100000, s0  }
0xe4: {  	[sflag:s0] =	ssyncadd.tile.s32 @!p0 $0x1;
	_ =	shalt  }
.Lfunc_end2:
_tile_overlayer_lowered:
.L_overlay_start_2:
0xe5: {  	(tag) =	ssettag $0x2  }
0xe6: {  	s0 =	rddreg [dreg:$0x0];
	s2 =	stileid.u32  }
0xe7: {  	s1 =	rddreg [dreg:$0x1];
	p0 =	sne.s32 s2, $0x0  }
0xe8: {  	s3 =	rddreg [dreg:$0x2];
	[bflag:$0x3] =	sbarrier.arrive $0xFFFF;
	s2 =	simm.s32 @!p0 $0x1C08  }
0xe9: {  	[timem:s3], [sflag:s2] =	dma.local @!p0 [hbm:s0], s1  }
0xea: {  	s0 =	simm.s32 @!p0 $0x8  }
0xeb: {  	_ =	swait.ge @!p0 [sflag:s0], s1  }
0xec: {  	s1 =	ssub.s32 @!p0 $0x0, s1;
	[sflag:s0] =	ssyncset.done @!p0 $0x0  }
0xed: {  	[sflag:s0] =	ssyncadd.s32 @!p0 s1  }
0xee: {  	[bflag:$0x3] =	sbarrier.arrive $0xFFFF  }
0xef: {  	_ =	shalt  }

// kernel: kernel.9.cloned.1.call-start
scs
__scs_entry_jumppad:
0x0: {  	(pc) =	sbr.rel $0x88, $3  }
0x1: {  	(tag) =	ssettag $0x0;
	lr =	simm.s32 $0x1  }
0x2: {  	[smem:$0x3F98] =	sst lr;
	_ =	strace $0xD0000000  }
0x3: {  	_ = 	snop  }
0x4: {  	_ = 	snop  }
0x5: {  	_ = 	snop  }
0x6: {  	_ = 	snop  }
0x7: {  	_ = 	snop  }
__scs_overlays_trampoline_lowered:
0x8: {  	[smem:$0x3FA7] =	sst s0  }
0x9: {  	[smem:$0x3FA8] =	sst s1  }
0xa: {  	[smem:$0x3FA9] =	sst s2  }
0xb: {  	[smem:$0x3FAA] =	sst s3  }
0xc: {  	[smem:$0x3FAB] =	sst s4  }
0xd: {  	[smem:$0x3FAC] =	sst s5  }
0xe: {  	[smem:$0x3FAD] =	sst s6  }
0xf: {  	[smem:$0x3FAE] =	sst s7  }
0x10: {  	[smem:$0x3FAF] =	sst s8  }
0x11: {  	[smem:$0x3FB0] =	sst s9;
	s0 =	simm.s32 @!p0 $0x0  }
0x12: {  	s1 =	sld [smem:$0x3F96];
	s0 =	simm.s32 @p0 $0x1  }
0x13: {  	[smem:$0x3FB1] =	sst s0;
	s0 =	simm.s32 @!p1 $0x0  }
0x14: {  	s2 =	sld [smem:$0x3F95];
	s0 =	simm.s32 @p1 $0x1  }
0x15: {  	[smem:$0x3FB2] =	sst s0;
	s0 =	simm.s32 @!p2 $0x0  }
0x16: {  	s3 =	sld [smem:$0x3FDB];
	s0 =	simm.s32 @p2 $0x1  }
0x17: {  	s4 =	simm.s32 $0x1BF5;
	[smem:$0x3FB4] =	sst s0  }
0x18: {  	s0 =	sld [smem:$0x3F97];
	_ =	swait.ge [sflag:s4], $0x0  }
0x19: {  	s7 =	sld [smem:$0x3F98]  }
0x1a: {  	s8 =	sadd.s32 $0xFFFFE003, lr  }
0x1b: {  	s9 =	sadd.s32 $0xFFFFFEF7, lr;
	s5 =	simm.s32 $0xFFFFFFFF;
	p2 =	slt.u32 s8, $0xFFFFF086  }
0x1c: {  	p1 =	slt.u32 s9, $0xF7A;
	s5 =	simm.s32 @!p2 $0x0  }
0x1d: {  	s5 =	simm.s32 @p1 $0x1;
	p0 =	seq.s32 s7, s2  }
0x1e: {  	s7 =	smul.u32 @!p0 $0xF7A, s2;
	p2 =	seq.s32 @!p0 s5, $0x0  }
0x1f: {  	s9 =	smul.u32 $0xF7A, s1;
	s8 =	simm.s32 @!p0 $0x1BF5;
	p2 =	por !p2, p0  }
0x20: {  	[sflag:s8] =	ssyncset.s32 @!p0 $0xFFFFF086;
	s6 =	sadd.s32 @!p0 s3, s7;
	s7 =	simm.s32 @!p0 $0x108  }
0x21: {  	s3 =	sadd.s32 s3, s9;
	s6 =	sadd.s32 @!p0 $0x88, s6;
	s7 =	simm.s32 @p2 $0x1082  }
0x22: {  	[simem:s7], [sflag:s8] =	dma.local @!p0 [hbm:s6], $0xF7A  }
0x23: {  	s9 =	sor.u32 $0xD0000000, s2;
	s6 =	simm.s32 $0x108;
	_ =	swait.ge @!p0 [sflag:s8], $0x0  }
0x24: {  	s3 =	sadd.s32 $0x88, s3;
	s6 =	simm.s32 @!p1 $0x1082;
	[sflag:s4] =	ssyncset.s32 $0xFFFFF086  }
0x25: {  	[simem:s6], [sflag:s4] =	dma.local [hbm:s3], $0xF7A  }
0x26: {  	[smem:$0x3F98] =	sst s1;
	(tag) =	ssettag s2;
	_ =	strace s9  }
0x27: {  	s1 =	sld [smem:$0x3FA8]  }
0x28: {  	s2 =	sld [smem:$0x3FA9]  }
0x29: {  	s4 =	sld [smem:$0x3FAB]  }
0x2a: {  	p0 =	seq.s32 s5, $0x0;
	s5 =	sld [smem:$0x3FAC]  }
0x2b: {  	s6 =	sld [smem:$0x3FAD]  }
0x2c: {  	s7 =	sld [smem:$0x3FAE]  }
0x2d: {  	s3 =	simm.s32 $0x108;
	s8 =	sld [smem:$0x3FAF]  }
0x2e: {  	s3 =	simm.s32 @!p0 $0x1082;
	s9 =	sld [smem:$0x3FB0]  }
0x2f: {  	lr =	sadd.s32 s0, s3;
	s0 =	sld [smem:$0x3FA7]  }
0x30: {  	s3 =	sld [smem:$0x3FAA]  }
0x31: {  	[smem:$0x3FB3] =	sst s10  }
0x32: {  	s10 =	sld [smem:$0x3FB1];
	_ =	sdelay $0x3  }
0x33: {  	p0 =	seq.s32 s10, $0x1;
	s10 =	sld [smem:$0x3FB3];
	_ =	sdelay $0x3  }
0x34: {  	[smem:$0x3FB3] =	sst s10  }
0x35: {  	s10 =	sld [smem:$0x3FB2];
	_ =	sdelay $0x3  }
0x36: {  	p1 =	seq.s32 s10, $0x1;
	s10 =	sld [smem:$0x3FB3];
	_ =	sdelay $0x3  }
0x37: {  	[smem:$0x3FB3] =	sst s10  }
0x38: {  	s10 =	sld [smem:$0x3FB4]  }
0x39: {  	_ = 	snop;
	(pc) =	sbr.ind lr, $3  }
0x3a: {  	_ = 	snop  }
0x3b: {  	_ = 	snop  }
0x3c: {  	p2 =	seq.s32 s10, $0x1;
	s10 =	sld [smem:$0x3FB3]  }
0x3d: {  	_ =	shalt  }
0x3e: {  	_ =	shalt  }
0x3f: {  	_ =	shalt  }
0x40: {  	_ =	shalt  }
0x41: {  	_ =	shalt  }
0x42: {  	_ =	shalt  }
0x43: {  	_ =	shalt  }
0x44: {  	_ =	shalt  }
0x45: {  	_ =	shalt  }
0x46: {  	_ =	shalt  }
0x47: {  	_ =	shalt  }
0x48: {  	_ =	shalt  }
0x49: {  	_ =	shalt  }
0x4a: {  	_ =	shalt  }
0x4b: {  	_ =	shalt  }
0x4c: {  	_ =	shalt  }
0x4d: {  	_ =	shalt  }
0x4e: {  	_ =	shalt  }
0x4f: {  	_ =	shalt  }
0x50: {  	_ =	shalt  }
0x51: {  	_ =	shalt  }
0x52: {  	_ =	shalt  }
0x53: {  	_ =	shalt  }
0x54: {  	_ =	shalt  }
0x55: {  	_ =	shalt  }
0x56: {  	_ =	shalt  }
0x57: {  	_ =	shalt  }
0x58: {  	_ =	shalt  }
0x59: {  	_ =	shalt  }
0x5a: {  	_ =	shalt  }
0x5b: {  	_ =	shalt  }
0x5c: {  	_ =	shalt  }
0x5d: {  	_ =	shalt  }
0x5e: {  	_ =	shalt  }
0x5f: {  	_ =	shalt  }
0x60: {  	_ =	shalt  }
0x61: {  	_ =	shalt  }
0x62: {  	_ =	shalt  }
0x63: {  	_ =	shalt  }
0x64: {  	_ =	shalt  }
0x65: {  	_ =	shalt  }
0x66: {  	_ =	shalt  }
0x67: {  	_ =	shalt  }
0x68: {  	_ =	shalt  }
0x69: {  	_ =	shalt  }
0x6a: {  	_ =	shalt  }
0x6b: {  	_ =	shalt  }
0x6c: {  	_ =	shalt  }
0x6d: {  	_ =	shalt  }
0x6e: {  	_ =	shalt  }
0x6f: {  	_ =	shalt  }
0x70: {  	_ =	shalt  }
0x71: {  	_ =	shalt  }
0x72: {  	_ =	shalt  }
0x73: {  	_ =	shalt  }
0x74: {  	_ =	shalt  }
0x75: {  	_ =	shalt  }
0x76: {  	_ =	shalt  }
0x77: {  	_ =	shalt  }
0x78: {  	_ =	shalt  }
0x79: {  	_ =	shalt  }
0x7a: {  	_ =	shalt  }
0x7b: {  	_ =	shalt  }
0x7c: {  	_ =	shalt  }
0x7d: {  	_ =	shalt  }
0x7e: {  	_ =	shalt  }
0x7f: {  	_ =	shalt  }
0x80: {  	_ =	shalt  }
0x81: {  	_ =	shalt  }
0x82: {  	_ =	shalt  }
0x83: {  	_ =	shalt  }
0x84: {  	_ =	shalt  }
0x85: {  	_ =	shalt  }
0x86: {  	_ =	shalt  }
0x87: {  	_ =	shalt  }
.Lfunc_end0:
.L_simem_size_0:
called_computation_lowered:
.L_overlay_start_0:
0x88: {  	s2 =	sld [smem:$0x3FD9]  }
0x89: {  	s3 =	sld [smem:$0x3FFE];
	_ =	sdelay $0x1  }
0x8a: {  	s1 =	srdreg.scid  }
0x8b: {  	s0 =	sand.u32 $0x1, s1  }
0x8c: {  	s16 =	sshll.u32 s0, $0xA;
	s2 =	sadd.s32 s3, s2  }
0x8d: {  	s2 =	sadd.s32 s2, s16  }
0x8e: {  	[smem:$0x3FBF] =	sst s2  }
0x8f: {  	_ = 	snop  }
0x90: {  	(tm) =	ssettm $0x1  }
0x91: {  	s17 =	sld [smem:$0x3FFB];
	_ =	sdelay $0x3  }
0x92: {  	_ =	strace s17  }
0x93: {  	s2 =	sld [smem:$0x3FFC];
	_ =	sdelay $0x3  }
0x94: {  	_ =	strace s2  }
0x95: {  	s2 =	sld [smem:$0x3FFD];
	_ =	sdelay $0x3  }
0x96: {  	_ =	strace s2  }
0x97: {  	_ =	strace $0x8FFFFFFF  }
0x98: {  	s18 =	sld [smem:$0x3FDB];
	_ =	sdelay $0x1  }
0x99: {  	s19 =	simm.s32 $_scs_section_size  }
0x9a: {  	s4 =	simm.s32 $_size__tile_overlayer_lowered;
	s5 =	simm.s32 $_tile_overlayer_lowered  }
0x9b: {  	s22 =	simm.s32 $0x1BFF;
	s21 =	sshll.u32 s5, $0x1;
	s2 =	sadd.s32 s19, s18  }
0x9c: {  	s6 =	simm.s32 $0x0;
	s20 =	sshll.u32 s4, $0x1;
	s4 =	sadd.s32 s21, s2  }
0x9d: {  	[timem:s6], [sflag:s22] =	dma.local [hbm:s4], s20  }
0x9e: {  	_ =	swait.ge [sflag:s22], s20  }
0x9f: {  	s3 =	ssub.s32 $0x0, s20;
	[sflag:s22] =	ssyncset.done $0x0  }
0xa0: {  	[sflag:s22] =	ssyncadd.s32 s3;
	_ =	sdelay $0x1  }
0xa1: {  	s23 =	simm.s32 $0x1B8B  }
0xa2: {  	_ =	swait.ge [sflag:s23], $0x1  }
0xa3: {  	[sflag:s23] =	ssyncset.done $0x0  }
0xa4: {  	s25 =	simm.s32 $0x1B8E;
	s24 =	sld [smem:$0x3FFE];
	[sflag:s23] =	ssyncadd.s32 $0xFFFFFFFF  }
0xa5: {  	s26 =	simm.s32 $execute0_lowered;
	[smem:$0x3FD2] =	sst s25  }
0xa6: {  	s4 =	sshll.u32 s26, $0x1;
	_ =	strace $0x80000046;
	[dreg:$0x1] =	wrdreg $0xFFFFFFFF  }
0xa7: {  	s28 =	simm.s32 $_size_execute0_lowered;
	s2 =	sadd.s32 s2, s4;
	[dreg:$0x0] =	wrdreg $0x0  }
0xa8: {  	s4 =	sshll.u32 s28, $0x1;
	[dreg:$0x2] =	wrdreg s2  }
0xa9: {  	[dreg:$0x3] =	wrdreg s4  }
0xaa: {  	[dreg:$0x4] =	wrdreg $0xC0  }
0xab: {  	_ =	task [dreg:s6], $0x5FFFF  }
0xac: {  	[dreg:$0x1] =	wrdreg $0xFFFFFFFF  }
0xad: {  	[dreg:$0x0] =	wrdreg $0x60  }
0xae: {  	[dreg:$0x2] =	wrdreg s24  }
0xaf: {  	[dreg:$0x3] =	wrdreg $0x2A800  }
0xb0: {  	[dreg:$0x4] =	wrdreg $0x9  }
0xb1: {  	_ =	task.clear_ibuf [dreg:s6], $0x5FFFF;
	_ =	strace $0x90000046  }
0xb2: {  	s29 =	simm.s32 $0x9;
	_ =	strace $0x80000048  }
0xb3: {  	_ =	swait.ge [sflag:s29], $0x1  }
0xb4: {  	[sflag:s29] =	ssyncadd.s32 $0xFFFFFFFF  }
0xb5: {  	_ =	strace $0x90000048  }
0xb6: {  	_ =	sfence  }
0xb7: {  	s30 =	sld [smem:$0x0];
	_ =	sdelay $0x2  }
0xb8: {  	s31 =	sshll.u32 s1, $0xD;
	s1 =	sshrl.u32 s1, $0x2  }
0xb9: {  	s3 =	sand.u32 $0x4000, s31;
	s1 =	sadd.s32 s1, s30  }
0xba: {  	s0 =	sor.u32 s3, s0;
	s1 =	sshll.u32 s1, $0x11  }
0xbb: {  	s0 =	sor.u32 s1, s0  }
0xbc: {  	s0 =	sadd.s32 $0x8F2B, s0  }
0xbd: {  	[sflag:s0] =	ssyncadd.remote.s32 $0x1  }
0xbe: {  	_ =	sfence.sel $0xFFFF  }
0xbf: {  	[dreg:$0x0] =	wrdreg $0xFFFFFFFF;
	(pc) =	sbr.abs _section_cstart, $3  }
0xc0: {  	[dreg:$0x1] =	wrdreg $0xFFFFFFFF  }
0xc1: {  	_ =	task.clear_ibuf [dreg:s6], $0x2FFFF;
	_ =	strace $0x9FFFFFFF  }
0xc2: {  	(tm) =	ssettm $0x7FFFFFFF  }
0xc3: {  	_ =	shalt  }
tec
execute0_lowered:
.L_overlay_start_1:
0x0: {  	(tag) =	ssettag $0x1  }
0x1: {  	s1 =	srdreg.scid;
	s4 =	rddreg [dreg:$0x0]  }
0x2: {  	s0 =	stileid.u32;
	s2 =	rddreg [dreg:$0x1]  }
0x3: {  	s3 =	simm.s32 $0x0;
	s13 =	simm.s32 $0x1;
	s14 =	simm.s32 $0x0  }
0x4: {  	s5 =	sand.u32 $0x1, s1;
	s6 =	smul.u32 $0x280, s0;
	s1 =	rddreg [dreg:$0x2]  }
0x5: {  	[smem:$0x7FF] =	sst s3;
	s10 =	sadd.s32 $0x3000, s4;
	s11 =	sshll.u32 s0, $0x4  }
0x6: {  	s7 =	smul.u32 $0x2800, s5;
	s8 =	sshll.u32 s5, $0x4;
	_ =	strace $0x80000047  }
0x7: {  	s29 =	ssub.s32 $0x2, s5;
	s31 =	sadd.s32 s11, s10;
	s11 =	simm.s32 $0x80  }
0x8: {  	s9 =	sor.u32 s0, s8;
	s5 =	sshrl.u32 s29, $0x1;
	s7 =	sadd.s32 s6, s7  }
0x9: {  	s8 =	smul.u32 $0x2700, s9;
	s12 =	ssub.s32 s29, s5;
	s7 =	sshrl.u32 s7, $0x3  }
0xa: {  	p0 =	sgt.u32 s9, $0x3;
	s9 =	simm.s32 $0x2800;
	s7 =	sadd.s32 s7, s4  }
0xb: {  	s8 =	sshrl.u32 s8, $0x3;
	s4 =	sadd.s32 s6, s2;
	s6 =	sadd.s32 $0x13840, s31  }
0xc: {  	s30 =	sadd.s32 s10, s8;
	s7 =	sadd.s32 $0x16A00, s7;
	s8 =	smax.u32 s12, $0x1  }
0xd: {  	v0 =	vimm.f32 $0.0e+00;
	v1 =	vimm.f32 $1.000000000e+00;
	s10 =	simm.s32 $0x2;
	s12 =	simm.s32 $0x2780;
	s5 =	sadd.s32 $0x9C40, s30  }
.LBB2_1:
0xe: {  	[tilespmem:$0x2800] =	vst v0  }
0xf: {  	[tilespmem:$0x2810] =	vst v0  }
0x10: {  	[tilespmem:$0x2820] =	vst v0  }
0x11: {  	[tilespmem:$0x2830] =	vst v0  }
0x12: {  	[tilespmem:$0x2840] =	vst v0  }
0x13: {  	[tilespmem:$0x2850] =	vst v0  }
0x14: {  	[tilespmem:$0x2860] =	vst v0  }
0x15: {  	[tilespmem:$0x2870] =	vst v0  }
0x16: {  	[tilespmem:$0x2880] =	vst v0  }
0x17: {  	[tilespmem:$0x2890] =	vst v0  }
0x18: {  	[tilespmem:$0x28A0] =	vst v0  }
0x19: {  	[tilespmem:$0x28B0] =	vst v0  }
0x1a: {  	[tilespmem:$0x28C0] =	vst v0  }
0x1b: {  	[tilespmem:$0x28D0] =	vst v0  }
0x1c: {  	[tilespmem:$0x28E0] =	vst v0  }
0x1d: {  	[tilespmem:$0x28F0] =	vst v0  }
0x1e: {  	[tilespmem:$0x2900] =	vst v0  }
0x1f: {  	[tilespmem:$0x2910] =	vst v0  }
0x20: {  	[tilespmem:$0x2920] =	vst v0  }
0x21: {  	[tilespmem:$0x2930] =	vst v0  }
0x22: {  	[tilespmem:$0x2940] =	vst v0  }
0x23: {  	[tilespmem:$0x2950] =	vst v0  }
0x24: {  	[tilespmem:$0x2960] =	vst v0  }
0x25: {  	[tilespmem:$0x2970] =	vst v0  }
0x26: {  	[tilespmem:$0x2980] =	vst v0  }
0x27: {  	[tilespmem:$0x2990] =	vst v0  }
0x28: {  	[tilespmem:$0x29A0] =	vst v0  }
0x29: {  	[tilespmem:$0x29B0] =	vst v0  }
0x2a: {  	[tilespmem:$0x29C0] =	vst v0  }
0x2b: {  	[tilespmem:$0x29D0] =	vst v0  }
0x2c: {  	[tilespmem:$0x29E0] =	vst v0  }
0x2d: {  	[tilespmem:$0x29F0] =	vst v0  }
0x2e: {  	[tilespmem:$0x2A00] =	vst v0  }
0x2f: {  	[tilespmem:$0x2A10] =	vst v0  }
0x30: {  	[tilespmem:$0x2A20] =	vst v0  }
0x31: {  	[tilespmem:$0x2A30] =	vst v0  }
0x32: {  	[tilespmem:$0x2A40] =	vst v0  }
0x33: {  	[tilespmem:$0x2A50] =	vst v0  }
0x34: {  	[tilespmem:$0x2A60] =	vst v0  }
0x35: {  	[tilespmem:$0x2A70] =	vst v0  }
0x36: {  	[tilespmem:$0x2780] =	vst v1  }
0x37: {  	[tilespmem:$0x2790] =	vst v1  }
0x38: {  	[tilespmem:$0x27A0] =	vst v1  }
0x39: {  	[tilespmem:$0x27B0] =	vst v1  }
0x3a: {  	[tilespmem:$0x27C0] =	vst v1  }
0x3b: {  	[tilespmem:$0x27D0] =	vst v1  }
0x3c: {  	[tilespmem:$0x27E0] =	vst v1  }
0x3d: {  	[tilespmem:$0x27F0] =	vst v1  }
0x3e: {  	[spmem:s4] =	stream.linear.scatter [tilespmem:s9], [sflag:$0x2], $0x280, $0x38;
	[tilespmem:$0x2D00] =	vst v63  }
0x3f: {  	_ =	swait.ge [sflag:s10], $0x280  }
0x40: {  	[sflag:s10] =	ssyncset.done $0x0  }
0x41: {  	[sflag:s10] =	ssyncadd.s32 $0xFFFFFD80  }
0x42: {  	[tilespmem:s3], [sflag:$0x2] =	stream.linear.gather [hbm4b:s5+s3], $0x2700, $0x38;
	[tilespmem:$0x2D00] =	vst v63  }
0x43: {  	_ =	swait.ge [sflag:s10], $0x2700  }
0x44: {  	[sflag:s10] =	ssyncset.done $0x0  }
0x45: {  	s15 =	simm.s32 @!p0 $0x0;
	s16 =	simm.s32 @!p0 $0x2700;
	[sflag:s10] =	ssyncadd.s32 $0xFFFFD900  }
0x46: {  	[tilespmem:s16], [sflag:$0x2] =	stream.linear.gather @!p0 [hbm4b:s6+s15], $0x80, $0x38;
	[tilespmem:$0x2D00] =	vst v63  }
0x47: {  	s15 =	simm.s32 @!p0 $0x2  }
0x48: {  	_ =	swait.ge @!p0 [sflag:s15], $0x80  }
0x49: {  	[sflag:s15] =	ssyncset.done @!p0 $0x0  }
0x4a: {  	p1 =	por $0x1, $0x1;
	[sflag:s15] =	ssyncadd.s32 @!p0 $0xFFFFFF80  }
0x4b: {  	s17 =	simm.s32 @!p1 $0x1;
	[bflag:$0x0] =	sbarrier.arrive $0xFFFF  }
0x4c: {  	[spmem:s2] =	stream.indirect.scatter.add.f32 [tilespmem:s12], [sflag:$0x1], $0x1, s3, s11, $0xb8;
	[tilespmem:$0x2D00] =	vst v63  }
0x4d: {  	_ =	swait.ge @!p1 [sflag:s17], $0x80  }
0x4e: {  	s16 =	simm.s32 $0x0;
	s15 =	simm.s32 $0x1;
	[sflag:s17] =	ssyncset.done @!p1 $0x0  }
.LBB2_2:
0x4f: {  	[sflag:s17] =	ssyncadd.s32 @!p1 $0xFFFFFF80  }
0x50: {  	s16 =	sadd.s32 $0x80, s16;
	s17 =	smov.u32 s15;
	s15 =	sadd.s32 $0x1, s15  }
0x51: {  	p2 =	sne.s32 s15, $0x4E  }
0x52: {  	[spmem:s2] =	stream.indirect.scatter.add.f32 [tilespmem:s12], [sflag:$0x1], $0x1, s16, s11, $0xb8;
	[tilespmem:$0x2D00] =	vst v63  }
.Ltmp0:
0x53: {  	_ = 	snop;
	(pc) =	sbr.rel @p2 .LBB2_2-.Ltmp0, $4  }
0x54: {  	p1 =	slt.u32 s17, $0x8  }
0x55: {  	s17 =	simm.s32 @!p1 $0x1  }
0x56: {  	_ =	swait.ge @!p1 [sflag:s17], $0x80  }
0x57: {  	[sflag:s17] =	ssyncset.done @!p1 $0x0  }
0x58: {  	[sflag:s17] =	ssyncadd.s32 @!p1 $0xFFFFFF80  }
0x59: {  	_ =	swait.ge [sflag:s13], $0x80  }
0x5a: {  	[sflag:s13] =	ssyncset.done $0x0  }
0x5b: {  	[sflag:s13] =	ssyncadd.s32 $0xFFFFFF80  }
0x5c: {  	_ =	swait.ge [sflag:s13], $0x80  }
0x5d: {  	[sflag:s13] =	ssyncset.done $0x0  }
0x5e: {  	[sflag:s13] =	ssyncadd.s32 $0xFFFFFF80  }
0x5f: {  	_ =	swait.ge [sflag:s13], $0x80  }
0x60: {  	[sflag:s13] =	ssyncset.done $0x0  }
0x61: {  	[sflag:s13] =	ssyncadd.s32 $0xFFFFFF80  }
0x62: {  	_ =	swait.ge [sflag:s13], $0x80  }
0x63: {  	[sflag:s13] =	ssyncset.done $0x0  }
0x64: {  	[sflag:s13] =	ssyncadd.s32 $0xFFFFFF80  }
0x65: {  	_ =	swait.ge [sflag:s13], $0x80  }
0x66: {  	[sflag:s13] =	ssyncset.done $0x0  }
0x67: {  	[sflag:s13] =	ssyncadd.s32 $0xFFFFFF80  }
0x68: {  	_ =	swait.ge [sflag:s13], $0x80  }
0x69: {  	[sflag:s13] =	ssyncset.done $0x0  }
0x6a: {  	[sflag:s13] =	ssyncadd.s32 $0xFFFFFF80  }
0x6b: {  	_ =	swait.ge [sflag:s13], $0x80  }
0x6c: {  	[sflag:s13] =	ssyncset.done $0x0  }
0x6d: {  	[sflag:s13] =	ssyncadd.s32 $0xFFFFFF80  }
0x6e: {  	_ =	swait.ge [sflag:s13], $0x80  }
0x6f: {  	s15 =	simm.s32 @!p0 $0x80;
	[sflag:s13] =	ssyncset.done $0x0  }
0x70: {  	s16 =	simm.s32 @!p0 $0x2700;
	s17 =	simm.s32 @!p0 $0x2780;
	[sflag:s13] =	ssyncadd.s32 $0xFFFFFF80  }
0x71: {  	[spmem:s2] =	stream.indirect.scatter.add.f32 @!p0 [tilespmem:s17], [sflag:$0x2], $0x1, s16, s15, $0xb8;
	[tilespmem:$0x2D00] =	vst v63  }
0x72: {  	s15 =	simm.s32 @!p0 $0x2  }
0x73: {  	_ =	swait.ge @!p0 [sflag:s15], $0x80  }
0x74: {  	[sflag:s15] =	ssyncset.done @!p0 $0x0  }
0x75: {  	[sflag:s15] =	ssyncadd.s32 @!p0 $0xFFFFFF80  }
0x76: {  	[bflag:$0x0] =	sbarrier.arrive $0xFFFF  }
0x77: {  	[tilespmem:s9], [sflag:$0x2] =	stream.linear.gather [spmem:s4], $0x280, $0x38;
	[tilespmem:$0x2D00] =	vst v63  }
0x78: {  	s14 =	sadd.s32 $0x1, s14;
	_ =	swait.ge [sflag:s10], $0x280  }
0x79: {  	p1 =	sne.s32 s14, s8;
	[sflag:s10] =	ssyncset.done $0x0  }
.Ltmp1:
0x7a: {  	[sflag:s10] =	ssyncadd.s32 $0xFFFFFD80;
	(pc) =	sbr.rel @p1 .LBB2_1-.Ltmp1, $4  }
0x7b: {  	[hbm4b:s7+s3] =	stream.linear.scatter [tilespmem:s9], [sflag:$0x2], $0x280, $0x38;
	[tilespmem:$0x2D00] =	vst v63  }
0x7c: {  	_ =	swait.ge [sflag:s10], $0x280  }
0x7d: {  	[sflag:s10] =	ssyncset.done $0x0  }
0x7e: {  	[sflag:s10] =	ssyncadd.s32 $0xFFFFFD80  }
0x7f: {  	_ =	sfence.sel $0x180000  }
0x80: {  	[bflag:$0x0] =	sbarrier.arrive $0xFFFF  }
0x81: {  	p0 =	sne.s32 s0, $0x0;
	_ =	strace $0x90000047  }
0x82: {  	s0 =	sadd.s32 @!p0 $0x100000, s1;
	[bflag:$0x2] =	sbarrier.arrive $0xFFFF  }
0x83: {  	[sflag:s0] =	ssyncadd.tile.s32 @!p0 $0x1;
	_ =	shalt  }
.Lfunc_end2:
_tile_overlayer_lowered:
.L_overlay_start_2:
0x84: {  	(tag) =	ssettag $0x2  }
0x85: {  	s0 =	rddreg [dreg:$0x0];
	s2 =	stileid.u32  }
0x86: {  	s1 =	rddreg [dreg:$0x1];
	p0 =	sne.s32 s2, $0x0  }
0x87: {  	s3 =	rddreg [dreg:$0x2];
	[bflag:$0x3] =	sbarrier.arrive $0xFFFF;
	s2 =	simm.s32 @!p0 $0x1C02  }
0x88: {  	[timem:s3], [sflag:s2] =	dma.local @!p0 [hbm:s0], s1  }
0x89: {  	s0 =	simm.s32 @!p0 $0x2  }
0x8a: {  	_ =	swait.ge @!p0 [sflag:s0], s1  }
0x8b: {  	s1 =	ssub.s32 @!p0 $0x0, s1;
	[sflag:s0] =	ssyncset.done @!p0 $0x0  }
0x8c: {  	[sflag:s0] =	ssyncadd.s32 @!p0 s1  }
0x8d: {  	[bflag:$0x3] =	sbarrier.arrive $0xFFFF  }
0x8e: {  	_ =	shalt  }

</sc_bundles>
